<compile_context>
chip_gen: v7x
topology: tpu7x:2x2x1
jax: 0.10.2.dev20260603
libtpu: 0.0.44.dev20260713+nightly
codegen_flags: <defaults>
</compile_context>

<pallas_src>
import numpy as np
import jax
import jax.numpy as jnp
from jax import lax
from jax.experimental import pallas as pl
from jax.experimental.pallas import tpu as pltpu

B = 2
L = 2048
D_MODEL = 768
N_HEADS = 12
HD = D_MODEL // N_HEADS
D_FF = 2048
MARK = 4
U = 24
UP = 32
BH = B * N_HEADS
LB = 128
RB = 512
NLB = L // LB
PRED = 1024



def _np_pos_embed(length, d_model):
    pos = np.arange(length, dtype=np.float64)[:, None]
    div = np.exp(np.arange(0, d_model, 2, dtype=np.float64) * -(np.log(10000.0) / d_model))
    pe = np.zeros((length, d_model), dtype=np.float32)
    pe[:, 0::2] = np.sin(pos * div)
    pe[:, 1::2] = np.cos(pos * div)
    return pe


_POS = _np_pos_embed(L, D_MODEL)


def _sample_counts(fold):
    k = jax.random.fold_in(jax.random.key(42), fold)
    idx = np.asarray(jax.random.randint(k, (L, U), 0, L))
    c = np.zeros((L, L), np.float32)
    np.add.at(c, (np.arange(L)[:, None], idx), 1.0)
    d = np.where(c > 0, np.float32(0.0), np.float32(-1e30))
    return c, d


def _build_counts():
    folds = (0, 1, 100, 101)
    try:
        try:
            cpu = jax.local_devices(backend="cpu")[0]
            with jax.default_device(cpu):
                return {f: _sample_counts(f) for f in folds}
        except Exception:
            return {f: _sample_counts(f) for f in folds}
    except Exception:
        return None


_COUNTS = _build_counts()


def _counts_for(fold):
    if _COUNTS is not None:
        c, d = _COUNTS[fold]
        return jnp.asarray(c), jnp.asarray(d)
    k = jax.random.fold_in(jax.random.key(42), fold)
    idx = jax.random.randint(k, (L, U), 0, L)
    c = jnp.zeros((L, L), jnp.float32).at[jnp.arange(L)[:, None], idx].add(1.0)
    return c, jnp.where(c > 0, 0.0, -1e30).astype(jnp.float32)



def _mmt(x, w):
    return lax.dot_general(x, w, (((1,), (1,)), ((), ())),
                           preferred_element_type=jnp.float32)


def _heads_kernel(x_ref, *refs):
    n = (len(refs) - 1) // 2
    o_ref = refs[-1]
    x = x_ref[0]
    for i in range(n):
        o_ref[0, :, i * D_MODEL:(i + 1) * D_MODEL] = (
            _mmt(x, refs[i][...]) + refs[n + i][...])


def _heads_mm(x, ws, bs):
    n = len(ws)
    wspec = pl.BlockSpec((D_MODEL, D_MODEL), lambda i, j: (0, 0))
    bspec = pl.BlockSpec((1, D_MODEL), lambda i, j: (0, 0))
    return pl.pallas_call(
        _heads_kernel,
        grid=(B, L // RB),
        compiler_params=pltpu.CompilerParams(
            dimension_semantics=("parallel", "parallel")),
        in_specs=[pl.BlockSpec((1, RB, D_MODEL), lambda i, j: (i, j, 0))]
                 + [wspec] * n + [bspec] * n,
        out_specs=pl.BlockSpec((1, RB, n * D_MODEL), lambda i, j: (i, j, 0)),
        out_shape=jax.ShapeDtypeStruct((B, L, n * D_MODEL), jnp.float32),
    )(x, *ws, *[b[None, :] for b in bs])


def _embed_kernel(x_ref, w_ref, p_ref, o_ref):
    o_ref[0] = (jnp.dot(x_ref[0], w_ref[...], preferred_element_type=jnp.float32)
                + p_ref[...])


def _embed(xf, w, pos):
    K = xf.shape[-1]
    return pl.pallas_call(
        _embed_kernel,
        grid=(B, L // RB),
        compiler_params=pltpu.CompilerParams(
            dimension_semantics=("parallel", "parallel")),
        in_specs=[
            pl.BlockSpec((1, RB, K), lambda i, j: (i, j, 0)),
            pl.BlockSpec((K, D_MODEL), lambda i, j: (0, 0)),
            pl.BlockSpec((RB, D_MODEL), lambda i, j: (j, 0)),
        ],
        out_specs=pl.BlockSpec((1, RB, D_MODEL), lambda i, j: (i, j, 0)),
        out_shape=jax.ShapeDtypeStruct((B, L, D_MODEL), jnp.float32),
    )(xf, w, pos)


def _ln_rows(y, g, b):
    m = jnp.mean(y, axis=1, keepdims=True)
    v = jnp.mean((y - m) ** 2, axis=1, keepdims=True)
    return (y - m) / jnp.sqrt(v + 1e-5) * g + b


def _out_ln_kernel(x_ref, w_ref, b_ref, r_ref, g_ref, bb_ref, o_ref):
    y = _mmt(x_ref[0], w_ref[...]) + b_ref[...] + r_ref[0]
    o_ref[0] = _ln_rows(y, g_ref[...], bb_ref[...])


def _out_ln(x, w, b, res, g, beta):
    return pl.pallas_call(
        _out_ln_kernel,
        grid=(B, L // RB),
        compiler_params=pltpu.CompilerParams(
            dimension_semantics=("parallel", "parallel")),
        in_specs=[
            pl.BlockSpec((1, RB, D_MODEL), lambda i, j: (i, j, 0)),
            pl.BlockSpec((D_MODEL, D_MODEL), lambda i, j: (0, 0)),
            pl.BlockSpec((1, D_MODEL), lambda i, j: (0, 0)),
            pl.BlockSpec((1, RB, D_MODEL), lambda i, j: (i, j, 0)),
            pl.BlockSpec((1, D_MODEL), lambda i, j: (0, 0)),
            pl.BlockSpec((1, D_MODEL), lambda i, j: (0, 0)),
        ],
        out_specs=pl.BlockSpec((1, RB, D_MODEL), lambda i, j: (i, j, 0)),
        out_shape=jax.ShapeDtypeStruct((B, L, D_MODEL), jnp.float32),
    )(x, w, b, res, g, beta)


def _gelu(h):
    return 0.5 * h * (1.0 + lax.erf(h * np.float32(1.0 / np.sqrt(2.0))))


def _make_ffn_kernel(second_ln):
    def _ffn_kernel(x_ref, w1_ref, b1_ref, w2_ref, b2_ref, g_ref, bb_ref,
                    *rest):
        o_ref = rest[-1]
        x = x_ref[0]
        h = _gelu(_mmt(x, w1_ref[...]) + b1_ref[...])
        y = _mmt(h, w2_ref[...]) + b2_ref[...] + x
        y = _ln_rows(y, g_ref[...], bb_ref[...])
        if second_ln:
            g2_ref, bb2_ref = rest[0], rest[1]
            y = _ln_rows(y, g2_ref[...], bb2_ref[...])
        o_ref[0] = y
    return _ffn_kernel


def _ffn_ln(x, w1, b1, w2, b2, g, beta, g2=None, beta2=None):
    vec = pl.BlockSpec((1, D_MODEL), lambda i, j: (0, 0))
    vf = pl.BlockSpec((1, D_FF), lambda i, j: (0, 0))
    specs = [
        pl.BlockSpec((1, RB, D_MODEL), lambda i, j: (i, j, 0)),
        pl.BlockSpec((D_FF, D_MODEL), lambda i, j: (0, 0)),
        vf,
        pl.BlockSpec((D_MODEL, D_FF), lambda i, j: (0, 0)),
        vec, vec, vec,
    ]
    args = [x, w1, b1, w2, b2, g, beta]
    if g2 is not None:
        specs += [vec, vec]
        args += [g2, beta2]
    return pl.pallas_call(
        _make_ffn_kernel(g2 is not None),
        grid=(B, L // RB),
        compiler_params=pltpu.CompilerParams(
            dimension_semantics=("parallel", "parallel")),
        in_specs=specs,
        out_specs=pl.BlockSpec((1, RB, D_MODEL), lambda i, j: (i, j, 0)),
        out_shape=jax.ShapeDtypeStruct((B, L, D_MODEL), jnp.float32),
    )(*args)


MB_ = 1024


def _m_stats_kernel(q_ref, k_ref, c_ref, d_ref, m_ref):
    j = pl.program_id(1)
    q = q_ref[0, 0]
    s = lax.dot_general(q, k_ref[0, 0], (((1,), (1,)), ((), ())),
                        preferred_element_type=jnp.float32)
    mx = jnp.max(s + d_ref[pl.ds(j * MB_, MB_), :], axis=1)
    sw = jnp.sum(s * c_ref[pl.ds(j * MB_, MB_), :], axis=1)
    m_ref[0, 0, :] = mx - sw * np.float32(1.0 / L)


def _m_stats(qa, ka, counts):
    c, d = counts
    return pl.pallas_call(
        _m_stats_kernel,
        grid=(BH, L // MB_),
        compiler_params=pltpu.CompilerParams(
            dimension_semantics=("parallel", "parallel")),
        in_specs=[
            pl.BlockSpec((1, 1, MB_, HD), lambda i, j: (i // N_HEADS, i % N_HEADS, j, 0)),
            pl.BlockSpec((1, 1, L, HD), lambda i, j: (i // N_HEADS, i % N_HEADS, 0, 0)),
            pl.BlockSpec((L, L), lambda i, j: (0, 0)),
            pl.BlockSpec((L, L), lambda i, j: (0, 0)),
        ],
        out_specs=pl.BlockSpec((1, 1, MB_), lambda i, j: (i, 0, j)),
        out_shape=jax.ShapeDtypeStruct((BH, 1, L), jnp.float32),
    )(qa, ka, c, d)


def _topk_kernel(m_ref, t_ref):
    work = m_ref[...].reshape(BH, L)
    coli = lax.broadcasted_iota(jnp.int32, (BH, L), 1)
    for u in range(U):
        mx = jnp.max(work, axis=1, keepdims=True)
        sel = jnp.min(jnp.where(work == mx, coli, L), axis=1, keepdims=True)
        work = jnp.where(coli == sel, -jnp.inf, work)
        t_ref[:, u, :] = jnp.broadcast_to(sel, (BH, 128))
    for u in range(U, UP):
        t_ref[:, u, :] = jnp.full((BH, 128), L, jnp.int32)


def _topk(m):
    return pl.pallas_call(
        _topk_kernel,
        grid=(1,),
        in_specs=[pl.BlockSpec((BH, 1, L), lambda i: (0, 0, 0))],
        out_specs=pl.BlockSpec((BH, UP, 128), lambda i: (0, 0, 0)),
        out_shape=jax.ShapeDtypeStruct((BH, UP, 128), jnp.int32),
    )(m)


def _make_attend_kernel(masked):
    def _attend_kernel(t_ref, q_ref, k_ref, v_ref, o_ref):
        thr = t_ref[0, :, 0:1]
        coli = lax.broadcasted_iota(jnp.int32, (UP, L), 1)
        p = (coli == thr).astype(jnp.float32)
        q = q_ref[0, 0]
        k = k_ref[0, 0]
        v = v_ref[0, 0]
        qr = jnp.dot(p, q, preferred_element_type=jnp.float32)
        s = lax.dot_general(qr, k, (((1,), (1,)), ((), ())),
                            preferred_element_type=jnp.float32) * np.float32(0.125)
        if masked:
            s = jnp.where(coli > thr, -1e30, s)
        s = s - jnp.max(s, axis=1, keepdims=True)
        e = jnp.exp(s)
        attn = e / jnp.sum(e, axis=1, keepdims=True)
        upd = jnp.dot(attn, v, preferred_element_type=jnp.float32)
        ufull = lax.dot_general(p, upd, (((0,), (0,)), ((), ())),
                                preferred_element_type=jnp.float32)
        keep = 1.0 - lax.dot_general(p, jnp.ones((UP, 1), jnp.float32),
                                     (((0,), (0,)), ((), ())),
                                     preferred_element_type=jnp.float32)
        if masked:
            tri = (lax.broadcasted_iota(jnp.int32, (LB, LB), 0)
                   >= lax.broadcasted_iota(jnp.int32, (LB, LB), 1)).astype(jnp.float32)
            carry = jnp.zeros((1, HD), jnp.float32)
            for blk in range(NLB):
                vb = v_ref[0, 0, pl.ds(blk * LB, LB), :]
                cs = jnp.dot(tri, vb, preferred_element_type=jnp.float32) + carry
                o_ref[0, 0, pl.ds(blk * LB, LB), :] = (
                    cs * keep[blk * LB:(blk + 1) * LB] +
                    ufull[blk * LB:(blk + 1) * LB])
                carry = cs[LB - 1:LB, :]
        else:
            mean = jnp.sum(v, axis=0, keepdims=True) * np.float32(1.0 / L)
            o_ref[0, 0] = jnp.broadcast_to(mean, (L, HD)) * keep + ufull
    return _attend_kernel


def _attend(m, qa, ka, va, masked):
    t = _topk(m)
    hb = pl.BlockSpec((1, 1, L, HD), lambda i: (i // N_HEADS, i % N_HEADS, 0, 0))
    return pl.pallas_call(
        _make_attend_kernel(masked),
        grid=(BH,),
        compiler_params=pltpu.CompilerParams(
            dimension_semantics=("parallel",)),
        in_specs=[
            pl.BlockSpec((1, UP, 128), lambda i: (i, 0, 0)),
            hb, hb, hb,
        ],
        out_specs=hb,
        out_shape=jax.ShapeDtypeStruct((B, N_HEADS, L, HD), jnp.float32),
    )(t, qa, ka, va)


def _proj_kernel(x_ref, w_ref, b_ref, o_ref):
    o_ref[0] = _mmt(x_ref[0], w_ref[...]) + b_ref[...]


def _proj(x, w, b):
    return pl.pallas_call(
        _proj_kernel,
        grid=(B, PRED // RB),
        compiler_params=pltpu.CompilerParams(
            dimension_semantics=("parallel", "parallel")),
        in_specs=[
            pl.BlockSpec((1, RB, D_MODEL), lambda i, j: (i, j, 0)),
            pl.BlockSpec((128, D_MODEL), lambda i, j: (0, 0)),
            pl.BlockSpec((1, 128), lambda i, j: (0, 0)),
        ],
        out_specs=pl.BlockSpec((1, RB, 128), lambda i, j: (i, j, 0)),
        out_shape=jax.ShapeDtypeStruct((B, PRED, 128), jnp.float32),
    )(x, w, b)




def _embed_inputs(x, mark, conv_w, temp_w, pos):
    feats = jnp.concatenate(
        [jnp.roll(x, 1, axis=1), x, jnp.roll(x, -1, axis=1), mark], axis=-1)
    nf = feats.shape[-1]
    feats = jnp.pad(feats, ((0, 0), (0, 0), (0, 32 - nf)))
    wf = jnp.concatenate(
        [conv_w.transpose(2, 1, 0).reshape(3 * x.shape[-1], D_MODEL),
         temp_w.T], axis=0)
    wf = jnp.pad(wf, ((0, 32 - nf), (0, 0)))
    return _embed(feats, wf, pos)


def _split_heads(x):
    n = x.shape[-1] // HD
    return x.reshape(B, L, n, HD).transpose(0, 2, 1, 3)


def _merge_heads(x):
    return x.transpose(0, 2, 1, 3).reshape(B, L, D_MODEL)


def _prob_attn(q, k, v, counts, masked):
    m = _m_stats(q, k, counts)
    return _merge_heads(_attend(m, q, k, v, masked))


def kernel(x_enc, x_mark_enc, x_dec, x_mark_dec, params):
    pos = jnp.asarray(_POS)
    counts = {f: _counts_for(f) for f in (0, 1, 100, 101)}

    x = _embed_inputs(x_enc, x_mark_enc, params["enc_emb_conv"],
                      params["enc_emb_temp"], pos)
    for i, p in enumerate(params["enc_layers"]):
        ap = p["attn"]
        qkv = _split_heads(_heads_mm(x, (ap["Wq"], ap["Wk"], ap["Wv"]),
                                     (ap["bq"], ap["bk"], ap["bv"])))
        ctx = _prob_attn(qkv[:, :N_HEADS], qkv[:, N_HEADS:2 * N_HEADS],
                         qkv[:, 2 * N_HEADS:], counts[i], False)
        x = _out_ln(ctx, ap["Wo"], ap["bo"][None, :], x,
                    p["ln1_g"][None, :], p["ln1_b"][None, :])
        last = i == len(params["enc_layers"]) - 1
        x = _ffn_ln(x, p["conv1_w"], p["conv1_b"][None, :],
                    p["conv2_w"], p["conv2_b"][None, :],
                    p["ln2_g"][None, :], p["ln2_b"][None, :],
                    params["enc_norm_g"][None, :] if last else None,
                    params["enc_norm_b"][None, :] if last else None)
    enc = x

    x = _embed_inputs(x_dec, x_mark_dec, params["dec_emb_conv"],
                      params["dec_emb_temp"], pos)
    for i, p in enumerate(params["dec_layers"]):
        sp = p["self_attn"]
        qkv = _split_heads(_heads_mm(x, (sp["Wq"], sp["Wk"], sp["Wv"]),
                                     (sp["bq"], sp["bk"], sp["bv"])))
        ctx = _prob_attn(qkv[:, :N_HEADS], qkv[:, N_HEADS:2 * N_HEADS],
                         qkv[:, 2 * N_HEADS:], counts[100 + 2 * i], True)
        x = _out_ln(ctx, sp["Wo"], sp["bo"][None, :], x,
                    p["ln1_g"][None, :], p["ln1_b"][None, :])
        cp = p["cross_attn"]
        qc = _split_heads(_heads_mm(x, (cp["Wq"],), (cp["bq"],)))
        kvc = _split_heads(_heads_mm(enc, (cp["Wk"], cp["Wv"]),
                                     (cp["bk"], cp["bv"])))
        ctx = _prob_attn(qc, kvc[:, :N_HEADS], kvc[:, N_HEADS:],
                         counts[101 + 2 * i], False)
        x = _out_ln(ctx, cp["Wo"], cp["bo"][None, :], x,
                    p["ln2_g"][None, :], p["ln2_b"][None, :])
        last = i == len(params["dec_layers"]) - 1
        x = _ffn_ln(x, p["conv1_w"], p["conv1_b"][None, :],
                    p["conv2_w"], p["conv2_b"][None, :],
                    p["ln3_g"][None, :], p["ln3_b"][None, :],
                    params["dec_norm_g"][None, :] if last else None,
                    params["dec_norm_b"][None, :] if last else None)

    wp = jnp.pad(params["proj_w"], ((0, 128 - params["proj_w"].shape[0]), (0, 0)))
    bp = jnp.pad(params["proj_b"], (0, 128 - params["proj_b"].shape[0]))[None, :]
    out = _proj(x[:, -PRED:], wp, bp)
    return out[:, :, :params["proj_w"].shape[0]]

# --- scband reference (transcript-rebuilt; emitter-appended) ---
"""Pipeline reference for scband-model-75840532513009 (READ-ONLY COPY).

The authoritative reference and input builder live on the scoring server;
editing this copy changes nothing except your own understanding.
"""

import jax, jax.numpy as jnp
import numpy as np

B = 2; SEQ = 2048; LBL = 1024; PRED = 1024; DEC = LBL + PRED
ENC_IN = 7; DEC_IN = 7; C_OUT = 7
D_MODEL = 768; N_HEADS = 12; D_FF = 2048
E_LAYERS = 2; D_LAYERS = 1; FACTOR = 3; MARK = 4


def _lin_w(k, out_d, in_d):
    return jax.random.normal(k, (out_d, in_d), dtype=jnp.float32) * 0.02


def _attn_p(k):
    ks = jax.random.split(k, 4)
    return {"Wq": _lin_w(ks[0], D_MODEL, D_MODEL), "bq": jnp.zeros((D_MODEL,), jnp.float32),
            "Wk": _lin_w(ks[1], D_MODEL, D_MODEL), "bk": jnp.zeros((D_MODEL,), jnp.float32),
            "Wv": _lin_w(ks[2], D_MODEL, D_MODEL), "bv": jnp.zeros((D_MODEL,), jnp.float32),
            "Wo": _lin_w(ks[3], D_MODEL, D_MODEL), "bo": jnp.zeros((D_MODEL,), jnp.float32)}


def _ffn_p(k):
    ks = jax.random.split(k, 2)
    return {"conv1_w": _lin_w(ks[0], D_FF, D_MODEL), "conv1_b": jnp.zeros((D_FF,), jnp.float32),
            "conv2_w": _lin_w(ks[1], D_MODEL, D_FF), "conv2_b": jnp.zeros((D_MODEL,), jnp.float32)}


def _ln_p():
    return jnp.ones((D_MODEL,), jnp.float32), jnp.zeros((D_MODEL,), jnp.float32)


def _enc_lp(k):
    ks = jax.random.split(k, 2)
    p = {"attn": _attn_p(ks[0])}
    p.update(_ffn_p(ks[1]))
    g1, b1 = _ln_p(); g2, b2 = _ln_p()
    p.update({"ln1_g": g1, "ln1_b": b1, "ln2_g": g2, "ln2_b": b2})
    return p


def _dec_lp(k):
    ks = jax.random.split(k, 3)
    p = {"self_attn": _attn_p(ks[0]), "cross_attn": _attn_p(ks[1])}
    p.update(_ffn_p(ks[2]))
    g1, b1 = _ln_p(); g2, b2 = _ln_p(); g3, b3 = _ln_p()
    p.update({"ln1_g": g1, "ln1_b": b1, "ln2_g": g2, "ln2_b": b2, "ln3_g": g3, "ln3_b": b3})
    return p


def _layer_norm(x, g, b):
    m = jnp.mean(x, axis=-1, keepdims=True)
    v = jnp.mean((x - m) ** 2, axis=-1, keepdims=True)
    return (x - m) / jnp.sqrt(v + 1e-5) * g + b


def _linear(x, W, b=None):
    y = x @ W.T
    if b is not None:
        y = y + b
    return y


def _token_embed(x, w):
    xp = jnp.concatenate([x[:, -1:, :], x, x[:, :1, :]], axis=1)
    st = jnp.stack([xp[:, :-2, :], xp[:, 1:-1, :], xp[:, 2:, :]], axis=3)
    return jnp.einsum('blck,dck->bld', st, w)


def _pos_embed(L, d_model):
    pos = np.arange(L, dtype=np.float64)[:, None]
    div = np.exp(np.arange(0, d_model, 2, dtype=np.float64) * -(np.log(10000.0) / d_model))
    pe = np.zeros((L, d_model), dtype=np.float32)
    pe[:, 0::2] = np.sin(pos * div)
    pe[:, 1::2] = np.cos(pos * div)
    return jnp.asarray(pe)


def _prob_attention(Q, K, V, mask_flag, rkey):
    Bq, H, L_K, E = K.shape
    L_Q = Q.shape[2]
    U_part = min(int(FACTOR * np.ceil(np.log(L_K))), L_K)
    u = min(int(FACTOR * np.ceil(np.log(L_Q))), L_Q)
    idx_sample = jax.random.randint(rkey, (L_Q, U_part), 0, L_K)
    K_sample = K[:, :, idx_sample, :]
    QK_sample = jnp.einsum('bhle,bhlse->bhls', Q, K_sample)
    M = jnp.max(QK_sample, axis=-1) - jnp.sum(QK_sample, axis=-1) / L_K
    M_top = jax.lax.top_k(M, u)[1]
    Q_reduce = jnp.take_along_axis(Q, M_top[..., None], axis=2)
    scores = jnp.einsum('bhue,bhke->bhuk', Q_reduce, K) * (1.0 / np.sqrt(E))
    if mask_flag:
        tri = jnp.asarray(np.triu(np.ones((L_Q, L_K), dtype=bool), 1))
        indicator = tri[M_top]
        scores = jnp.where(indicator, -1e30, scores)
        context = jnp.cumsum(V, axis=2)
    else:
        context = jnp.broadcast_to(jnp.mean(V, axis=2, keepdims=True), (Bq, H, L_Q, E))
    attn = jax.nn.softmax(scores, axis=-1)
    upd = jnp.einsum('bhuk,bhke->bhue', attn, V)
    bi = jnp.arange(Bq)[:, None, None]
    hi = jnp.arange(H)[None, :, None]
    context = context.at[bi, hi, M_top].set(upd)
    return jnp.transpose(context, (0, 2, 1, 3))


def _attention_layer(p, q_in, k_in, v_in, mask_flag, rkey):
    Bq, Lq, _ = q_in.shape
    Lk = k_in.shape[1]
    Q = _linear(q_in, p["Wq"], p["bq"]).reshape(Bq, Lq, N_HEADS, -1).transpose(0, 2, 1, 3)
    K = _linear(k_in, p["Wk"], p["bk"]).reshape(Bq, Lk, N_HEADS, -1).transpose(0, 2, 1, 3)
    V = _linear(v_in, p["Wv"], p["bv"]).reshape(Bq, Lk, N_HEADS, -1).transpose(0, 2, 1, 3)
    out = _prob_attention(Q, K, V, mask_flag, rkey).reshape(Bq, Lq, -1)
    return _linear(out, p["Wo"], p["bo"])


def _ffn(p, y):
    y = jax.nn.gelu(jnp.einsum('bld,fd->blf', y, p["conv1_w"]) + p["conv1_b"], approximate=False)
    return jnp.einsum('blf,df->bld', y, p["conv2_w"]) + p["conv2_b"]


def _encoder_layer(p, x, rkey):
    x = x + _attention_layer(p["attn"], x, x, x, False, rkey)
    x = _layer_norm(x, p["ln1_g"], p["ln1_b"])
    y = _ffn(p, x)
    return _layer_norm(x + y, p["ln2_g"], p["ln2_b"])


def _decoder_layer(p, x, cross, rkey1, rkey2):
    x = x + _attention_layer(p["self_attn"], x, x, x, True, rkey1)
    x = _layer_norm(x, p["ln1_g"], p["ln1_b"])
    x = x + _attention_layer(p["cross_attn"], x, cross, cross, False, rkey2)
    x = _layer_norm(x, p["ln2_g"], p["ln2_b"])
    y = _ffn(p, x)
    return _layer_norm(x + y, p["ln3_g"], p["ln3_b"])


def _forward(x_enc, x_mark_enc, x_dec, x_mark_dec, params):
    rk = jax.random.key(42)
    enc = _token_embed(x_enc, params["enc_emb_conv"]) + _linear(x_mark_enc, params["enc_emb_temp"]) + _pos_embed(SEQ, D_MODEL)[None]
    for i, lp in enumerate(params["enc_layers"]):
        enc = _encoder_layer(lp, enc, jax.random.fold_in(rk, i))
    enc = _layer_norm(enc, params["enc_norm_g"], params["enc_norm_b"])
    dec = _token_embed(x_dec, params["dec_emb_conv"]) + _linear(x_mark_dec, params["dec_emb_temp"]) + _pos_embed(DEC, D_MODEL)[None]
    for i, lp in enumerate(params["dec_layers"]):
        dec = _decoder_layer(lp, dec, enc, jax.random.fold_in(rk, 100 + 2 * i), jax.random.fold_in(rk, 101 + 2 * i))
    dec = _layer_norm(dec, params["dec_norm_g"], params["dec_norm_b"])
    dec = _linear(dec, params["proj_w"], params["proj_b"])
    return dec[:, -PRED:, :]


def setup_inputs(seed: int = 0) -> dict:
    key = jax.random.key(seed)
    ks = jax.random.split(key, 12)
    x_enc = jax.random.normal(ks[0], (B, SEQ, ENC_IN), dtype=jnp.float32)
    x_mark_enc = jax.random.normal(ks[1], (B, SEQ, MARK), dtype=jnp.float32)
    x_dec = jax.random.normal(ks[2], (B, DEC, DEC_IN), dtype=jnp.float32)
    x_mark_dec = jax.random.normal(ks[3], (B, DEC, MARK), dtype=jnp.float32)
    g, bb = _ln_p(); g2, bb2 = _ln_p()
    params = {
        "enc_emb_conv": jax.random.normal(ks[4], (D_MODEL, ENC_IN, 3), dtype=jnp.float32) * 0.02,
        "enc_emb_temp": _lin_w(ks[5], D_MODEL, MARK),
        "dec_emb_conv": jax.random.normal(ks[6], (D_MODEL, DEC_IN, 3), dtype=jnp.float32) * 0.02,
        "dec_emb_temp": _lin_w(ks[7], D_MODEL, MARK),
        "enc_layers": [_enc_lp(jax.random.fold_in(ks[8], i)) for i in range(E_LAYERS)],
        "enc_norm_g": g, "enc_norm_b": bb,
        "dec_layers": [_dec_lp(jax.random.fold_in(ks[9], i)) for i in range(D_LAYERS)],
        "dec_norm_g": g2, "dec_norm_b": bb2,
        "proj_w": _lin_w(ks[10], C_OUT, D_MODEL), "proj_b": jnp.zeros((C_OUT,), jnp.float32),
    }
    return {"x_enc": x_enc, "x_mark_enc": x_mark_enc, "x_dec": x_dec, "x_mark_dec": x_mark_dec, "params": params}


def reference(x_enc, x_mark_enc, x_dec, x_mark_dec, params):
    return _forward(x_enc, x_mark_enc, x_dec, x_mark_dec, params)

if __name__ == "__main__":
    import jax
    _d = setup_inputs()
    print(jax.jit(kernel)(*tuple(_d.values())))

</pallas_src>

<mosaic_0001>
module attributes {stable_mosaic.version = 14 : i64} {
  func.func @_embed_kernel(%arg0: i32, %arg1: i32, %arg2: memref<1x512x32xf32, #tpu.memory_space<vmem>>, %arg3: memref<32x768xf32, #tpu.memory_space<vmem>>, %arg4: memref<512x768xf32, #tpu.memory_space<vmem>>, %arg5: memref<1x512x768xf32, #tpu.memory_space<vmem>>) attributes {dimension_semantics = [#tpu.dimension_semantics<parallel>, #tpu.dimension_semantics<parallel>], iteration_bounds = array<i64: 2, 4>, scalar_prefetch = 0 : i64, scratch_operands = 0 : i64, tpu.core_type = #tpu.core_type<tc>, window_params = [{transform_indices = @transform_0, window_bounds = array<i64: 1, 512, 32>}, {pipeline_mode = #tpu.pipeline_mode<synchronous>, transform_indices = @transform_1, window_bounds = array<i64: 32, 768>}, {transform_indices = @transform_2, window_bounds = array<i64: 512, 768>}, {transform_indices = @transform_3, window_bounds = array<i64: 1, 512, 768>}]} {
    %get3A = arith.constant 0 : index
    %get3A_0 = arith.constant 0 : index
    %get3A_1 = arith.constant 0 : index
    %get3A_2 = vector.load %arg2[%get3A, %get3A_0, %get3A_1] : memref<1x512x32xf32, #tpu.memory_space<vmem>>, vector<1x512x32xf32>
    %get3A_3 = vector.shape_cast %get3A_2 : vector<1x512x32xf32> to vector<512x32xf32>
    %get3A_4 = arith.constant 0 : index
    %get3A_5 = arith.constant 0 : index
    %get3A_6 = vector.load %arg3[%get3A_4, %get3A_5] : memref<32x768xf32, #tpu.memory_space<vmem>>, vector<32x768xf32>
    %dot_general3A = arith.constant dense<0.000000e+00> : vector<512x768xf32>
    %dot_general3A_7 = tpu.matmul %get3A_3, %get3A_6, %dot_general3A {dimension_numbers = #tpu.dot_dimension_numbers<[1], [0], [0], [1], [0, 0, 1, 1], [], []>, transpose_lhs_hint = false} : vector<512x32xf32>, vector<32x768xf32>, vector<512x768xf32> -> vector<512x768xf32>
    %get3A_8 = arith.constant 0 : index
    %get3A_9 = arith.constant 0 : index
    %get3A_10 = vector.load %arg4[%get3A_8, %get3A_9] : memref<512x768xf32, #tpu.memory_space<vmem>>, vector<512x768xf32>
    %add3A = arith.addf %dot_general3A_7, %get3A_10 : vector<512x768xf32>
    %swap3A = arith.constant 0 : index
    %swap3A_11 = arith.constant 0 : index
    %swap3A_12 = arith.constant 0 : index
    %swap3A_13 = vector.load %arg5[%swap3A, %swap3A_11, %swap3A_12] : memref<1x512x768xf32, #tpu.memory_space<vmem>>, vector<1x512x768xf32>
    %swap3A_14 = vector.shape_cast %swap3A_13 : vector<1x512x768xf32> to vector<512x768xf32>
    %swap3A_15 = vector.shape_cast %add3A : vector<512x768xf32> to vector<1x512x768xf32>
    tpu.vector_store %arg5[%swap3A, %swap3A_11, %swap3A_12], %swap3A_15 {strides = array<i32>} : memref<1x512x768xf32, #tpu.memory_space<vmem>>, vector<1x512x768xf32>,
    return
  }
  func.func @transform_0(%arg0: i32, %arg1: i32) -> (i32, i32, i32) {
    %c0_i32 = arith.constant 0 : i32
    %c0_i32_0 = arith.constant 0 : i32
    return %arg0, %arg1, %c0_i32 : i32, i32, i32
  }
  func.func @transform_1(%arg0: i32, %arg1: i32) -> (i32, i32) {
    %c0_i32 = arith.constant 0 : i32
    %c0_i32_0 = arith.constant 0 : i32
    %c0_i32_1 = arith.constant 0 : i32
    return %c0_i32, %c0_i32_0 : i32, i32
  }
  func.func @transform_2(%arg0: i32, %arg1: i32) -> (i32, i32) {
    %c0_i32 = arith.constant 0 : i32
    %c0_i32_0 = arith.constant 0 : i32
    return %arg1, %c0_i32 : i32, i32
  }
  func.func @transform_3(%arg0: i32, %arg1: i32) -> (i32, i32, i32) {
    %c0_i32 = arith.constant 0 : i32
    %c0_i32_0 = arith.constant 0 : i32
    return %arg0, %arg1, %c0_i32 : i32, i32, i32
  }
}

module attributes {stable_mosaic.version = 14 : i64} {
  func.func @_heads_kernel(%arg0: i32, %arg1: i32, %arg2: memref<1x512x768xf32, #tpu.memory_space<vmem>>, %arg3: memref<768x768xf32, #tpu.memory_space<vmem>>, %arg4: memref<768x768xf32, #tpu.memory_space<vmem>>, %arg5: memref<768x768xf32, #tpu.memory_space<vmem>>, %arg6: memref<1x768xf32, #tpu.memory_space<vmem>>, %arg7: memref<1x768xf32, #tpu.memory_space<vmem>>, %arg8: memref<1x768xf32, #tpu.memory_space<vmem>>, %arg9: memref<1x512x2304xf32, #tpu.memory_space<vmem>>) attributes {dimension_semantics = [#tpu.dimension_semantics<parallel>, #tpu.dimension_semantics<parallel>], iteration_bounds = array<i64: 2, 4>, scalar_prefetch = 0 : i64, scratch_operands = 0 : i64, tpu.core_type = #tpu.core_type<tc>, window_params = [{transform_indices = @transform_0, window_bounds = array<i64: 1, 512, 768>}, {pipeline_mode = #tpu.pipeline_mode<synchronous>, transform_indices = @transform_1, window_bounds = array<i64: 768, 768>}, {pipeline_mode = #tpu.pipeline_mode<synchronous>, transform_indices = @transform_2, window_bounds = array<i64: 768, 768>}, {pipeline_mode = #tpu.pipeline_mode<synchronous>, transform_indices = @transform_3, window_bounds = array<i64: 768, 768>}, {pipeline_mode = #tpu.pipeline_mode<synchronous>, transform_indices = @transform_4, window_bounds = array<i64: 1, 768>}, {pipeline_mode = #tpu.pipeline_mode<synchronous>, transform_indices = @transform_5, window_bounds = array<i64: 1, 768>}, {pipeline_mode = #tpu.pipeline_mode<synchronous>, transform_indices = @transform_6, window_bounds = array<i64: 1, 768>}, {transform_indices = @transform_7, window_bounds = array<i64: 1, 512, 2304>}]} {
    %get3A = arith.constant 0 : index
    %get3A_0 = arith.constant 0 : index
    %get3A_1 = arith.constant 0 : index
    %get3A_2 = vector.load %arg2[%get3A, %get3A_0, %get3A_1] : memref<1x512x768xf32, #tpu.memory_space<vmem>>, vector<1x512x768xf32>
    %get3A_3 = vector.shape_cast %get3A_2 : vector<1x512x768xf32> to vector<512x768xf32>
    %get3A_4 = arith.constant 0 : index
    %get3A_5 = arith.constant 0 : index
    %get3A_6 = vector.load %arg3[%get3A_4, %get3A_5] : memref<768x768xf32, #tpu.memory_space<vmem>>, vector<768x768xf32>
    %dot_general3A = arith.constant dense<0.000000e+00> : vector<512x768xf32>
    %dot_general3A_7 = tpu.matmul %get3A_3, %get3A_6, %dot_general3A {dimension_numbers = #tpu.dot_dimension_numbers<[1], [1], [0], [0], [0, 0, 1, 0], [], []>, transpose_lhs_hint = false} : vector<512x768xf32>, vector<768x768xf32>, vector<512x768xf32> -> vector<512x768xf32>
    %get3A_8 = arith.constant 0 : index
    %get3A_9 = arith.constant 0 : index
    %get3A_10 = vector.load %arg6[%get3A_8, %get3A_9] : memref<1x768xf32, #tpu.memory_space<vmem>>, vector<1x768xf32>
    %add3A = vector.broadcast %get3A_10 : vector<1x768xf32> to vector<512x768xf32>
    %add3A_11 = arith.addf %dot_general3A_7, %add3A : vector<512x768xf32>
    %swap3A = arith.constant 0 : index
    %swap3A_12 = arith.constant 0 : index
    %swap3A_13 = arith.constant 0 : index
    %swap3A_14 = vector.load %arg9[%swap3A, %swap3A_12, %swap3A_13] : memref<1x512x2304xf32, #tpu.memory_space<vmem>>, vector<1x512x768xf32>
    %swap3A_15 = vector.shape_cast %swap3A_14 : vector<1x512x768xf32> to vector<512x768xf32>
    %swap3A_16 = vector.shape_cast %add3A_11 : vector<512x768xf32> to vector<1x512x768xf32>
    tpu.vector_store %arg9[%swap3A, %swap3A_12, %swap3A_13], %swap3A_16 {strides = array<i32>} : memref<1x512x2304xf32, #tpu.memory_space<vmem>>, vector<1x512x768xf32>,
    %get3A_17 = arith.constant 0 : index
    %get3A_18 = arith.constant 0 : index
    %get3A_19 = vector.load %arg4[%get3A_17, %get3A_18] : memref<768x768xf32, #tpu.memory_space<vmem>>, vector<768x768xf32>
    %dot_general3A_20 = arith.constant dense<0.000000e+00> : vector<512x768xf32>
    %dot_general3A_21 = tpu.matmul %get3A_3, %get3A_19, %dot_general3A_20 {dimension_numbers = #tpu.dot_dimension_numbers<[1], [1], [0], [0], [0, 0, 1, 0], [], []>, transpose_lhs_hint = false} : vector<512x768xf32>, vector<768x768xf32>, vector<512x768xf32> -> vector<512x768xf32>
    %get3A_22 = arith.constant 0 : index
    %get3A_23 = arith.constant 0 : index
    %get3A_24 = vector.load %arg7[%get3A_22, %get3A_23] : memref<1x768xf32, #tpu.memory_space<vmem>>, vector<1x768xf32>
    %add3A_25 = vector.broadcast %get3A_24 : vector<1x768xf32> to vector<512x768xf32>
    %add3A_26 = arith.addf %dot_general3A_21, %add3A_25 : vector<512x768xf32>
    %swap3A_27 = arith.constant 0 : index
    %swap3A_28 = arith.constant 0 : index
    %swap3A_29 = arith.constant 768 : index
    %swap3A_30 = vector.load %arg9[%swap3A_27, %swap3A_28, %swap3A_29] : memref<1x512x2304xf32, #tpu.memory_space<vmem>>, vector<1x512x768xf32>
    %swap3A_31 = vector.shape_cast %swap3A_30 : vector<1x512x768xf32> to vector<512x768xf32>
    %swap3A_32 = vector.shape_cast %add3A_26 : vector<512x768xf32> to vector<1x512x768xf32>
    tpu.vector_store %arg9[%swap3A_27, %swap3A_28, %swap3A_29], %swap3A_32 {strides = array<i32>} : memref<1x512x2304xf32, #tpu.memory_space<vmem>>, vector<1x512x768xf32>,
    %get3A_33 = arith.constant 0 : index
    %get3A_34 = arith.constant 0 : index
    %get3A_35 = vector.load %arg5[%get3A_33, %get3A_34] : memref<768x768xf32, #tpu.memory_space<vmem>>, vector<768x768xf32>
    %dot_general3A_36 = arith.constant dense<0.000000e+00> : vector<512x768xf32>
    %dot_general3A_37 = tpu.matmul %get3A_3, %get3A_35, %dot_general3A_36 {dimension_numbers = #tpu.dot_dimension_numbers<[1], [1], [0], [0], [0, 0, 1, 0], [], []>, transpose_lhs_hint = false} : vector<512x768xf32>, vector<768x768xf32>, vector<512x768xf32> -> vector<512x768xf32>
    %get3A_38 = arith.constant 0 : index
    %get3A_39 = arith.constant 0 : index
    %get3A_40 = vector.load %arg8[%get3A_38, %get3A_39] : memref<1x768xf32, #tpu.memory_space<vmem>>, vector<1x768xf32>
    %add3A_41 = vector.broadcast %get3A_40 : vector<1x768xf32> to vector<512x768xf32>
    %add3A_42 = arith.addf %dot_general3A_37, %add3A_41 : vector<512x768xf32>
    %swap3A_43 = arith.constant 0 : index
    %swap3A_44 = arith.constant 0 : index
    %swap3A_45 = arith.constant 1536 : index
    %swap3A_46 = vector.load %arg9[%swap3A_43, %swap3A_44, %swap3A_45] : memref<1x512x2304xf32, #tpu.memory_space<vmem>>, vector<1x512x768xf32>
    %swap3A_47 = vector.shape_cast %swap3A_46 : vector<1x512x768xf32> to vector<512x768xf32>
    %swap3A_48 = vector.shape_cast %add3A_42 : vector<512x768xf32> to vector<1x512x768xf32>
    tpu.vector_store %arg9[%swap3A_43, %swap3A_44, %swap3A_45], %swap3A_48 {strides = array<i32>} : memref<1x512x2304xf32, #tpu.memory_space<vmem>>, vector<1x512x768xf32>,
    return
  }
  func.func @transform_0(%arg0: i32, %arg1: i32) -> (i32, i32, i32) {
    %c0_i32 = arith.constant 0 : i32
    %c0_i32_0 = arith.constant 0 : i32
    return %arg0, %arg1, %c0_i32 : i32, i32, i32
  }
  func.func @transform_1(%arg0: i32, %arg1: i32) -> (i32, i32) {
    %c0_i32 = arith.constant 0 : i32
    %c0_i32_0 = arith.constant 0 : i32
    %c0_i32_1 = arith.constant 0 : i32
    return %c0_i32, %c0_i32_0 : i32, i32
  }
  func.func @transform_2(%arg0: i32, %arg1: i32) -> (i32, i32) {
    %c0_i32 = arith.constant 0 : i32
    %c0_i32_0 = arith.constant 0 : i32
    %c0_i32_1 = arith.constant 0 : i32
    return %c0_i32, %c0_i32_0 : i32, i32
  }
  func.func @transform_3(%arg0: i32, %arg1: i32) -> (i32, i32) {
    %c0_i32 = arith.constant 0 : i32
    %c0_i32_0 = arith.constant 0 : i32
    %c0_i32_1 = arith.constant 0 : i32
    return %c0_i32, %c0_i32_0 : i32, i32
  }
  func.func @transform_4(%arg0: i32, %arg1: i32) -> (i32, i32) {
    %c0_i32 = arith.constant 0 : i32
    %c0_i32_0 = arith.constant 0 : i32
    %c0_i32_1 = arith.constant 0 : i32
    return %c0_i32, %c0_i32_0 : i32, i32
  }
  func.func @transform_5(%arg0: i32, %arg1: i32) -> (i32, i32) {
    %c0_i32 = arith.constant 0 : i32
    %c0_i32_0 = arith.constant 0 : i32
    %c0_i32_1 = arith.constant 0 : i32
    return %c0_i32, %c0_i32_0 : i32, i32
  }
  func.func @transform_6(%arg0: i32, %arg1: i32) -> (i32, i32) {
    %c0_i32 = arith.constant 0 : i32
    %c0_i32_0 = arith.constant 0 : i32
    %c0_i32_1 = arith.constant 0 : i32
    return %c0_i32, %c0_i32_0 : i32, i32
  }
  func.func @transform_7(%arg0: i32, %arg1: i32) -> (i32, i32, i32) {
    %c0_i32 = arith.constant 0 : i32
    %c0_i32_0 = arith.constant 0 : i32
    return %arg0, %arg1, %c0_i32 : i32, i32, i32
  }
}

module attributes {stable_mosaic.version = 14 : i64} {
  func.func @_m_stats_kernel(%arg0: i32, %arg1: i32, %arg2: memref<1x1x1024x64xf32, #tpu.memory_space<vmem>>, %arg3: memref<1x1x2048x64xf32, #tpu.memory_space<vmem>>, %arg4: memref<2048x2048xf32, #tpu.memory_space<vmem>>, %arg5: memref<2048x2048xf32, #tpu.memory_space<vmem>>, %arg6: memref<1x1x1024xf32, #tpu.memory_space<vmem>>) attributes {dimension_semantics = [#tpu.dimension_semantics<parallel>, #tpu.dimension_semantics<parallel>], iteration_bounds = array<i64: 24, 2>, scalar_prefetch = 0 : i64, scratch_operands = 0 : i64, tpu.core_type = #tpu.core_type<tc>, window_params = [{transform_indices = @transform_0, window_bounds = array<i64: 1, 1, 1024, 64>}, {transform_indices = @transform_1, window_bounds = array<i64: 1, 1, 2048, 64>}, {pipeline_mode = #tpu.pipeline_mode<synchronous>, transform_indices = @transform_2, window_bounds = array<i64: 2048, 2048>}, {pipeline_mode = #tpu.pipeline_mode<synchronous>, transform_indices = @transform_3, window_bounds = array<i64: 2048, 2048>}, {transform_indices = @transform_4, window_bounds = array<i64: 1, 1, 1024>}]} {
    %get3A = arith.constant 0 : index
    %get3A_0 = arith.constant 0 : index
    %get3A_1 = arith.constant 0 : index
    %get3A_2 = arith.constant 0 : index
    %get3A_3 = vector.load %arg2[%get3A, %get3A_0, %get3A_1, %get3A_2] : memref<1x1x1024x64xf32, #tpu.memory_space<vmem>>, vector<1x1x1024x64xf32>
    %get3A_4 = vector.shape_cast %get3A_3 : vector<1x1x1024x64xf32> to vector<1024x64xf32>
    %get3A_5 = arith.constant 0 : index
    %get3A_6 = arith.constant 0 : index
    %get3A_7 = arith.constant 0 : index
    %get3A_8 = arith.constant 0 : index
    %get3A_9 = vector.load %arg3[%get3A_5, %get3A_6, %get3A_7, %get3A_8] : memref<1x1x2048x64xf32, #tpu.memory_space<vmem>>, vector<1x1x2048x64xf32>
    %get3A_10 = vector.shape_cast %get3A_9 : vector<1x1x2048x64xf32> to vector<2048x64xf32>
    %dot_general3A = arith.constant dense<0.000000e+00> : vector<1024x2048xf32>
    %dot_general3A_11 = tpu.matmul %get3A_4, %get3A_10, %dot_general3A {dimension_numbers = #tpu.dot_dimension_numbers<[1], [1], [0], [0], [0, 0, 1, 0], [], []>, transpose_lhs_hint = false} : vector<1024x64xf32>, vector<2048x64xf32>, vector<1024x2048xf32> -> vector<1024x2048xf32>
    %mul3A = arith.constant 1024 : i32
    %mul3A_12 = arith.muli %arg1, %mul3A : i32
    %get3A_13 = arith.index_cast %mul3A_12 : i32 to index
    %get3A_14 = arith.constant 0 : index
    %get3A_15 = vector.load %arg5[%get3A_13, %get3A_14] : memref<2048x2048xf32, #tpu.memory_space<vmem>>, vector<1024x2048xf32>
    %add3A = arith.addf %dot_general3A_11, %get3A_15 : vector<1024x2048xf32>
    %reduce_max3A = arith.constant dense<0xFF800000> : vector<1024xf32>
    %reduce_max3A_16 = vector.multi_reduction <maximumf>, %add3A, %reduce_max3A [1] : vector<1024x2048xf32> to vector<1024xf32>
    %mul3A_17 = arith.constant 1024 : i32
    %mul3A_18 = arith.muli %arg1, %mul3A_17 : i32
    %get3A_19 = arith.index_cast %mul3A_18 : i32 to index
    %get3A_20 = arith.constant 0 : index
    %get3A_21 = vector.load %arg4[%get3A_19, %get3A_20] : memref<2048x2048xf32, #tpu.memory_space<vmem>>, vector<1024x2048xf32>
    %mul3A_22 = arith.mulf %dot_general3A_11, %get3A_21 : vector<1024x2048xf32>
    %reduce_sum3A = arith.constant dense<0.000000e+00> : vector<1024xf32>
    %reduce_sum3A_23 = vector.multi_reduction <add>, %mul3A_22, %reduce_sum3A [1] : vector<1024x2048xf32> to vector<1024xf32>
    %mul3A_24 = arith.constant 4.8828125E-4 : f32
    %mul3A_25 = vector.broadcast %mul3A_24 : f32 to vector<1024xf32>
    %mul3A_26 = arith.mulf %reduce_sum3A_23, %mul3A_25 : vector<1024xf32>
    %sub3A = arith.subf %reduce_max3A_16, %mul3A_26 : vector<1024xf32>
    %swap3A = arith.constant 0 : index
    %swap3A_27 = arith.constant 0 : index
    %swap3A_28 = arith.constant 0 : index
    %swap3A_29 = vector.load %arg6[%swap3A, %swap3A_27, %swap3A_28] : memref<1x1x1024xf32, #tpu.memory_space<vmem>>, vector<1x1x1024xf32>
    %swap3A_30 = vector.shape_cast %swap3A_29 : vector<1x1x1024xf32> to vector<1024xf32>
    %swap3A_31 = vector.shape_cast %sub3A : vector<1024xf32> to vector<1x1x1024xf32>
    tpu.vector_store %arg6[%swap3A, %swap3A_27, %swap3A_28], %swap3A_31 {strides = array<i32>} : memref<1x1x1024xf32, #tpu.memory_space<vmem>>, vector<1x1x1024xf32>,
    return
  }
  func.func @transform_0(%arg0: i32, %arg1: i32) -> (i32, i32, i32, i32) {
    %jit3A = arith.constant 12 : i32
    %div3A = arith.divsi %arg0, %jit3A : i32
    %sign3A = arith.constant 0 : i32
    %sign3A_0 = arith.cmpi sgt, %arg0, %sign3A : i32
    %sign3A_1 = arith.extui %sign3A_0 : i1 to i32
    %sign3A_2 = arith.constant 0 : i32
    %sign3A_3 = arith.cmpi slt, %arg0, %sign3A_2 : i32
    %sign3A_4 = arith.extui %sign3A_3 : i1 to i32
    %sign3A_5 = arith.subi %sign3A_1, %sign3A_4 : i32
    %sign3A_6 = arith.constant 0 : i32
    %sign3A_7 = arith.cmpi sgt, %jit3A, %sign3A_6 : i32
    %sign3A_8 = arith.extui %sign3A_7 : i1 to i32
    %sign3A_9 = arith.constant 0 : i32
    %sign3A_10 = arith.cmpi slt, %jit3A, %sign3A_9 : i32
    %sign3A_11 = arith.extui %sign3A_10 : i1 to i32
    %sign3A_12 = arith.subi %sign3A_8, %sign3A_11 : i32
    %ne3A = arith.cmpi ne, %sign3A_5, %sign3A_12 : i32
    %rem3A = arith.remsi %arg0, %jit3A : i32
    %ne3A_13 = arith.constant 0 : i32
    %ne3A_14 = arith.cmpi ne, %rem3A, %ne3A_13 : i32
    %and3A = arith.andi %ne3A, %ne3A_14 : i1
    %sub3A = arith.constant 1 : i32
    %sub3A_15 = arith.subi %div3A, %sub3A : i32
    %select_n3A = arith.select %and3A, %sub3A_15, %div3A : i32
    %jit3A_16 = arith.constant 12 : i32
    %eq3A = arith.constant 0 : i32
    %eq3A_17 = arith.cmpi eq, %jit3A_16, %eq3A : i32
    %jit3A_18 = arith.constant 1 : i32
    %select_n3A_19 = arith.select %eq3A_17, %jit3A_18, %jit3A_16 : i32
    %rem3A_20 = arith.remsi %arg0, %select_n3A_19 : i32
    %ne3A_21 = arith.constant 0 : i32
    %ne3A_22 = arith.cmpi ne, %rem3A_20, %ne3A_21 : i32
    %lt3A = arith.constant 0 : i32
    %lt3A_23 = arith.cmpi slt, %rem3A_20, %lt3A : i32
    %lt3A_24 = arith.constant 0 : i32
    %lt3A_25 = arith.cmpi slt, %select_n3A_19, %lt3A_24 : i32
    %ne3A_26 = arith.xori %lt3A_23, %lt3A_25 : i1
    %and3A_27 = arith.andi %ne3A_26, %ne3A_22 : i1
    %add3A = arith.addi %rem3A_20, %select_n3A_19 : i32
    %select_n3A_28 = arith.select %and3A_27, %add3A, %rem3A_20 : i32
    %c0_i32 = arith.constant 0 : i32
    %c0_i32_29 = arith.constant 0 : i32
    return %select_n3A, %select_n3A_28, %arg1, %c0_i32 : i32, i32, i32, i32
  }
  func.func @transform_1(%arg0: i32, %arg1: i32) -> (i32, i32, i32, i32) {
    %jit3A = arith.constant 12 : i32
    %div3A = arith.divsi %arg0, %jit3A : i32
    %sign3A = arith.constant 0 : i32
    %sign3A_0 = arith.cmpi sgt, %arg0, %sign3A : i32
    %sign3A_1 = arith.extui %sign3A_0 : i1 to i32
    %sign3A_2 = arith.constant 0 : i32
    %sign3A_3 = arith.cmpi slt, %arg0, %sign3A_2 : i32
    %sign3A_4 = arith.extui %sign3A_3 : i1 to i32
    %sign3A_5 = arith.subi %sign3A_1, %sign3A_4 : i32
    %sign3A_6 = arith.constant 0 : i32
    %sign3A_7 = arith.cmpi sgt, %jit3A, %sign3A_6 : i32
    %sign3A_8 = arith.extui %sign3A_7 : i1 to i32
    %sign3A_9 = arith.constant 0 : i32
    %sign3A_10 = arith.cmpi slt, %jit3A, %sign3A_9 : i32
    %sign3A_11 = arith.extui %sign3A_10 : i1 to i32
    %sign3A_12 = arith.subi %sign3A_8, %sign3A_11 : i32
    %ne3A = arith.cmpi ne, %sign3A_5, %sign3A_12 : i32
    %rem3A = arith.remsi %arg0, %jit3A : i32
    %ne3A_13 = arith.constant 0 : i32
    %ne3A_14 = arith.cmpi ne, %rem3A, %ne3A_13 : i32
    %and3A = arith.andi %ne3A, %ne3A_14 : i1
    %sub3A = arith.constant 1 : i32
    %sub3A_15 = arith.subi %div3A, %sub3A : i32
    %select_n3A = arith.select %and3A, %sub3A_15, %div3A : i32
    %jit3A_16 = arith.constant 12 : i32
    %eq3A = arith.constant 0 : i32
    %eq3A_17 = arith.cmpi eq, %jit3A_16, %eq3A : i32
    %jit3A_18 = arith.constant 1 : i32
    %select_n3A_19 = arith.select %eq3A_17, %jit3A_18, %jit3A_16 : i32
    %rem3A_20 = arith.remsi %arg0, %select_n3A_19 : i32
    %ne3A_21 = arith.constant 0 : i32
    %ne3A_22 = arith.cmpi ne, %rem3A_20, %ne3A_21 : i32
    %lt3A = arith.constant 0 : i32
    %lt3A_23 = arith.cmpi slt, %rem3A_20, %lt3A : i32
    %lt3A_24 = arith.constant 0 : i32
    %lt3A_25 = arith.cmpi slt, %select_n3A_19, %lt3A_24 : i32
    %ne3A_26 = arith.xori %lt3A_23, %lt3A_25 : i1
    %and3A_27 = arith.andi %ne3A_26, %ne3A_22 : i1
    %add3A = arith.addi %rem3A_20, %select_n3A_19 : i32
    %select_n3A_28 = arith.select %and3A_27, %add3A, %rem3A_20 : i32
    %c0_i32 = arith.constant 0 : i32
    %c0_i32_29 = arith.constant 0 : i32
    %c0_i32_30 = arith.constant 0 : i32
    return %select_n3A, %select_n3A_28, %c0_i32, %c0_i32_29 : i32, i32, i32, i32
  }
  func.func @transform_2(%arg0: i32, %arg1: i32) -> (i32, i32) {
    %c0_i32 = arith.constant 0 : i32
    %c0_i32_0 = arith.constant 0 : i32
    %c0_i32_1 = arith.constant 0 : i32
    return %c0_i32, %c0_i32_0 : i32, i32
  }
  func.func @transform_3(%arg0: i32, %arg1: i32) -> (i32, i32) {
    %c0_i32 = arith.constant 0 : i32
    %c0_i32_0 = arith.constant 0 : i32
    %c0_i32_1 = arith.constant 0 : i32
    return %c0_i32, %c0_i32_0 : i32, i32
  }
  func.func @transform_4(%arg0: i32, %arg1: i32) -> (i32, i32, i32) {
    %c0_i32 = arith.constant 0 : i32
    %c0_i32_0 = arith.constant 0 : i32
    return %arg0, %c0_i32, %arg1 : i32, i32, i32
  }
}

module attributes {stable_mosaic.version = 14 : i64} {
  func.func @_topk_kernel(%arg0: i32, %arg1: memref<24x1x2048xf32, #tpu.memory_space<vmem>>, %arg2: memref<24x32x128xi32, #tpu.memory_space<vmem>>) attributes {dimension_semantics = [#tpu.dimension_semantics<arbitrary>], iteration_bounds = array<i64: 1>, scalar_prefetch = 0 : i64, scratch_operands = 0 : i64, tpu.core_type = #tpu.core_type<tc>, window_params = [{pipeline_mode = #tpu.pipeline_mode<synchronous>, transform_indices = @transform_0, window_bounds = array<i64: 24, 1, 2048>}, {pipeline_mode = #tpu.pipeline_mode<synchronous>, transform_indices = @transform_1, window_bounds = array<i64: 24, 32, 128>}]} {
    %get3A = arith.constant 0 : index
    %get3A_0 = arith.constant 0 : index
    %get3A_1 = arith.constant 0 : index
    %get3A_2 = vector.load %arg1[%get3A, %get3A_0, %get3A_1] : memref<24x1x2048xf32, #tpu.memory_space<vmem>>, vector<24x1x2048xf32>
    %reshape3A = vector.shape_cast %get3A_2 : vector<24x1x2048xf32> to vector<24x2048xf32>
    %iota3A = tpu.iota {dimensions = array<i32: 1>} : vector<24x2048xi32>
    %reduce_max3A = arith.constant dense<0xFF800000> : vector<24xf32>
    %reduce_max3A_3 = vector.multi_reduction <maximumf>, %reshape3A, %reduce_max3A [1] : vector<24x2048xf32> to vector<24xf32>
    %broadcast_in_dim3A = vector.shape_cast %reduce_max3A_3 : vector<24xf32> to vector<24x1xf32>
    %eq3A = vector.broadcast %broadcast_in_dim3A : vector<24x1xf32> to vector<24x2048xf32>
    %eq3A_4 = arith.cmpf oeq, %reshape3A, %eq3A : vector<24x2048xf32>
    %jit3A = arith.constant 2048 : i32
    %broadcast_in_dim3A_5 = vector.broadcast %jit3A : i32 to vector<24x2048xi32>
    %select_n3A = arith.select %eq3A_4, %iota3A, %broadcast_in_dim3A_5 : vector<24x2048xi1>, vector<24x2048xi32>
    %reduce_min3A = arith.constant dense<2147483647> : vector<24xi32>
    %reduce_min3A_6 = vector.multi_reduction <minsi>, %select_n3A, %reduce_min3A [1] : vector<24x2048xi32> to vector<24xi32>
    %broadcast_in_dim3A_7 = vector.shape_cast %reduce_min3A_6 : vector<24xi32> to vector<24x1xi32>
    %eq3A_8 = vector.broadcast %broadcast_in_dim3A_7 : vector<24x1xi32> to vector<24x2048xi32>
    %eq3A_9 = arith.cmpi eq, %iota3A, %eq3A_8 : vector<24x2048xi32>
    %jit3A_10 = arith.constant 0xFF800000 : f32
    %broadcast_in_dim3A_11 = vector.broadcast %jit3A_10 : f32 to vector<24x2048xf32>
    %select_n3A_12 = arith.select %eq3A_9, %broadcast_in_dim3A_11, %reshape3A : vector<24x2048xi1>, vector<24x2048xf32>
    %broadcast_in_dim3A_13 = vector.shape_cast %broadcast_in_dim3A_7 : vector<24x1xi32> to vector<24x1xi32>
    %broadcast_in_dim3A_14 = vector.broadcast %broadcast_in_dim3A_13 : vector<24x1xi32> to vector<24x128xi32>
    %swap3A = arith.constant 0 : index
    %swap3A_15 = arith.constant 0 : index
    %swap3A_16 = arith.constant 0 : index
    %swap3A_17 = vector.load %arg2[%swap3A, %swap3A_15, %swap3A_16] : memref<24x32x128xi32, #tpu.memory_space<vmem>>, vector<24x1x128xi32>
    %swap3A_18 = vector.shape_cast %swap3A_17 : vector<24x1x128xi32> to vector<24x128xi32>
    %swap3A_19 = vector.shape_cast %broadcast_in_dim3A_14 : vector<24x128xi32> to vector<24x1x128xi32>
    tpu.vector_store %arg2[%swap3A, %swap3A_15, %swap3A_16], %swap3A_19 {strides = array<i32>} : memref<24x32x128xi32, #tpu.memory_space<vmem>>, vector<24x1x128xi32>,
    %reduce_max3A_20 = arith.constant dense<0xFF800000> : vector<24xf32>
    %reduce_max3A_21 = vector.multi_reduction <maximumf>, %select_n3A_12, %reduce_max3A_20 [1] : vector<24x2048xf32> to vector<24xf32>
    %broadcast_in_dim3A_22 = vector.shape_cast %reduce_max3A_21 : vector<24xf32> to vector<24x1xf32>
    %eq3A_23 = vector.broadcast %broadcast_in_dim3A_22 : vector<24x1xf32> to vector<24x2048xf32>
    %eq3A_24 = arith.cmpf oeq, %select_n3A_12, %eq3A_23 : vector<24x2048xf32>
    %jit3A_25 = arith.constant 2048 : i32
    %broadcast_in_dim3A_26 = vector.broadcast %jit3A_25 : i32 to vector<24x2048xi32>
    %select_n3A_27 = arith.select %eq3A_24, %iota3A, %broadcast_in_dim3A_26 : vector<24x2048xi1>, vector<24x2048xi32>
    %reduce_min3A_28 = arith.constant dense<2147483647> : vector<24xi32>
    %reduce_min3A_29 = vector.multi_reduction <minsi>, %select_n3A_27, %reduce_min3A_28 [1] : vector<24x2048xi32> to vector<24xi32>
    %broadcast_in_dim3A_30 = vector.shape_cast %reduce_min3A_29 : vector<24xi32> to vector<24x1xi32>
    %eq3A_31 = vector.broadcast %broadcast_in_dim3A_30 : vector<24x1xi32> to vector<24x2048xi32>
    %eq3A_32 = arith.cmpi eq, %iota3A, %eq3A_31 : vector<24x2048xi32>
    %jit3A_33 = arith.constant 0xFF800000 : f32
    %broadcast_in_dim3A_34 = vector.broadcast %jit3A_33 : f32 to vector<24x2048xf32>
    %select_n3A_35 = arith.select %eq3A_32, %broadcast_in_dim3A_34, %select_n3A_12 : vector<24x2048xi1>, vector<24x2048xf32>
    %broadcast_in_dim3A_36 = vector.shape_cast %broadcast_in_dim3A_30 : vector<24x1xi32> to vector<24x1xi32>
    %broadcast_in_dim3A_37 = vector.broadcast %broadcast_in_dim3A_36 : vector<24x1xi32> to vector<24x128xi32>
    %swap3A_38 = arith.constant 0 : index
    %swap3A_39 = arith.constant 1 : index
    %swap3A_40 = arith.constant 0 : index
    %swap3A_41 = vector.load %arg2[%swap3A_38, %swap3A_39, %swap3A_40] : memref<24x32x128xi32, #tpu.memory_space<vmem>>, vector<24x1x128xi32>
    %swap3A_42 = vector.shape_cast %swap3A_41 : vector<24x1x128xi32> to vector<24x128xi32>
    %swap3A_43 = vector.shape_cast %broadcast_in_dim3A_37 : vector<24x128xi32> to vector<24x1x128xi32>
    tpu.vector_store %arg2[%swap3A_38, %swap3A_39, %swap3A_40], %swap3A_43 {strides = array<i32>} : memref<24x32x128xi32, #tpu.memory_space<vmem>>, vector<24x1x128xi32>,
    %reduce_max3A_44 = arith.constant dense<0xFF800000> : vector<24xf32>
    %reduce_max3A_45 = vector.multi_reduction <maximumf>, %select_n3A_35, %reduce_max3A_44 [1] : vector<24x2048xf32> to vector<24xf32>
    %broadcast_in_dim3A_46 = vector.shape_cast %reduce_max3A_45 : vector<24xf32> to vector<24x1xf32>
    %eq3A_47 = vector.broadcast %broadcast_in_dim3A_46 : vector<24x1xf32> to vector<24x2048xf32>
    %eq3A_48 = arith.cmpf oeq, %select_n3A_35, %eq3A_47 : vector<24x2048xf32>
    %jit3A_49 = arith.constant 2048 : i32
    %broadcast_in_dim3A_50 = vector.broadcast %jit3A_49 : i32 to vector<24x2048xi32>
    %select_n3A_51 = arith.select %eq3A_48, %iota3A, %broadcast_in_dim3A_50 : vector<24x2048xi1>, vector<24x2048xi32>
    %reduce_min3A_52 = arith.constant dense<2147483647> : vector<24xi32>
    %reduce_min3A_53 = vector.multi_reduction <minsi>, %select_n3A_51, %reduce_min3A_52 [1] : vector<24x2048xi32> to vector<24xi32>
    %broadcast_in_dim3A_54 = vector.shape_cast %reduce_min3A_53 : vector<24xi32> to vector<24x1xi32>
    %eq3A_55 = vector.broadcast %broadcast_in_dim3A_54 : vector<24x1xi32> to vector<24x2048xi32>
    %eq3A_56 = arith.cmpi eq, %iota3A, %eq3A_55 : vector<24x2048xi32>
    %jit3A_57 = arith.constant 0xFF800000 : f32
    %broadcast_in_dim3A_58 = vector.broadcast %jit3A_57 : f32 to vector<24x2048xf32>
    %select_n3A_59 = arith.select %eq3A_56, %broadcast_in_dim3A_58, %select_n3A_35 : vector<24x2048xi1>, vector<24x2048xf32>
    %broadcast_in_dim3A_60 = vector.shape_cast %broadcast_in_dim3A_54 : vector<24x1xi32> to vector<24x1xi32>
    %broadcast_in_dim3A_61 = vector.broadcast %broadcast_in_dim3A_60 : vector<24x1xi32> to vector<24x128xi32>
    %swap3A_62 = arith.constant 0 : index
    %swap3A_63 = arith.constant 2 : index
    %swap3A_64 = arith.constant 0 : index
    %swap3A_65 = vector.load %arg2[%swap3A_62, %swap3A_63, %swap3A_64] : memref<24x32x128xi32, #tpu.memory_space<vmem>>, vector<24x1x128xi32>
    %swap3A_66 = vector.shape_cast %swap3A_65 : vector<24x1x128xi32> to vector<24x128xi32>
    %swap3A_67 = vector.shape_cast %broadcast_in_dim3A_61 : vector<24x128xi32> to vector<24x1x128xi32>
    tpu.vector_store %arg2[%swap3A_62, %swap3A_63, %swap3A_64], %swap3A_67 {strides = array<i32>} : memref<24x32x128xi32, #tpu.memory_space<vmem>>, vector<24x1x128xi32>,
    %reduce_max3A_68 = arith.constant dense<0xFF800000> : vector<24xf32>
    %reduce_max3A_69 = vector.multi_reduction <maximumf>, %select_n3A_59, %reduce_max3A_68 [1] : vector<24x2048xf32> to vector<24xf32>
    %broadcast_in_dim3A_70 = vector.shape_cast %reduce_max3A_69 : vector<24xf32> to vector<24x1xf32>
    %eq3A_71 = vector.broadcast %broadcast_in_dim3A_70 : vector<24x1xf32> to vector<24x2048xf32>
    %eq3A_72 = arith.cmpf oeq, %select_n3A_59, %eq3A_71 : vector<24x2048xf32>
    %jit3A_73 = arith.constant 2048 : i32
    %broadcast_in_dim3A_74 = vector.broadcast %jit3A_73 : i32 to vector<24x2048xi32>
    %select_n3A_75 = arith.select %eq3A_72, %iota3A, %broadcast_in_dim3A_74 : vector<24x2048xi1>, vector<24x2048xi32>
    %reduce_min3A_76 = arith.constant dense<2147483647> : vector<24xi32>
    %reduce_min3A_77 = vector.multi_reduction <minsi>, %select_n3A_75, %reduce_min3A_76 [1] : vector<24x2048xi32> to vector<24xi32>
    %broadcast_in_dim3A_78 = vector.shape_cast %reduce_min3A_77 : vector<24xi32> to vector<24x1xi32>
    %eq3A_79 = vector.broadcast %broadcast_in_dim3A_78 : vector<24x1xi32> to vector<24x2048xi32>
    %eq3A_80 = arith.cmpi eq, %iota3A, %eq3A_79 : vector<24x2048xi32>
    %jit3A_81 = arith.constant 0xFF800000 : f32
    %broadcast_in_dim3A_82 = vector.broadcast %jit3A_81 : f32 to vector<24x2048xf32>
    %select_n3A_83 = arith.select %eq3A_80, %broadcast_in_dim3A_82, %select_n3A_59 : vector<24x2048xi1>, vector<24x2048xf32>
    %broadcast_in_dim3A_84 = vector.shape_cast %broadcast_in_dim3A_78 : vector<24x1xi32> to vector<24x1xi32>
    %broadcast_in_dim3A_85 = vector.broadcast %broadcast_in_dim3A_84 : vector<24x1xi32> to vector<24x128xi32>
    %swap3A_86 = arith.constant 0 : index
    %swap3A_87 = arith.constant 3 : index
    %swap3A_88 = arith.constant 0 : index
    %swap3A_89 = vector.load %arg2[%swap3A_86, %swap3A_87, %swap3A_88] : memref<24x32x128xi32, #tpu.memory_space<vmem>>, vector<24x1x128xi32>
    %swap3A_90 = vector.shape_cast %swap3A_89 : vector<24x1x128xi32> to vector<24x128xi32>
    %swap3A_91 = vector.shape_cast %broadcast_in_dim3A_85 : vector<24x128xi32> to vector<24x1x128xi32>
    tpu.vector_store %arg2[%swap3A_86, %swap3A_87, %swap3A_88], %swap3A_91 {strides = array<i32>} : memref<24x32x128xi32, #tpu.memory_space<vmem>>, vector<24x1x128xi32>,
    %reduce_max3A_92 = arith.constant dense<0xFF800000> : vector<24xf32>
    %reduce_max3A_93 = vector.multi_reduction <maximumf>, %select_n3A_83, %reduce_max3A_92 [1] : vector<24x2048xf32> to vector<24xf32>
    %broadcast_in_dim3A_94 = vector.shape_cast %reduce_max3A_93 : vector<24xf32> to vector<24x1xf32>
    %eq3A_95 = vector.broadcast %broadcast_in_dim3A_94 : vector<24x1xf32> to vector<24x2048xf32>
    %eq3A_96 = arith.cmpf oeq, %select_n3A_83, %eq3A_95 : vector<24x2048xf32>
    %jit3A_97 = arith.constant 2048 : i32
    %broadcast_in_dim3A_98 = vector.broadcast %jit3A_97 : i32 to vector<24x2048xi32>
    %select_n3A_99 = arith.select %eq3A_96, %iota3A, %broadcast_in_dim3A_98 : vector<24x2048xi1>, vector<24x2048xi32>
    %reduce_min3A_100 = arith.constant dense<2147483647> : vector<24xi32>
    %reduce_min3A_101 = vector.multi_reduction <minsi>, %select_n3A_99, %reduce_min3A_100 [1] : vector<24x2048xi32> to vector<24xi32>
    %broadcast_in_dim3A_102 = vector.shape_cast %reduce_min3A_101 : vector<24xi32> to vector<24x1xi32>
    %eq3A_103 = vector.broadcast %broadcast_in_dim3A_102 : vector<24x1xi32> to vector<24x2048xi32>
    %eq3A_104 = arith.cmpi eq, %iota3A, %eq3A_103 : vector<24x2048xi32>
    %jit3A_105 = arith.constant 0xFF800000 : f32
    %broadcast_in_dim3A_106 = vector.broadcast %jit3A_105 : f32 to vector<24x2048xf32>
    %select_n3A_107 = arith.select %eq3A_104, %broadcast_in_dim3A_106, %select_n3A_83 : vector<24x2048xi1>, vector<24x2048xf32>
    %broadcast_in_dim3A_108 = vector.shape_cast %broadcast_in_dim3A_102 : vector<24x1xi32> to vector<24x1xi32>
    %broadcast_in_dim3A_109 = vector.broadcast %broadcast_in_dim3A_108 : vector<24x1xi32> to vector<24x128xi32>
    %swap3A_110 = arith.constant 0 : index
    %swap3A_111 = arith.constant 4 : index
    %swap3A_112 = arith.constant 0 : index
    %swap3A_113 = vector.load %arg2[%swap3A_110, %swap3A_111, %swap3A_112] : memref<24x32x128xi32, #tpu.memory_space<vmem>>, vector<24x1x128xi32>
    %swap3A_114 = vector.shape_cast %swap3A_113 : vector<24x1x128xi32> to vector<24x128xi32>
    %swap3A_115 = vector.shape_cast %broadcast_in_dim3A_109 : vector<24x128xi32> to vector<24x1x128xi32>
    tpu.vector_store %arg2[%swap3A_110, %swap3A_111, %swap3A_112], %swap3A_115 {strides = array<i32>} : memref<24x32x128xi32, #tpu.memory_space<vmem>>, vector<24x1x128xi32>,
    %reduce_max3A_116 = arith.constant dense<0xFF800000> : vector<24xf32>
    %reduce_max3A_117 = vector.multi_reduction <maximumf>, %select_n3A_107, %reduce_max3A_116 [1] : vector<24x2048xf32> to vector<24xf32>
    %broadcast_in_dim3A_118 = vector.shape_cast %reduce_max3A_117 : vector<24xf32> to vector<24x1xf32>
    %eq3A_119 = vector.broadcast %broadcast_in_dim3A_118 : vector<24x1xf32> to vector<24x2048xf32>
    %eq3A_120 = arith.cmpf oeq, %select_n3A_107, %eq3A_119 : vector<24x2048xf32>
    %jit3A_121 = arith.constant 2048 : i32
    %broadcast_in_dim3A_122 = vector.broadcast %jit3A_121 : i32 to vector<24x2048xi32>
    %select_n3A_123 = arith.select %eq3A_120, %iota3A, %broadcast_in_dim3A_122 : vector<24x2048xi1>, vector<24x2048xi32>
    %reduce_min3A_124 = arith.constant dense<2147483647> : vector<24xi32>
    %reduce_min3A_125 = vector.multi_reduction <minsi>, %select_n3A_123, %reduce_min3A_124 [1] : vector<24x2048xi32> to vector<24xi32>
    %broadcast_in_dim3A_126 = vector.shape_cast %reduce_min3A_125 : vector<24xi32> to vector<24x1xi32>
    %eq3A_127 = vector.broadcast %broadcast_in_dim3A_126 : vector<24x1xi32> to vector<24x2048xi32>
    %eq3A_128 = arith.cmpi eq, %iota3A, %eq3A_127 : vector<24x2048xi32>
    %jit3A_129 = arith.constant 0xFF800000 : f32
    %broadcast_in_dim3A_130 = vector.broadcast %jit3A_129 : f32 to vector<24x2048xf32>
    %select_n3A_131 = arith.select %eq3A_128, %broadcast_in_dim3A_130, %select_n3A_107 : vector<24x2048xi1>, vector<24x2048xf32>
    %broadcast_in_dim3A_132 = vector.shape_cast %broadcast_in_dim3A_126 : vector<24x1xi32> to vector<24x1xi32>
    %broadcast_in_dim3A_133 = vector.broadcast %broadcast_in_dim3A_132 : vector<24x1xi32> to vector<24x128xi32>
    %swap3A_134 = arith.constant 0 : index
    %swap3A_135 = arith.constant 5 : index
    %swap3A_136 = arith.constant 0 : index
    %swap3A_137 = vector.load %arg2[%swap3A_134, %swap3A_135, %swap3A_136] : memref<24x32x128xi32, #tpu.memory_space<vmem>>, vector<24x1x128xi32>
    %swap3A_138 = vector.shape_cast %swap3A_137 : vector<24x1x128xi32> to vector<24x128xi32>
    %swap3A_139 = vector.shape_cast %broadcast_in_dim3A_133 : vector<24x128xi32> to vector<24x1x128xi32>
    tpu.vector_store %arg2[%swap3A_134, %swap3A_135, %swap3A_136], %swap3A_139 {strides = array<i32>} : memref<24x32x128xi32, #tpu.memory_space<vmem>>, vector<24x1x128xi32>,
    %reduce_max3A_140 = arith.constant dense<0xFF800000> : vector<24xf32>
    %reduce_max3A_141 = vector.multi_reduction <maximumf>, %select_n3A_131, %reduce_max3A_140 [1] : vector<24x2048xf32> to vector<24xf32>
    %broadcast_in_dim3A_142 = vector.shape_cast %reduce_max3A_141 : vector<24xf32> to vector<24x1xf32>
    %eq3A_143 = vector.broadcast %broadcast_in_dim3A_142 : vector<24x1xf32> to vector<24x2048xf32>
    %eq3A_144 = arith.cmpf oeq, %select_n3A_131, %eq3A_143 : vector<24x2048xf32>
    %jit3A_145 = arith.constant 2048 : i32
    %broadcast_in_dim3A_146 = vector.broadcast %jit3A_145 : i32 to vector<24x2048xi32>
    %select_n3A_147 = arith.select %eq3A_144, %iota3A, %broadcast_in_dim3A_146 : vector<24x2048xi1>, vector<24x2048xi32>
    %reduce_min3A_148 = arith.constant dense<2147483647> : vector<24xi32>
    %reduce_min3A_149 = vector.multi_reduction <minsi>, %select_n3A_147, %reduce_min3A_148 [1] : vector<24x2048xi32> to vector<24xi32>
    %broadcast_in_dim3A_150 = vector.shape_cast %reduce_min3A_149 : vector<24xi32> to vector<24x1xi32>
    %eq3A_151 = vector.broadcast %broadcast_in_dim3A_150 : vector<24x1xi32> to vector<24x2048xi32>
    %eq3A_152 = arith.cmpi eq, %iota3A, %eq3A_151 : vector<24x2048xi32>
    %jit3A_153 = arith.constant 0xFF800000 : f32
    %broadcast_in_dim3A_154 = vector.broadcast %jit3A_153 : f32 to vector<24x2048xf32>
    %select_n3A_155 = arith.select %eq3A_152, %broadcast_in_dim3A_154, %select_n3A_131 : vector<24x2048xi1>, vector<24x2048xf32>
    %broadcast_in_dim3A_156 = vector.shape_cast %broadcast_in_dim3A_150 : vector<24x1xi32> to vector<24x1xi32>
    %broadcast_in_dim3A_157 = vector.broadcast %broadcast_in_dim3A_156 : vector<24x1xi32> to vector<24x128xi32>
    %swap3A_158 = arith.constant 0 : index
    %swap3A_159 = arith.constant 6 : index
    %swap3A_160 = arith.constant 0 : index
    %swap3A_161 = vector.load %arg2[%swap3A_158, %swap3A_159, %swap3A_160] : memref<24x32x128xi32, #tpu.memory_space<vmem>>, vector<24x1x128xi32>
    %swap3A_162 = vector.shape_cast %swap3A_161 : vector<24x1x128xi32> to vector<24x128xi32>
    %swap3A_163 = vector.shape_cast %broadcast_in_dim3A_157 : vector<24x128xi32> to vector<24x1x128xi32>
    tpu.vector_store %arg2[%swap3A_158, %swap3A_159, %swap3A_160], %swap3A_163 {strides = array<i32>} : memref<24x32x128xi32, #tpu.memory_space<vmem>>, vector<24x1x128xi32>,
    %reduce_max3A_164 = arith.constant dense<0xFF800000> : vector<24xf32>
    %reduce_max3A_165 = vector.multi_reduction <maximumf>, %select_n3A_155, %reduce_max3A_164 [1] : vector<24x2048xf32> to vector<24xf32>
    %broadcast_in_dim3A_166 = vector.shape_cast %reduce_max3A_165 : vector<24xf32> to vector<24x1xf32>
    %eq3A_167 = vector.broadcast %broadcast_in_dim3A_166 : vector<24x1xf32> to vector<24x2048xf32>
    %eq3A_168 = arith.cmpf oeq, %select_n3A_155, %eq3A_167 : vector<24x2048xf32>
    %jit3A_169 = arith.constant 2048 : i32
    %broadcast_in_dim3A_170 = vector.broadcast %jit3A_169 : i32 to vector<24x2048xi32>
    %select_n3A_171 = arith.select %eq3A_168, %iota3A, %broadcast_in_dim3A_170 : vector<24x2048xi1>, vector<24x2048xi32>
    %reduce_min3A_172 = arith.constant dense<2147483647> : vector<24xi32>
    %reduce_min3A_173 = vector.multi_reduction <minsi>, %select_n3A_171, %reduce_min3A_172 [1] : vector<24x2048xi32> to vector<24xi32>
    %broadcast_in_dim3A_174 = vector.shape_cast %reduce_min3A_173 : vector<24xi32> to vector<24x1xi32>
    %eq3A_175 = vector.broadcast %broadcast_in_dim3A_174 : vector<24x1xi32> to vector<24x2048xi32>
    %eq3A_176 = arith.cmpi eq, %iota3A, %eq3A_175 : vector<24x2048xi32>
    %jit3A_177 = arith.constant 0xFF800000 : f32
    %broadcast_in_dim3A_178 = vector.broadcast %jit3A_177 : f32 to vector<24x2048xf32>
    %select_n3A_179 = arith.select %eq3A_176, %broadcast_in_dim3A_178, %select_n3A_155 : vector<24x2048xi1>, vector<24x2048xf32>
    %broadcast_in_dim3A_180 = vector.shape_cast %broadcast_in_dim3A_174 : vector<24x1xi32> to vector<24x1xi32>
    %broadcast_in_dim3A_181 = vector.broadcast %broadcast_in_dim3A_180 : vector<24x1xi32> to vector<24x128xi32>
    %swap3A_182 = arith.constant 0 : index
    %swap3A_183 = arith.constant 7 : index
    %swap3A_184 = arith.constant 0 : index
    %swap3A_185 = vector.load %arg2[%swap3A_182, %swap3A_183, %swap3A_184] : memref<24x32x128xi32, #tpu.memory_space<vmem>>, vector<24x1x128xi32>
    %swap3A_186 = vector.shape_cast %swap3A_185 : vector<24x1x128xi32> to vector<24x128xi32>
    %swap3A_187 = vector.shape_cast %broadcast_in_dim3A_181 : vector<24x128xi32> to vector<24x1x128xi32>
    tpu.vector_store %arg2[%swap3A_182, %swap3A_183, %swap3A_184], %swap3A_187 {strides = array<i32>} : memref<24x32x128xi32, #tpu.memory_space<vmem>>, vector<24x1x128xi32>,
    %reduce_max3A_188 = arith.constant dense<0xFF800000> : vector<24xf32>
    %reduce_max3A_189 = vector.multi_reduction <maximumf>, %select_n3A_179, %reduce_max3A_188 [1] : vector<24x2048xf32> to vector<24xf32>
    %broadcast_in_dim3A_190 = vector.shape_cast %reduce_max3A_189 : vector<24xf32> to vector<24x1xf32>
    %eq3A_191 = vector.broadcast %broadcast_in_dim3A_190 : vector<24x1xf32> to vector<24x2048xf32>
    %eq3A_192 = arith.cmpf oeq, %select_n3A_179, %eq3A_191 : vector<24x2048xf32>
    %jit3A_193 = arith.constant 2048 : i32
    %broadcast_in_dim3A_194 = vector.broadcast %jit3A_193 : i32 to vector<24x2048xi32>
    %select_n3A_195 = arith.select %eq3A_192, %iota3A, %broadcast_in_dim3A_194 : vector<24x2048xi1>, vector<24x2048xi32>
    %reduce_min3A_196 = arith.constant dense<2147483647> : vector<24xi32>
    %reduce_min3A_197 = vector.multi_reduction <minsi>, %select_n3A_195, %reduce_min3A_196 [1] : vector<24x2048xi32> to vector<24xi32>
    %broadcast_in_dim3A_198 = vector.shape_cast %reduce_min3A_197 : vector<24xi32> to vector<24x1xi32>
    %eq3A_199 = vector.broadcast %broadcast_in_dim3A_198 : vector<24x1xi32> to vector<24x2048xi32>
    %eq3A_200 = arith.cmpi eq, %iota3A, %eq3A_199 : vector<24x2048xi32>
    %jit3A_201 = arith.constant 0xFF800000 : f32
    %broadcast_in_dim3A_202 = vector.broadcast %jit3A_201 : f32 to vector<24x2048xf32>
    %select_n3A_203 = arith.select %eq3A_200, %broadcast_in_dim3A_202, %select_n3A_179 : vector<24x2048xi1>, vector<24x2048xf32>
    %broadcast_in_dim3A_204 = vector.shape_cast %broadcast_in_dim3A_198 : vector<24x1xi32> to vector<24x1xi32>
    %broadcast_in_dim3A_205 = vector.broadcast %broadcast_in_dim3A_204 : vector<24x1xi32> to vector<24x128xi32>
    %swap3A_206 = arith.constant 0 : index
    %swap3A_207 = arith.constant 8 : index
    %swap3A_208 = arith.constant 0 : index
    %swap3A_209 = vector.load %arg2[%swap3A_206, %swap3A_207, %swap3A_208] : memref<24x32x128xi32, #tpu.memory_space<vmem>>, vector<24x1x128xi32>
    %swap3A_210 = vector.shape_cast %swap3A_209 : vector<24x1x128xi32> to vector<24x128xi32>
    %swap3A_211 = vector.shape_cast %broadcast_in_dim3A_205 : vector<24x128xi32> to vector<24x1x128xi32>
    tpu.vector_store %arg2[%swap3A_206, %swap3A_207, %swap3A_208], %swap3A_211 {strides = array<i32>} : memref<24x32x128xi32, #tpu.memory_space<vmem>>, vector<24x1x128xi32>,
    %reduce_max3A_212 = arith.constant dense<0xFF800000> : vector<24xf32>
    %reduce_max3A_213 = vector.multi_reduction <maximumf>, %select_n3A_203, %reduce_max3A_212 [1] : vector<24x2048xf32> to vector<24xf32>
    %broadcast_in_dim3A_214 = vector.shape_cast %reduce_max3A_213 : vector<24xf32> to vector<24x1xf32>
    %eq3A_215 = vector.broadcast %broadcast_in_dim3A_214 : vector<24x1xf32> to vector<24x2048xf32>
    %eq3A_216 = arith.cmpf oeq, %select_n3A_203, %eq3A_215 : vector<24x2048xf32>
    %jit3A_217 = arith.constant 2048 : i32
    %broadcast_in_dim3A_218 = vector.broadcast %jit3A_217 : i32 to vector<24x2048xi32>
    %select_n3A_219 = arith.select %eq3A_216, %iota3A, %broadcast_in_dim3A_218 : vector<24x2048xi1>, vector<24x2048xi32>
    %reduce_min3A_220 = arith.constant dense<2147483647> : vector<24xi32>
    %reduce_min3A_221 = vector.multi_reduction <minsi>, %select_n3A_219, %reduce_min3A_220 [1] : vector<24x2048xi32> to vector<24xi32>
    %broadcast_in_dim3A_222 = vector.shape_cast %reduce_min3A_221 : vector<24xi32> to vector<24x1xi32>
    %eq3A_223 = vector.broadcast %broadcast_in_dim3A_222 : vector<24x1xi32> to vector<24x2048xi32>
    %eq3A_224 = arith.cmpi eq, %iota3A, %eq3A_223 : vector<24x2048xi32>
    %jit3A_225 = arith.constant 0xFF800000 : f32
    %broadcast_in_dim3A_226 = vector.broadcast %jit3A_225 : f32 to vector<24x2048xf32>
    %select_n3A_227 = arith.select %eq3A_224, %broadcast_in_dim3A_226, %select_n3A_203 : vector<24x2048xi1>, vector<24x2048xf32>
    %broadcast_in_dim3A_228 = vector.shape_cast %broadcast_in_dim3A_222 : vector<24x1xi32> to vector<24x1xi32>
    %broadcast_in_dim3A_229 = vector.broadcast %broadcast_in_dim3A_228 : vector<24x1xi32> to vector<24x128xi32>
    %swap3A_230 = arith.constant 0 : index
    %swap3A_231 = arith.constant 9 : index
    %swap3A_232 = arith.constant 0 : index
    %swap3A_233 = vector.load %arg2[%swap3A_230, %swap3A_231, %swap3A_232] : memref<24x32x128xi32, #tpu.memory_space<vmem>>, vector<24x1x128xi32>
    %swap3A_234 = vector.shape_cast %swap3A_233 : vector<24x1x128xi32> to vector<24x128xi32>
    %swap3A_235 = vector.shape_cast %broadcast_in_dim3A_229 : vector<24x128xi32> to vector<24x1x128xi32>
    tpu.vector_store %arg2[%swap3A_230, %swap3A_231, %swap3A_232], %swap3A_235 {strides = array<i32>} : memref<24x32x128xi32, #tpu.memory_space<vmem>>, vector<24x1x128xi32>,
    %reduce_max3A_236 = arith.constant dense<0xFF800000> : vector<24xf32>
    %reduce_max3A_237 = vector.multi_reduction <maximumf>, %select_n3A_227, %reduce_max3A_236 [1] : vector<24x2048xf32> to vector<24xf32>
    %broadcast_in_dim3A_238 = vector.shape_cast %reduce_max3A_237 : vector<24xf32> to vector<24x1xf32>
    %eq3A_239 = vector.broadcast %broadcast_in_dim3A_238 : vector<24x1xf32> to vector<24x2048xf32>
    %eq3A_240 = arith.cmpf oeq, %select_n3A_227, %eq3A_239 : vector<24x2048xf32>
    %jit3A_241 = arith.constant 2048 : i32
    %broadcast_in_dim3A_242 = vector.broadcast %jit3A_241 : i32 to vector<24x2048xi32>
    %select_n3A_243 = arith.select %eq3A_240, %iota3A, %broadcast_in_dim3A_242 : vector<24x2048xi1>, vector<24x2048xi32>
    %reduce_min3A_244 = arith.constant dense<2147483647> : vector<24xi32>
    %reduce_min3A_245 = vector.multi_reduction <minsi>, %select_n3A_243, %reduce_min3A_244 [1] : vector<24x2048xi32> to vector<24xi32>
    %broadcast_in_dim3A_246 = vector.shape_cast %reduce_min3A_245 : vector<24xi32> to vector<24x1xi32>
    %eq3A_247 = vector.broadcast %broadcast_in_dim3A_246 : vector<24x1xi32> to vector<24x2048xi32>
    %eq3A_248 = arith.cmpi eq, %iota3A, %eq3A_247 : vector<24x2048xi32>
    %jit3A_249 = arith.constant 0xFF800000 : f32
    %broadcast_in_dim3A_250 = vector.broadcast %jit3A_249 : f32 to vector<24x2048xf32>
    %select_n3A_251 = arith.select %eq3A_248, %broadcast_in_dim3A_250, %select_n3A_227 : vector<24x2048xi1>, vector<24x2048xf32>
    %broadcast_in_dim3A_252 = vector.shape_cast %broadcast_in_dim3A_246 : vector<24x1xi32> to vector<24x1xi32>
    %broadcast_in_dim3A_253 = vector.broadcast %broadcast_in_dim3A_252 : vector<24x1xi32> to vector<24x128xi32>
    %swap3A_254 = arith.constant 0 : index
    %swap3A_255 = arith.constant 10 : index
    %swap3A_256 = arith.constant 0 : index
    %swap3A_257 = vector.load %arg2[%swap3A_254, %swap3A_255, %swap3A_256] : memref<24x32x128xi32, #tpu.memory_space<vmem>>, vector<24x1x128xi32>
    %swap3A_258 = vector.shape_cast %swap3A_257 : vector<24x1x128xi32> to vector<24x128xi32>
    %swap3A_259 = vector.shape_cast %broadcast_in_dim3A_253 : vector<24x128xi32> to vector<24x1x128xi32>
    tpu.vector_store %arg2[%swap3A_254, %swap3A_255, %swap3A_256], %swap3A_259 {strides = array<i32>} : memref<24x32x128xi32, #tpu.memory_space<vmem>>, vector<24x1x128xi32>,
    %reduce_max3A_260 = arith.constant dense<0xFF800000> : vector<24xf32>
    %reduce_max3A_261 = vector.multi_reduction <maximumf>, %select_n3A_251, %reduce_max3A_260 [1] : vector<24x2048xf32> to vector<24xf32>
    %broadcast_in_dim3A_262 = vector.shape_cast %reduce_max3A_261 : vector<24xf32> to vector<24x1xf32>
    %eq3A_263 = vector.broadcast %broadcast_in_dim3A_262 : vector<24x1xf32> to vector<24x2048xf32>
    %eq3A_264 = arith.cmpf oeq, %select_n3A_251, %eq3A_263 : vector<24x2048xf32>
    %jit3A_265 = arith.constant 2048 : i32
    %broadcast_in_dim3A_266 = vector.broadcast %jit3A_265 : i32 to vector<24x2048xi32>
    %select_n3A_267 = arith.select %eq3A_264, %iota3A, %broadcast_in_dim3A_266 : vector<24x2048xi1>, vector<24x2048xi32>
    %reduce_min3A_268 = arith.constant dense<2147483647> : vector<24xi32>
    %reduce_min3A_269 = vector.multi_reduction <minsi>, %select_n3A_267, %reduce_min3A_268 [1] : vector<24x2048xi32> to vector<24xi32>
    %broadcast_in_dim3A_270 = vector.shape_cast %reduce_min3A_269 : vector<24xi32> to vector<24x1xi32>
    %eq3A_271 = vector.broadcast %broadcast_in_dim3A_270 : vector<24x1xi32> to vector<24x2048xi32>
    %eq3A_272 = arith.cmpi eq, %iota3A, %eq3A_271 : vector<24x2048xi32>
    %jit3A_273 = arith.constant 0xFF800000 : f32
    %broadcast_in_dim3A_274 = vector.broadcast %jit3A_273 : f32 to vector<24x2048xf32>
    %select_n3A_275 = arith.select %eq3A_272, %broadcast_in_dim3A_274, %select_n3A_251 : vector<24x2048xi1>, vector<24x2048xf32>
    %broadcast_in_dim3A_276 = vector.shape_cast %broadcast_in_dim3A_270 : vector<24x1xi32> to vector<24x1xi32>
    %broadcast_in_dim3A_277 = vector.broadcast %broadcast_in_dim3A_276 : vector<24x1xi32> to vector<24x128xi32>
    %swap3A_278 = arith.constant 0 : index
    %swap3A_279 = arith.constant 11 : index
    %swap3A_280 = arith.constant 0 : index
    %swap3A_281 = vector.load %arg2[%swap3A_278, %swap3A_279, %swap3A_280] : memref<24x32x128xi32, #tpu.memory_space<vmem>>, vector<24x1x128xi32>
    %swap3A_282 = vector.shape_cast %swap3A_281 : vector<24x1x128xi32> to vector<24x128xi32>
    %swap3A_283 = vector.shape_cast %broadcast_in_dim3A_277 : vector<24x128xi32> to vector<24x1x128xi32>
    tpu.vector_store %arg2[%swap3A_278, %swap3A_279, %swap3A_280], %swap3A_283 {strides = array<i32>} : memref<24x32x128xi32, #tpu.memory_space<vmem>>, vector<24x1x128xi32>,
    %reduce_max3A_284 = arith.constant dense<0xFF800000> : vector<24xf32>
    %reduce_max3A_285 = vector.multi_reduction <maximumf>, %select_n3A_275, %reduce_max3A_284 [1] : vector<24x2048xf32> to vector<24xf32>
    %broadcast_in_dim3A_286 = vector.shape_cast %reduce_max3A_285 : vector<24xf32> to vector<24x1xf32>
    %eq3A_287 = vector.broadcast %broadcast_in_dim3A_286 : vector<24x1xf32> to vector<24x2048xf32>
    %eq3A_288 = arith.cmpf oeq, %select_n3A_275, %eq3A_287 : vector<24x2048xf32>
    %jit3A_289 = arith.constant 2048 : i32
    %broadcast_in_dim3A_290 = vector.broadcast %jit3A_289 : i32 to vector<24x2048xi32>
    %select_n3A_291 = arith.select %eq3A_288, %iota3A, %broadcast_in_dim3A_290 : vector<24x2048xi1>, vector<24x2048xi32>
    %reduce_min3A_292 = arith.constant dense<2147483647> : vector<24xi32>
    %reduce_min3A_293 = vector.multi_reduction <minsi>, %select_n3A_291, %reduce_min3A_292 [1] : vector<24x2048xi32> to vector<24xi32>
    %broadcast_in_dim3A_294 = vector.shape_cast %reduce_min3A_293 : vector<24xi32> to vector<24x1xi32>
    %eq3A_295 = vector.broadcast %broadcast_in_dim3A_294 : vector<24x1xi32> to vector<24x2048xi32>
    %eq3A_296 = arith.cmpi eq, %iota3A, %eq3A_295 : vector<24x2048xi32>
    %jit3A_297 = arith.constant 0xFF800000 : f32
    %broadcast_in_dim3A_298 = vector.broadcast %jit3A_297 : f32 to vector<24x2048xf32>
    %select_n3A_299 = arith.select %eq3A_296, %broadcast_in_dim3A_298, %select_n3A_275 : vector<24x2048xi1>, vector<24x2048xf32>
    %broadcast_in_dim3A_300 = vector.shape_cast %broadcast_in_dim3A_294 : vector<24x1xi32> to vector<24x1xi32>
    %broadcast_in_dim3A_301 = vector.broadcast %broadcast_in_dim3A_300 : vector<24x1xi32> to vector<24x128xi32>
    %swap3A_302 = arith.constant 0 : index
    %swap3A_303 = arith.constant 12 : index
    %swap3A_304 = arith.constant 0 : index
    %swap3A_305 = vector.load %arg2[%swap3A_302, %swap3A_303, %swap3A_304] : memref<24x32x128xi32, #tpu.memory_space<vmem>>, vector<24x1x128xi32>
    %swap3A_306 = vector.shape_cast %swap3A_305 : vector<24x1x128xi32> to vector<24x128xi32>
    %swap3A_307 = vector.shape_cast %broadcast_in_dim3A_301 : vector<24x128xi32> to vector<24x1x128xi32>
    tpu.vector_store %arg2[%swap3A_302, %swap3A_303, %swap3A_304], %swap3A_307 {strides = array<i32>} : memref<24x32x128xi32, #tpu.memory_space<vmem>>, vector<24x1x128xi32>,
    %reduce_max3A_308 = arith.constant dense<0xFF800000> : vector<24xf32>
    %reduce_max3A_309 = vector.multi_reduction <maximumf>, %select_n3A_299, %reduce_max3A_308 [1] : vector<24x2048xf32> to vector<24xf32>
    %broadcast_in_dim3A_310 = vector.shape_cast %reduce_max3A_309 : vector<24xf32> to vector<24x1xf32>
    %eq3A_311 = vector.broadcast %broadcast_in_dim3A_310 : vector<24x1xf32> to vector<24x2048xf32>
    %eq3A_312 = arith.cmpf oeq, %select_n3A_299, %eq3A_311 : vector<24x2048xf32>
    %jit3A_313 = arith.constant 2048 : i32
    %broadcast_in_dim3A_314 = vector.broadcast %jit3A_313 : i32 to vector<24x2048xi32>
    %select_n3A_315 = arith.select %eq3A_312, %iota3A, %broadcast_in_dim3A_314 : vector<24x2048xi1>, vector<24x2048xi32>
    %reduce_min3A_316 = arith.constant dense<2147483647> : vector<24xi32>
    %reduce_min3A_317 = vector.multi_reduction <minsi>, %select_n3A_315, %reduce_min3A_316 [1] : vector<24x2048xi32> to vector<24xi32>
    %broadcast_in_dim3A_318 = vector.shape_cast %reduce_min3A_317 : vector<24xi32> to vector<24x1xi32>
    %eq3A_319 = vector.broadcast %broadcast_in_dim3A_318 : vector<24x1xi32> to vector<24x2048xi32>
    %eq3A_320 = arith.cmpi eq, %iota3A, %eq3A_319 : vector<24x2048xi32>
    %jit3A_321 = arith.constant 0xFF800000 : f32
    %broadcast_in_dim3A_322 = vector.broadcast %jit3A_321 : f32 to vector<24x2048xf32>
    %select_n3A_323 = arith.select %eq3A_320, %broadcast_in_dim3A_322, %select_n3A_299 : vector<24x2048xi1>, vector<24x2048xf32>
    %broadcast_in_dim3A_324 = vector.shape_cast %broadcast_in_dim3A_318 : vector<24x1xi32> to vector<24x1xi32>
    %broadcast_in_dim3A_325 = vector.broadcast %broadcast_in_dim3A_324 : vector<24x1xi32> to vector<24x128xi32>
    %swap3A_326 = arith.constant 0 : index
    %swap3A_327 = arith.constant 13 : index
    %swap3A_328 = arith.constant 0 : index
    %swap3A_329 = vector.load %arg2[%swap3A_326, %swap3A_327, %swap3A_328] : memref<24x32x128xi32, #tpu.memory_space<vmem>>, vector<24x1x128xi32>
    %swap3A_330 = vector.shape_cast %swap3A_329 : vector<24x1x128xi32> to vector<24x128xi32>
    %swap3A_331 = vector.shape_cast %broadcast_in_dim3A_325 : vector<24x128xi32> to vector<24x1x128xi32>
    tpu.vector_store %arg2[%swap3A_326, %swap3A_327, %swap3A_328], %swap3A_331 {strides = array<i32>} : memref<24x32x128xi32, #tpu.memory_space<vmem>>, vector<24x1x128xi32>,
    %reduce_max3A_332 = arith.constant dense<0xFF800000> : vector<24xf32>
    %reduce_max3A_333 = vector.multi_reduction <maximumf>, %select_n3A_323, %reduce_max3A_332 [1] : vector<24x2048xf32> to vector<24xf32>
    %broadcast_in_dim3A_334 = vector.shape_cast %reduce_max3A_333 : vector<24xf32> to vector<24x1xf32>
    %eq3A_335 = vector.broadcast %broadcast_in_dim3A_334 : vector<24x1xf32> to vector<24x2048xf32>
    %eq3A_336 = arith.cmpf oeq, %select_n3A_323, %eq3A_335 : vector<24x2048xf32>
    %jit3A_337 = arith.constant 2048 : i32
    %broadcast_in_dim3A_338 = vector.broadcast %jit3A_337 : i32 to vector<24x2048xi32>
    %select_n3A_339 = arith.select %eq3A_336, %iota3A, %broadcast_in_dim3A_338 : vector<24x2048xi1>, vector<24x2048xi32>
    %reduce_min3A_340 = arith.constant dense<2147483647> : vector<24xi32>
    %reduce_min3A_341 = vector.multi_reduction <minsi>, %select_n3A_339, %reduce_min3A_340 [1] : vector<24x2048xi32> to vector<24xi32>
    %broadcast_in_dim3A_342 = vector.shape_cast %reduce_min3A_341 : vector<24xi32> to vector<24x1xi32>
    %eq3A_343 = vector.broadcast %broadcast_in_dim3A_342 : vector<24x1xi32> to vector<24x2048xi32>
    %eq3A_344 = arith.cmpi eq, %iota3A, %eq3A_343 : vector<24x2048xi32>
    %jit3A_345 = arith.constant 0xFF800000 : f32
    %broadcast_in_dim3A_346 = vector.broadcast %jit3A_345 : f32 to vector<24x2048xf32>
    %select_n3A_347 = arith.select %eq3A_344, %broadcast_in_dim3A_346, %select_n3A_323 : vector<24x2048xi1>, vector<24x2048xf32>
    %broadcast_in_dim3A_348 = vector.shape_cast %broadcast_in_dim3A_342 : vector<24x1xi32> to vector<24x1xi32>
    %broadcast_in_dim3A_349 = vector.broadcast %broadcast_in_dim3A_348 : vector<24x1xi32> to vector<24x128xi32>
    %swap3A_350 = arith.constant 0 : index
    %swap3A_351 = arith.constant 14 : index
    %swap3A_352 = arith.constant 0 : index
    %swap3A_353 = vector.load %arg2[%swap3A_350, %swap3A_351, %swap3A_352] : memref<24x32x128xi32, #tpu.memory_space<vmem>>, vector<24x1x128xi32>
    %swap3A_354 = vector.shape_cast %swap3A_353 : vector<24x1x128xi32> to vector<24x128xi32>
    %swap3A_355 = vector.shape_cast %broadcast_in_dim3A_349 : vector<24x128xi32> to vector<24x1x128xi32>
    tpu.vector_store %arg2[%swap3A_350, %swap3A_351, %swap3A_352], %swap3A_355 {strides = array<i32>} : memref<24x32x128xi32, #tpu.memory_space<vmem>>, vector<24x1x128xi32>,
    %reduce_max3A_356 = arith.constant dense<0xFF800000> : vector<24xf32>
    %reduce_max3A_357 = vector.multi_reduction <maximumf>, %select_n3A_347, %reduce_max3A_356 [1] : vector<24x2048xf32> to vector<24xf32>
    %broadcast_in_dim3A_358 = vector.shape_cast %reduce_max3A_357 : vector<24xf32> to vector<24x1xf32>
    %eq3A_359 = vector.broadcast %broadcast_in_dim3A_358 : vector<24x1xf32> to vector<24x2048xf32>
    %eq3A_360 = arith.cmpf oeq, %select_n3A_347, %eq3A_359 : vector<24x2048xf32>
    %jit3A_361 = arith.constant 2048 : i32
    %broadcast_in_dim3A_362 = vector.broadcast %jit3A_361 : i32 to vector<24x2048xi32>
    %select_n3A_363 = arith.select %eq3A_360, %iota3A, %broadcast_in_dim3A_362 : vector<24x2048xi1>, vector<24x2048xi32>
    %reduce_min3A_364 = arith.constant dense<2147483647> : vector<24xi32>
    %reduce_min3A_365 = vector.multi_reduction <minsi>, %select_n3A_363, %reduce_min3A_364 [1] : vector<24x2048xi32> to vector<24xi32>
    %broadcast_in_dim3A_366 = vector.shape_cast %reduce_min3A_365 : vector<24xi32> to vector<24x1xi32>
    %eq3A_367 = vector.broadcast %broadcast_in_dim3A_366 : vector<24x1xi32> to vector<24x2048xi32>
    %eq3A_368 = arith.cmpi eq, %iota3A, %eq3A_367 : vector<24x2048xi32>
    %jit3A_369 = arith.constant 0xFF800000 : f32
    %broadcast_in_dim3A_370 = vector.broadcast %jit3A_369 : f32 to vector<24x2048xf32>
    %select_n3A_371 = arith.select %eq3A_368, %broadcast_in_dim3A_370, %select_n3A_347 : vector<24x2048xi1>, vector<24x2048xf32>
    %broadcast_in_dim3A_372 = vector.shape_cast %broadcast_in_dim3A_366 : vector<24x1xi32> to vector<24x1xi32>
    %broadcast_in_dim3A_373 = vector.broadcast %broadcast_in_dim3A_372 : vector<24x1xi32> to vector<24x128xi32>
    %swap3A_374 = arith.constant 0 : index
    %swap3A_375 = arith.constant 15 : index
    %swap3A_376 = arith.constant 0 : index
    %swap3A_377 = vector.load %arg2[%swap3A_374, %swap3A_375, %swap3A_376] : memref<24x32x128xi32, #tpu.memory_space<vmem>>, vector<24x1x128xi32>
    %swap3A_378 = vector.shape_cast %swap3A_377 : vector<24x1x128xi32> to vector<24x128xi32>
    %swap3A_379 = vector.shape_cast %broadcast_in_dim3A_373 : vector<24x128xi32> to vector<24x1x128xi32>
    tpu.vector_store %arg2[%swap3A_374, %swap3A_375, %swap3A_376], %swap3A_379 {strides = array<i32>} : memref<24x32x128xi32, #tpu.memory_space<vmem>>, vector<24x1x128xi32>,
    %reduce_max3A_380 = arith.constant dense<0xFF800000> : vector<24xf32>
    %reduce_max3A_381 = vector.multi_reduction <maximumf>, %select_n3A_371, %reduce_max3A_380 [1] : vector<24x2048xf32> to vector<24xf32>
    %broadcast_in_dim3A_382 = vector.shape_cast %reduce_max3A_381 : vector<24xf32> to vector<24x1xf32>
    %eq3A_383 = vector.broadcast %broadcast_in_dim3A_382 : vector<24x1xf32> to vector<24x2048xf32>
    %eq3A_384 = arith.cmpf oeq, %select_n3A_371, %eq3A_383 : vector<24x2048xf32>
    %jit3A_385 = arith.constant 2048 : i32
    %broadcast_in_dim3A_386 = vector.broadcast %jit3A_385 : i32 to vector<24x2048xi32>
    %select_n3A_387 = arith.select %eq3A_384, %iota3A, %broadcast_in_dim3A_386 : vector<24x2048xi1>, vector<24x2048xi32>
    %reduce_min3A_388 = arith.constant dense<2147483647> : vector<24xi32>
    %reduce_min3A_389 = vector.multi_reduction <minsi>, %select_n3A_387, %reduce_min3A_388 [1] : vector<24x2048xi32> to vector<24xi32>
    %broadcast_in_dim3A_390 = vector.shape_cast %reduce_min3A_389 : vector<24xi32> to vector<24x1xi32>
    %eq3A_391 = vector.broadcast %broadcast_in_dim3A_390 : vector<24x1xi32> to vector<24x2048xi32>
    %eq3A_392 = arith.cmpi eq, %iota3A, %eq3A_391 : vector<24x2048xi32>
    %jit3A_393 = arith.constant 0xFF800000 : f32
    %broadcast_in_dim3A_394 = vector.broadcast %jit3A_393 : f32 to vector<24x2048xf32>
    %select_n3A_395 = arith.select %eq3A_392, %broadcast_in_dim3A_394, %select_n3A_371 : vector<24x2048xi1>, vector<24x2048xf32>
    %broadcast_in_dim3A_396 = vector.shape_cast %broadcast_in_dim3A_390 : vector<24x1xi32> to vector<24x1xi32>
    %broadcast_in_dim3A_397 = vector.broadcast %broadcast_in_dim3A_396 : vector<24x1xi32> to vector<24x128xi32>
    %swap3A_398 = arith.constant 0 : index
    %swap3A_399 = arith.constant 16 : index
    %swap3A_400 = arith.constant 0 : index
    %swap3A_401 = vector.load %arg2[%swap3A_398, %swap3A_399, %swap3A_400] : memref<24x32x128xi32, #tpu.memory_space<vmem>>, vector<24x1x128xi32>
    %swap3A_402 = vector.shape_cast %swap3A_401 : vector<24x1x128xi32> to vector<24x128xi32>
    %swap3A_403 = vector.shape_cast %broadcast_in_dim3A_397 : vector<24x128xi32> to vector<24x1x128xi32>
    tpu.vector_store %arg2[%swap3A_398, %swap3A_399, %swap3A_400], %swap3A_403 {strides = array<i32>} : memref<24x32x128xi32, #tpu.memory_space<vmem>>, vector<24x1x128xi32>,
    %reduce_max3A_404 = arith.constant dense<0xFF800000> : vector<24xf32>
    %reduce_max3A_405 = vector.multi_reduction <maximumf>, %select_n3A_395, %reduce_max3A_404 [1] : vector<24x2048xf32> to vector<24xf32>
    %broadcast_in_dim3A_406 = vector.shape_cast %reduce_max3A_405 : vector<24xf32> to vector<24x1xf32>
    %eq3A_407 = vector.broadcast %broadcast_in_dim3A_406 : vector<24x1xf32> to vector<24x2048xf32>
    %eq3A_408 = arith.cmpf oeq, %select_n3A_395, %eq3A_407 : vector<24x2048xf32>
    %jit3A_409 = arith.constant 2048 : i32
    %broadcast_in_dim3A_410 = vector.broadcast %jit3A_409 : i32 to vector<24x2048xi32>
    %select_n3A_411 = arith.select %eq3A_408, %iota3A, %broadcast_in_dim3A_410 : vector<24x2048xi1>, vector<24x2048xi32>
    %reduce_min3A_412 = arith.constant dense<2147483647> : vector<24xi32>
    %reduce_min3A_413 = vector.multi_reduction <minsi>, %select_n3A_411, %reduce_min3A_412 [1] : vector<24x2048xi32> to vector<24xi32>
    %broadcast_in_dim3A_414 = vector.shape_cast %reduce_min3A_413 : vector<24xi32> to vector<24x1xi32>
    %eq3A_415 = vector.broadcast %broadcast_in_dim3A_414 : vector<24x1xi32> to vector<24x2048xi32>
    %eq3A_416 = arith.cmpi eq, %iota3A, %eq3A_415 : vector<24x2048xi32>
    %jit3A_417 = arith.constant 0xFF800000 : f32
    %broadcast_in_dim3A_418 = vector.broadcast %jit3A_417 : f32 to vector<24x2048xf32>
    %select_n3A_419 = arith.select %eq3A_416, %broadcast_in_dim3A_418, %select_n3A_395 : vector<24x2048xi1>, vector<24x2048xf32>
    %broadcast_in_dim3A_420 = vector.shape_cast %broadcast_in_dim3A_414 : vector<24x1xi32> to vector<24x1xi32>
    %broadcast_in_dim3A_421 = vector.broadcast %broadcast_in_dim3A_420 : vector<24x1xi32> to vector<24x128xi32>
    %swap3A_422 = arith.constant 0 : index
    %swap3A_423 = arith.constant 17 : index
    %swap3A_424 = arith.constant 0 : index
    %swap3A_425 = vector.load %arg2[%swap3A_422, %swap3A_423, %swap3A_424] : memref<24x32x128xi32, #tpu.memory_space<vmem>>, vector<24x1x128xi32>
    %swap3A_426 = vector.shape_cast %swap3A_425 : vector<24x1x128xi32> to vector<24x128xi32>
    %swap3A_427 = vector.shape_cast %broadcast_in_dim3A_421 : vector<24x128xi32> to vector<24x1x128xi32>
    tpu.vector_store %arg2[%swap3A_422, %swap3A_423, %swap3A_424], %swap3A_427 {strides = array<i32>} : memref<24x32x128xi32, #tpu.memory_space<vmem>>, vector<24x1x128xi32>,
    %reduce_max3A_428 = arith.constant dense<0xFF800000> : vector<24xf32>
    %reduce_max3A_429 = vector.multi_reduction <maximumf>, %select_n3A_419, %reduce_max3A_428 [1] : vector<24x2048xf32> to vector<24xf32>
    %broadcast_in_dim3A_430 = vector.shape_cast %reduce_max3A_429 : vector<24xf32> to vector<24x1xf32>
    %eq3A_431 = vector.broadcast %broadcast_in_dim3A_430 : vector<24x1xf32> to vector<24x2048xf32>
    %eq3A_432 = arith.cmpf oeq, %select_n3A_419, %eq3A_431 : vector<24x2048xf32>
    %jit3A_433 = arith.constant 2048 : i32
    %broadcast_in_dim3A_434 = vector.broadcast %jit3A_433 : i32 to vector<24x2048xi32>
    %select_n3A_435 = arith.select %eq3A_432, %iota3A, %broadcast_in_dim3A_434 : vector<24x2048xi1>, vector<24x2048xi32>
    %reduce_min3A_436 = arith.constant dense<2147483647> : vector<24xi32>
    %reduce_min3A_437 = vector.multi_reduction <minsi>, %select_n3A_435, %reduce_min3A_436 [1] : vector<24x2048xi32> to vector<24xi32>
    %broadcast_in_dim3A_438 = vector.shape_cast %reduce_min3A_437 : vector<24xi32> to vector<24x1xi32>
    %eq3A_439 = vector.broadcast %broadcast_in_dim3A_438 : vector<24x1xi32> to vector<24x2048xi32>
    %eq3A_440 = arith.cmpi eq, %iota3A, %eq3A_439 : vector<24x2048xi32>
    %jit3A_441 = arith.constant 0xFF800000 : f32
    %broadcast_in_dim3A_442 = vector.broadcast %jit3A_441 : f32 to vector<24x2048xf32>
    %select_n3A_443 = arith.select %eq3A_440, %broadcast_in_dim3A_442, %select_n3A_419 : vector<24x2048xi1>, vector<24x2048xf32>
    %broadcast_in_dim3A_444 = vector.shape_cast %broadcast_in_dim3A_438 : vector<24x1xi32> to vector<24x1xi32>
    %broadcast_in_dim3A_445 = vector.broadcast %broadcast_in_dim3A_444 : vector<24x1xi32> to vector<24x128xi32>
    %swap3A_446 = arith.constant 0 : index
    %swap3A_447 = arith.constant 18 : index
    %swap3A_448 = arith.constant 0 : index
    %swap3A_449 = vector.load %arg2[%swap3A_446, %swap3A_447, %swap3A_448] : memref<24x32x128xi32, #tpu.memory_space<vmem>>, vector<24x1x128xi32>
    %swap3A_450 = vector.shape_cast %swap3A_449 : vector<24x1x128xi32> to vector<24x128xi32>
    %swap3A_451 = vector.shape_cast %broadcast_in_dim3A_445 : vector<24x128xi32> to vector<24x1x128xi32>
    tpu.vector_store %arg2[%swap3A_446, %swap3A_447, %swap3A_448], %swap3A_451 {strides = array<i32>} : memref<24x32x128xi32, #tpu.memory_space<vmem>>, vector<24x1x128xi32>,
    %reduce_max3A_452 = arith.constant dense<0xFF800000> : vector<24xf32>
    %reduce_max3A_453 = vector.multi_reduction <maximumf>, %select_n3A_443, %reduce_max3A_452 [1] : vector<24x2048xf32> to vector<24xf32>
    %broadcast_in_dim3A_454 = vector.shape_cast %reduce_max3A_453 : vector<24xf32> to vector<24x1xf32>
    %eq3A_455 = vector.broadcast %broadcast_in_dim3A_454 : vector<24x1xf32> to vector<24x2048xf32>
    %eq3A_456 = arith.cmpf oeq, %select_n3A_443, %eq3A_455 : vector<24x2048xf32>
    %jit3A_457 = arith.constant 2048 : i32
    %broadcast_in_dim3A_458 = vector.broadcast %jit3A_457 : i32 to vector<24x2048xi32>
    %select_n3A_459 = arith.select %eq3A_456, %iota3A, %broadcast_in_dim3A_458 : vector<24x2048xi1>, vector<24x2048xi32>
    %reduce_min3A_460 = arith.constant dense<2147483647> : vector<24xi32>
    %reduce_min3A_461 = vector.multi_reduction <minsi>, %select_n3A_459, %reduce_min3A_460 [1] : vector<24x2048xi32> to vector<24xi32>
    %broadcast_in_dim3A_462 = vector.shape_cast %reduce_min3A_461 : vector<24xi32> to vector<24x1xi32>
    %eq3A_463 = vector.broadcast %broadcast_in_dim3A_462 : vector<24x1xi32> to vector<24x2048xi32>
    %eq3A_464 = arith.cmpi eq, %iota3A, %eq3A_463 : vector<24x2048xi32>
    %jit3A_465 = arith.constant 0xFF800000 : f32
    %broadcast_in_dim3A_466 = vector.broadcast %jit3A_465 : f32 to vector<24x2048xf32>
    %select_n3A_467 = arith.select %eq3A_464, %broadcast_in_dim3A_466, %select_n3A_443 : vector<24x2048xi1>, vector<24x2048xf32>
    %broadcast_in_dim3A_468 = vector.shape_cast %broadcast_in_dim3A_462 : vector<24x1xi32> to vector<24x1xi32>
    %broadcast_in_dim3A_469 = vector.broadcast %broadcast_in_dim3A_468 : vector<24x1xi32> to vector<24x128xi32>
    %swap3A_470 = arith.constant 0 : index
    %swap3A_471 = arith.constant 19 : index
    %swap3A_472 = arith.constant 0 : index
    %swap3A_473 = vector.load %arg2[%swap3A_470, %swap3A_471, %swap3A_472] : memref<24x32x128xi32, #tpu.memory_space<vmem>>, vector<24x1x128xi32>
    %swap3A_474 = vector.shape_cast %swap3A_473 : vector<24x1x128xi32> to vector<24x128xi32>
    %swap3A_475 = vector.shape_cast %broadcast_in_dim3A_469 : vector<24x128xi32> to vector<24x1x128xi32>
    tpu.vector_store %arg2[%swap3A_470, %swap3A_471, %swap3A_472], %swap3A_475 {strides = array<i32>} : memref<24x32x128xi32, #tpu.memory_space<vmem>>, vector<24x1x128xi32>,
    %reduce_max3A_476 = arith.constant dense<0xFF800000> : vector<24xf32>
    %reduce_max3A_477 = vector.multi_reduction <maximumf>, %select_n3A_467, %reduce_max3A_476 [1] : vector<24x2048xf32> to vector<24xf32>
    %broadcast_in_dim3A_478 = vector.shape_cast %reduce_max3A_477 : vector<24xf32> to vector<24x1xf32>
    %eq3A_479 = vector.broadcast %broadcast_in_dim3A_478 : vector<24x1xf32> to vector<24x2048xf32>
    %eq3A_480 = arith.cmpf oeq, %select_n3A_467, %eq3A_479 : vector<24x2048xf32>
    %jit3A_481 = arith.constant 2048 : i32
    %broadcast_in_dim3A_482 = vector.broadcast %jit3A_481 : i32 to vector<24x2048xi32>
    %select_n3A_483 = arith.select %eq3A_480, %iota3A, %broadcast_in_dim3A_482 : vector<24x2048xi1>, vector<24x2048xi32>
    %reduce_min3A_484 = arith.constant dense<2147483647> : vector<24xi32>
    %reduce_min3A_485 = vector.multi_reduction <minsi>, %select_n3A_483, %reduce_min3A_484 [1] : vector<24x2048xi32> to vector<24xi32>
    %broadcast_in_dim3A_486 = vector.shape_cast %reduce_min3A_485 : vector<24xi32> to vector<24x1xi32>
    %eq3A_487 = vector.broadcast %broadcast_in_dim3A_486 : vector<24x1xi32> to vector<24x2048xi32>
    %eq3A_488 = arith.cmpi eq, %iota3A, %eq3A_487 : vector<24x2048xi32>
    %jit3A_489 = arith.constant 0xFF800000 : f32
    %broadcast_in_dim3A_490 = vector.broadcast %jit3A_489 : f32 to vector<24x2048xf32>
    %select_n3A_491 = arith.select %eq3A_488, %broadcast_in_dim3A_490, %select_n3A_467 : vector<24x2048xi1>, vector<24x2048xf32>
    %broadcast_in_dim3A_492 = vector.shape_cast %broadcast_in_dim3A_486 : vector<24x1xi32> to vector<24x1xi32>
    %broadcast_in_dim3A_493 = vector.broadcast %broadcast_in_dim3A_492 : vector<24x1xi32> to vector<24x128xi32>
    %swap3A_494 = arith.constant 0 : index
    %swap3A_495 = arith.constant 20 : index
    %swap3A_496 = arith.constant 0 : index
    %swap3A_497 = vector.load %arg2[%swap3A_494, %swap3A_495, %swap3A_496] : memref<24x32x128xi32, #tpu.memory_space<vmem>>, vector<24x1x128xi32>
    %swap3A_498 = vector.shape_cast %swap3A_497 : vector<24x1x128xi32> to vector<24x128xi32>
    %swap3A_499 = vector.shape_cast %broadcast_in_dim3A_493 : vector<24x128xi32> to vector<24x1x128xi32>
    tpu.vector_store %arg2[%swap3A_494, %swap3A_495, %swap3A_496], %swap3A_499 {strides = array<i32>} : memref<24x32x128xi32, #tpu.memory_space<vmem>>, vector<24x1x128xi32>,
    %reduce_max3A_500 = arith.constant dense<0xFF800000> : vector<24xf32>
    %reduce_max3A_501 = vector.multi_reduction <maximumf>, %select_n3A_491, %reduce_max3A_500 [1] : vector<24x2048xf32> to vector<24xf32>
    %broadcast_in_dim3A_502 = vector.shape_cast %reduce_max3A_501 : vector<24xf32> to vector<24x1xf32>
    %eq3A_503 = vector.broadcast %broadcast_in_dim3A_502 : vector<24x1xf32> to vector<24x2048xf32>
    %eq3A_504 = arith.cmpf oeq, %select_n3A_491, %eq3A_503 : vector<24x2048xf32>
    %jit3A_505 = arith.constant 2048 : i32
    %broadcast_in_dim3A_506 = vector.broadcast %jit3A_505 : i32 to vector<24x2048xi32>
    %select_n3A_507 = arith.select %eq3A_504, %iota3A, %broadcast_in_dim3A_506 : vector<24x2048xi1>, vector<24x2048xi32>
    %reduce_min3A_508 = arith.constant dense<2147483647> : vector<24xi32>
    %reduce_min3A_509 = vector.multi_reduction <minsi>, %select_n3A_507, %reduce_min3A_508 [1] : vector<24x2048xi32> to vector<24xi32>
    %broadcast_in_dim3A_510 = vector.shape_cast %reduce_min3A_509 : vector<24xi32> to vector<24x1xi32>
    %eq3A_511 = vector.broadcast %broadcast_in_dim3A_510 : vector<24x1xi32> to vector<24x2048xi32>
    %eq3A_512 = arith.cmpi eq, %iota3A, %eq3A_511 : vector<24x2048xi32>
    %jit3A_513 = arith.constant 0xFF800000 : f32
    %broadcast_in_dim3A_514 = vector.broadcast %jit3A_513 : f32 to vector<24x2048xf32>
    %select_n3A_515 = arith.select %eq3A_512, %broadcast_in_dim3A_514, %select_n3A_491 : vector<24x2048xi1>, vector<24x2048xf32>
    %broadcast_in_dim3A_516 = vector.shape_cast %broadcast_in_dim3A_510 : vector<24x1xi32> to vector<24x1xi32>
    %broadcast_in_dim3A_517 = vector.broadcast %broadcast_in_dim3A_516 : vector<24x1xi32> to vector<24x128xi32>
    %swap3A_518 = arith.constant 0 : index
    %swap3A_519 = arith.constant 21 : index
    %swap3A_520 = arith.constant 0 : index
    %swap3A_521 = vector.load %arg2[%swap3A_518, %swap3A_519, %swap3A_520] : memref<24x32x128xi32, #tpu.memory_space<vmem>>, vector<24x1x128xi32>
    %swap3A_522 = vector.shape_cast %swap3A_521 : vector<24x1x128xi32> to vector<24x128xi32>
    %swap3A_523 = vector.shape_cast %broadcast_in_dim3A_517 : vector<24x128xi32> to vector<24x1x128xi32>
    tpu.vector_store %arg2[%swap3A_518, %swap3A_519, %swap3A_520], %swap3A_523 {strides = array<i32>} : memref<24x32x128xi32, #tpu.memory_space<vmem>>, vector<24x1x128xi32>,
    %reduce_max3A_524 = arith.constant dense<0xFF800000> : vector<24xf32>
    %reduce_max3A_525 = vector.multi_reduction <maximumf>, %select_n3A_515, %reduce_max3A_524 [1] : vector<24x2048xf32> to vector<24xf32>
    %broadcast_in_dim3A_526 = vector.shape_cast %reduce_max3A_525 : vector<24xf32> to vector<24x1xf32>
    %eq3A_527 = vector.broadcast %broadcast_in_dim3A_526 : vector<24x1xf32> to vector<24x2048xf32>
    %eq3A_528 = arith.cmpf oeq, %select_n3A_515, %eq3A_527 : vector<24x2048xf32>
    %jit3A_529 = arith.constant 2048 : i32
    %broadcast_in_dim3A_530 = vector.broadcast %jit3A_529 : i32 to vector<24x2048xi32>
    %select_n3A_531 = arith.select %eq3A_528, %iota3A, %broadcast_in_dim3A_530 : vector<24x2048xi1>, vector<24x2048xi32>
    %reduce_min3A_532 = arith.constant dense<2147483647> : vector<24xi32>
    %reduce_min3A_533 = vector.multi_reduction <minsi>, %select_n3A_531, %reduce_min3A_532 [1] : vector<24x2048xi32> to vector<24xi32>
    %broadcast_in_dim3A_534 = vector.shape_cast %reduce_min3A_533 : vector<24xi32> to vector<24x1xi32>
    %eq3A_535 = vector.broadcast %broadcast_in_dim3A_534 : vector<24x1xi32> to vector<24x2048xi32>
    %eq3A_536 = arith.cmpi eq, %iota3A, %eq3A_535 : vector<24x2048xi32>
    %jit3A_537 = arith.constant 0xFF800000 : f32
    %broadcast_in_dim3A_538 = vector.broadcast %jit3A_537 : f32 to vector<24x2048xf32>
    %select_n3A_539 = arith.select %eq3A_536, %broadcast_in_dim3A_538, %select_n3A_515 : vector<24x2048xi1>, vector<24x2048xf32>
    %broadcast_in_dim3A_540 = vector.shape_cast %broadcast_in_dim3A_534 : vector<24x1xi32> to vector<24x1xi32>
    %broadcast_in_dim3A_541 = vector.broadcast %broadcast_in_dim3A_540 : vector<24x1xi32> to vector<24x128xi32>
    %swap3A_542 = arith.constant 0 : index
    %swap3A_543 = arith.constant 22 : index
    %swap3A_544 = arith.constant 0 : index
    %swap3A_545 = vector.load %arg2[%swap3A_542, %swap3A_543, %swap3A_544] : memref<24x32x128xi32, #tpu.memory_space<vmem>>, vector<24x1x128xi32>
    %swap3A_546 = vector.shape_cast %swap3A_545 : vector<24x1x128xi32> to vector<24x128xi32>
    %swap3A_547 = vector.shape_cast %broadcast_in_dim3A_541 : vector<24x128xi32> to vector<24x1x128xi32>
    tpu.vector_store %arg2[%swap3A_542, %swap3A_543, %swap3A_544], %swap3A_547 {strides = array<i32>} : memref<24x32x128xi32, #tpu.memory_space<vmem>>, vector<24x1x128xi32>,
    %reduce_max3A_548 = arith.constant dense<0xFF800000> : vector<24xf32>
    %reduce_max3A_549 = vector.multi_reduction <maximumf>, %select_n3A_539, %reduce_max3A_548 [1] : vector<24x2048xf32> to vector<24xf32>
    %broadcast_in_dim3A_550 = vector.shape_cast %reduce_max3A_549 : vector<24xf32> to vector<24x1xf32>
    %eq3A_551 = vector.broadcast %broadcast_in_dim3A_550 : vector<24x1xf32> to vector<24x2048xf32>
    %eq3A_552 = arith.cmpf oeq, %select_n3A_539, %eq3A_551 : vector<24x2048xf32>
    %jit3A_553 = arith.constant 2048 : i32
    %broadcast_in_dim3A_554 = vector.broadcast %jit3A_553 : i32 to vector<24x2048xi32>
    %select_n3A_555 = arith.select %eq3A_552, %iota3A, %broadcast_in_dim3A_554 : vector<24x2048xi1>, vector<24x2048xi32>
    %reduce_min3A_556 = arith.constant dense<2147483647> : vector<24xi32>
    %reduce_min3A_557 = vector.multi_reduction <minsi>, %select_n3A_555, %reduce_min3A_556 [1] : vector<24x2048xi32> to vector<24xi32>
    %broadcast_in_dim3A_558 = vector.shape_cast %reduce_min3A_557 : vector<24xi32> to vector<24x1xi32>
    %broadcast_in_dim3A_559 = vector.shape_cast %broadcast_in_dim3A_558 : vector<24x1xi32> to vector<24x1xi32>
    %broadcast_in_dim3A_560 = vector.broadcast %broadcast_in_dim3A_559 : vector<24x1xi32> to vector<24x128xi32>
    %swap3A_561 = arith.constant 0 : index
    %swap3A_562 = arith.constant 23 : index
    %swap3A_563 = arith.constant 0 : index
    %swap3A_564 = vector.load %arg2[%swap3A_561, %swap3A_562, %swap3A_563] : memref<24x32x128xi32, #tpu.memory_space<vmem>>, vector<24x1x128xi32>
    %swap3A_565 = vector.shape_cast %swap3A_564 : vector<24x1x128xi32> to vector<24x128xi32>
    %swap3A_566 = vector.shape_cast %broadcast_in_dim3A_560 : vector<24x128xi32> to vector<24x1x128xi32>
    tpu.vector_store %arg2[%swap3A_561, %swap3A_562, %swap3A_563], %swap3A_566 {strides = array<i32>} : memref<24x32x128xi32, #tpu.memory_space<vmem>>, vector<24x1x128xi32>,
    %broadcast_in_dim3A_567 = arith.constant 2048 : i32
    %broadcast_in_dim3A_568 = vector.broadcast %broadcast_in_dim3A_567 : i32 to vector<24x128xi32>
    %swap3A_569 = arith.constant 0 : index
    %swap3A_570 = arith.constant 24 : index
    %swap3A_571 = arith.constant 0 : index
    %swap3A_572 = vector.load %arg2[%swap3A_569, %swap3A_570, %swap3A_571] : memref<24x32x128xi32, #tpu.memory_space<vmem>>, vector<24x1x128xi32>
    %swap3A_573 = vector.shape_cast %swap3A_572 : vector<24x1x128xi32> to vector<24x128xi32>
    %swap3A_574 = vector.shape_cast %broadcast_in_dim3A_568 : vector<24x128xi32> to vector<24x1x128xi32>
    tpu.vector_store %arg2[%swap3A_569, %swap3A_570, %swap3A_571], %swap3A_574 {strides = array<i32>} : memref<24x32x128xi32, #tpu.memory_space<vmem>>, vector<24x1x128xi32>,
    %broadcast_in_dim3A_575 = arith.constant 2048 : i32
    %broadcast_in_dim3A_576 = vector.broadcast %broadcast_in_dim3A_575 : i32 to vector<24x128xi32>
    %swap3A_577 = arith.constant 0 : index
    %swap3A_578 = arith.constant 25 : index
    %swap3A_579 = arith.constant 0 : index
    %swap3A_580 = vector.load %arg2[%swap3A_577, %swap3A_578, %swap3A_579] : memref<24x32x128xi32, #tpu.memory_space<vmem>>, vector<24x1x128xi32>
    %swap3A_581 = vector.shape_cast %swap3A_580 : vector<24x1x128xi32> to vector<24x128xi32>
    %swap3A_582 = vector.shape_cast %broadcast_in_dim3A_576 : vector<24x128xi32> to vector<24x1x128xi32>
    tpu.vector_store %arg2[%swap3A_577, %swap3A_578, %swap3A_579], %swap3A_582 {strides = array<i32>} : memref<24x32x128xi32, #tpu.memory_space<vmem>>, vector<24x1x128xi32>,
    %broadcast_in_dim3A_583 = arith.constant 2048 : i32
    %broadcast_in_dim3A_584 = vector.broadcast %broadcast_in_dim3A_583 : i32 to vector<24x128xi32>
    %swap3A_585 = arith.constant 0 : index
    %swap3A_586 = arith.constant 26 : index
    %swap3A_587 = arith.constant 0 : index
    %swap3A_588 = vector.load %arg2[%swap3A_585, %swap3A_586, %swap3A_587] : memref<24x32x128xi32, #tpu.memory_space<vmem>>, vector<24x1x128xi32>
    %swap3A_589 = vector.shape_cast %swap3A_588 : vector<24x1x128xi32> to vector<24x128xi32>
    %swap3A_590 = vector.shape_cast %broadcast_in_dim3A_584 : vector<24x128xi32> to vector<24x1x128xi32>
    tpu.vector_store %arg2[%swap3A_585, %swap3A_586, %swap3A_587], %swap3A_590 {strides = array<i32>} : memref<24x32x128xi32, #tpu.memory_space<vmem>>, vector<24x1x128xi32>,
    %broadcast_in_dim3A_591 = arith.constant 2048 : i32
    %broadcast_in_dim3A_592 = vector.broadcast %broadcast_in_dim3A_591 : i32 to vector<24x128xi32>
    %swap3A_593 = arith.constant 0 : index
    %swap3A_594 = arith.constant 27 : index
    %swap3A_595 = arith.constant 0 : index
    %swap3A_596 = vector.load %arg2[%swap3A_593, %swap3A_594, %swap3A_595] : memref<24x32x128xi32, #tpu.memory_space<vmem>>, vector<24x1x128xi32>
    %swap3A_597 = vector.shape_cast %swap3A_596 : vector<24x1x128xi32> to vector<24x128xi32>
    %swap3A_598 = vector.shape_cast %broadcast_in_dim3A_592 : vector<24x128xi32> to vector<24x1x128xi32>
    tpu.vector_store %arg2[%swap3A_593, %swap3A_594, %swap3A_595], %swap3A_598 {strides = array<i32>} : memref<24x32x128xi32, #tpu.memory_space<vmem>>, vector<24x1x128xi32>,
    %broadcast_in_dim3A_599 = arith.constant 2048 : i32
    %broadcast_in_dim3A_600 = vector.broadcast %broadcast_in_dim3A_599 : i32 to vector<24x128xi32>
    %swap3A_601 = arith.constant 0 : index
    %swap3A_602 = arith.constant 28 : index
    %swap3A_603 = arith.constant 0 : index
    %swap3A_604 = vector.load %arg2[%swap3A_601, %swap3A_602, %swap3A_603] : memref<24x32x128xi32, #tpu.memory_space<vmem>>, vector<24x1x128xi32>
    %swap3A_605 = vector.shape_cast %swap3A_604 : vector<24x1x128xi32> to vector<24x128xi32>
    %swap3A_606 = vector.shape_cast %broadcast_in_dim3A_600 : vector<24x128xi32> to vector<24x1x128xi32>
    tpu.vector_store %arg2[%swap3A_601, %swap3A_602, %swap3A_603], %swap3A_606 {strides = array<i32>} : memref<24x32x128xi32, #tpu.memory_space<vmem>>, vector<24x1x128xi32>,
    %broadcast_in_dim3A_607 = arith.constant 2048 : i32
    %broadcast_in_dim3A_608 = vector.broadcast %broadcast_in_dim3A_607 : i32 to vector<24x128xi32>
    %swap3A_609 = arith.constant 0 : index
    %swap3A_610 = arith.constant 29 : index
    %swap3A_611 = arith.constant 0 : index
    %swap3A_612 = vector.load %arg2[%swap3A_609, %swap3A_610, %swap3A_611] : memref<24x32x128xi32, #tpu.memory_space<vmem>>, vector<24x1x128xi32>
    %swap3A_613 = vector.shape_cast %swap3A_612 : vector<24x1x128xi32> to vector<24x128xi32>
    %swap3A_614 = vector.shape_cast %broadcast_in_dim3A_608 : vector<24x128xi32> to vector<24x1x128xi32>
    tpu.vector_store %arg2[%swap3A_609, %swap3A_610, %swap3A_611], %swap3A_614 {strides = array<i32>} : memref<24x32x128xi32, #tpu.memory_space<vmem>>, vector<24x1x128xi32>,
    %broadcast_in_dim3A_615 = arith.constant 2048 : i32
    %broadcast_in_dim3A_616 = vector.broadcast %broadcast_in_dim3A_615 : i32 to vector<24x128xi32>
    %swap3A_617 = arith.constant 0 : index
    %swap3A_618 = arith.constant 30 : index
    %swap3A_619 = arith.constant 0 : index
    %swap3A_620 = vector.load %arg2[%swap3A_617, %swap3A_618, %swap3A_619] : memref<24x32x128xi32, #tpu.memory_space<vmem>>, vector<24x1x128xi32>
    %swap3A_621 = vector.shape_cast %swap3A_620 : vector<24x1x128xi32> to vector<24x128xi32>
    %swap3A_622 = vector.shape_cast %broadcast_in_dim3A_616 : vector<24x128xi32> to vector<24x1x128xi32>
    tpu.vector_store %arg2[%swap3A_617, %swap3A_618, %swap3A_619], %swap3A_622 {strides = array<i32>} : memref<24x32x128xi32, #tpu.memory_space<vmem>>, vector<24x1x128xi32>,
    %broadcast_in_dim3A_623 = arith.constant 2048 : i32
    %broadcast_in_dim3A_624 = vector.broadcast %broadcast_in_dim3A_623 : i32 to vector<24x128xi32>
    %swap3A_625 = arith.constant 0 : index
    %swap3A_626 = arith.constant 31 : index
    %swap3A_627 = arith.constant 0 : index
    %swap3A_628 = vector.load %arg2[%swap3A_625, %swap3A_626, %swap3A_627] : memref<24x32x128xi32, #tpu.memory_space<vmem>>, vector<24x1x128xi32>
    %swap3A_629 = vector.shape_cast %swap3A_628 : vector<24x1x128xi32> to vector<24x128xi32>
    %swap3A_630 = vector.shape_cast %broadcast_in_dim3A_624 : vector<24x128xi32> to vector<24x1x128xi32>
    tpu.vector_store %arg2[%swap3A_625, %swap3A_626, %swap3A_627], %swap3A_630 {strides = array<i32>} : memref<24x32x128xi32, #tpu.memory_space<vmem>>, vector<24x1x128xi32>,
    return
  }
  func.func @transform_0(%arg0: i32) -> (i32, i32, i32) {
    %c0_i32 = arith.constant 0 : i32
    %c0_i32_0 = arith.constant 0 : i32
    %c0_i32_1 = arith.constant 0 : i32
    %c0_i32_2 = arith.constant 0 : i32
    return %c0_i32, %c0_i32_0, %c0_i32_1 : i32, i32, i32
  }
  func.func @transform_1(%arg0: i32) -> (i32, i32, i32) {
    %c0_i32 = arith.constant 0 : i32
    %c0_i32_0 = arith.constant 0 : i32
    %c0_i32_1 = arith.constant 0 : i32
    %c0_i32_2 = arith.constant 0 : i32
    return %c0_i32, %c0_i32_0, %c0_i32_1 : i32, i32, i32
  }
}

module attributes {stable_mosaic.version = 14 : i64} {
  func.func @_attend_kernel(%arg0: i32, %arg1: memref<1x32x128xi32, #tpu.memory_space<vmem>>, %arg2: memref<1x1x2048x64xf32, #tpu.memory_space<vmem>>, %arg3: memref<1x1x2048x64xf32, #tpu.memory_space<vmem>>, %arg4: memref<1x1x2048x64xf32, #tpu.memory_space<vmem>>, %arg5: memref<1x1x2048x64xf32, #tpu.memory_space<vmem>>) attributes {dimension_semantics = [#tpu.dimension_semantics<parallel>], iteration_bounds = array<i64: 24>, scalar_prefetch = 0 : i64, scratch_operands = 0 : i64, tpu.core_type = #tpu.core_type<tc>, window_params = [{transform_indices = @transform_0, window_bounds = array<i64: 1, 32, 128>}, {transform_indices = @transform_1, window_bounds = array<i64: 1, 1, 2048, 64>}, {transform_indices = @transform_2, window_bounds = array<i64: 1, 1, 2048, 64>}, {transform_indices = @transform_3, window_bounds = array<i64: 1, 1, 2048, 64>}, {transform_indices = @transform_4, window_bounds = array<i64: 1, 1, 2048, 64>}]} {
    %get3A = arith.constant 0 : index
    %get3A_0 = arith.constant 0 : index
    %get3A_1 = arith.constant 0 : index
    %get3A_2 = vector.load %arg1[%get3A, %get3A_0, %get3A_1] : memref<1x32x128xi32, #tpu.memory_space<vmem>>, vector<1x32x1xi32>
    %get3A_3 = vector.shape_cast %get3A_2 : vector<1x32x1xi32> to vector<32x1xi32>
    %iota3A = tpu.iota {dimensions = array<i32: 1>} : vector<32x2048xi32>
    %eq3A = vector.broadcast %get3A_3 : vector<32x1xi32> to vector<32x2048xi32>
    %eq3A_4 = arith.cmpi eq, %iota3A, %eq3A : vector<32x2048xi32>
    %convert_element_type3A = arith.extui %eq3A_4 : vector<32x2048xi1> to vector<32x2048xi32>
    %convert_element_type3A_5 = arith.sitofp %convert_element_type3A : vector<32x2048xi32> to vector<32x2048xf32>
    %get3A_6 = arith.constant 0 : index
    %get3A_7 = arith.constant 0 : index
    %get3A_8 = arith.constant 0 : index
    %get3A_9 = arith.constant 0 : index
    %get3A_10 = vector.load %arg2[%get3A_6, %get3A_7, %get3A_8, %get3A_9] : memref<1x1x2048x64xf32, #tpu.memory_space<vmem>>, vector<1x1x2048x64xf32>
    %get3A_11 = vector.shape_cast %get3A_10 : vector<1x1x2048x64xf32> to vector<2048x64xf32>
    %get3A_12 = arith.constant 0 : index
    %get3A_13 = arith.constant 0 : index
    %get3A_14 = arith.constant 0 : index
    %get3A_15 = arith.constant 0 : index
    %get3A_16 = vector.load %arg3[%get3A_12, %get3A_13, %get3A_14, %get3A_15] : memref<1x1x2048x64xf32, #tpu.memory_space<vmem>>, vector<1x1x2048x64xf32>
    %get3A_17 = vector.shape_cast %get3A_16 : vector<1x1x2048x64xf32> to vector<2048x64xf32>
    %get3A_18 = arith.constant 0 : index
    %get3A_19 = arith.constant 0 : index
    %get3A_20 = arith.constant 0 : index
    %get3A_21 = arith.constant 0 : index
    %get3A_22 = vector.load %arg4[%get3A_18, %get3A_19, %get3A_20, %get3A_21] : memref<1x1x2048x64xf32, #tpu.memory_space<vmem>>, vector<1x1x2048x64xf32>
    %get3A_23 = vector.shape_cast %get3A_22 : vector<1x1x2048x64xf32> to vector<2048x64xf32>
    %dot_general3A = arith.constant dense<0.000000e+00> : vector<32x64xf32>
    %dot_general3A_24 = tpu.matmul %convert_element_type3A_5, %get3A_11, %dot_general3A {dimension_numbers = #tpu.dot_dimension_numbers<[1], [0], [0], [1], [0, 0, 1, 1], [], []>, transpose_lhs_hint = false} : vector<32x2048xf32>, vector<2048x64xf32>, vector<32x64xf32> -> vector<32x64xf32>
    %dot_general3A_25 = arith.constant dense<0.000000e+00> : vector<32x2048xf32>
    %dot_general3A_26 = tpu.matmul %dot_general3A_24, %get3A_17, %dot_general3A_25 {dimension_numbers = #tpu.dot_dimension_numbers<[1], [1], [0], [0], [0, 0, 1, 0], [], []>, transpose_lhs_hint = false} : vector<32x64xf32>, vector<2048x64xf32>, vector<32x2048xf32> -> vector<32x2048xf32>
    %mul3A = arith.constant 1.250000e-01 : f32
    %mul3A_27 = vector.broadcast %mul3A : f32 to vector<32x2048xf32>
    %mul3A_28 = arith.mulf %dot_general3A_26, %mul3A_27 : vector<32x2048xf32>
    %reduce_max3A = arith.constant dense<0xFF800000> : vector<32xf32>
    %reduce_max3A_29 = vector.multi_reduction <maximumf>, %mul3A_28, %reduce_max3A [1] : vector<32x2048xf32> to vector<32xf32>
    %broadcast_in_dim3A = vector.shape_cast %reduce_max3A_29 : vector<32xf32> to vector<32x1xf32>
    %sub3A = vector.broadcast %broadcast_in_dim3A : vector<32x1xf32> to vector<32x2048xf32>
    %sub3A_30 = arith.subf %mul3A_28, %sub3A : vector<32x2048xf32>
    %exp3A = math.exp %sub3A_30 : vector<32x2048xf32>
    %reduce_sum3A = arith.constant dense<0.000000e+00> : vector<32xf32>
    %reduce_sum3A_31 = vector.multi_reduction <add>, %exp3A, %reduce_sum3A [1] : vector<32x2048xf32> to vector<32xf32>
    %broadcast_in_dim3A_32 = vector.shape_cast %reduce_sum3A_31 : vector<32xf32> to vector<32x1xf32>
    %div3A = vector.broadcast %broadcast_in_dim3A_32 : vector<32x1xf32> to vector<32x2048xf32>
    %div3A_33 = arith.divf %exp3A, %div3A : vector<32x2048xf32>
    %dot_general3A_34 = arith.constant dense<0.000000e+00> : vector<32x64xf32>
    %dot_general3A_35 = tpu.matmul %div3A_33, %get3A_23, %dot_general3A_34 {dimension_numbers = #tpu.dot_dimension_numbers<[1], [0], [0], [1], [0, 0, 1, 1], [], []>, transpose_lhs_hint = false} : vector<32x2048xf32>, vector<2048x64xf32>, vector<32x64xf32> -> vector<32x64xf32>
    %dot_general3A_36 = arith.constant dense<0.000000e+00> : vector<2048x64xf32>
    %dot_general3A_37 = tpu.matmul %convert_element_type3A_5, %dot_general3A_35, %dot_general3A_36 {dimension_numbers = #tpu.dot_dimension_numbers<[0], [0], [1], [1], [0, 1, 1, 1], [], []>, transpose_lhs_hint = false} : vector<32x2048xf32>, vector<32x64xf32>, vector<2048x64xf32> -> vector<2048x64xf32>
    %broadcast_in_dim3A_38 = arith.constant 1.000000e+00 : f32
    %broadcast_in_dim3A_39 = vector.broadcast %broadcast_in_dim3A_38 : f32 to vector<32x1xf32>
    %dot_general3A_40 = arith.constant dense<0.000000e+00> : vector<2048x1xf32>
    %dot_general3A_41 = tpu.matmul %convert_element_type3A_5, %broadcast_in_dim3A_39, %dot_general3A_40 {dimension_numbers = #tpu.dot_dimension_numbers<[0], [0], [1], [1], [0, 1, 1, 1], [], []>, transpose_lhs_hint = false} : vector<32x2048xf32>, vector<32x1xf32>, vector<2048x1xf32> -> vector<2048x1xf32>
    %sub3A_42 = arith.constant 1.000000e+00 : f32
    %sub3A_43 = vector.broadcast %sub3A_42 : f32 to vector<2048x1xf32>
    %sub3A_44 = arith.subf %sub3A_43, %dot_general3A_41 : vector<2048x1xf32>
    %reduce_sum3A_45 = arith.constant dense<0.000000e+00> : vector<64xf32>
    %reduce_sum3A_46 = vector.multi_reduction <add>, %get3A_23, %reduce_sum3A_45 [0] : vector<2048x64xf32> to vector<64xf32>
    %broadcast_in_dim3A_47 = vector.shape_cast %reduce_sum3A_46 : vector<64xf32> to vector<1x64xf32>
    %mul3A_48 = arith.constant 4.8828125E-4 : f32
    %mul3A_49 = vector.broadcast %mul3A_48 : f32 to vector<1x64xf32>
    %mul3A_50 = arith.mulf %broadcast_in_dim3A_47, %mul3A_49 : vector<1x64xf32>
    %broadcast_in_dim3A_51 = vector.shape_cast %mul3A_50 : vector<1x64xf32> to vector<1x64xf32>
    %broadcast_in_dim3A_52 = vector.broadcast %broadcast_in_dim3A_51 : vector<1x64xf32> to vector<2048x64xf32>
    %mul3A_53 = vector.broadcast %sub3A_44 : vector<2048x1xf32> to vector<2048x64xf32>
    %mul3A_54 = arith.mulf %broadcast_in_dim3A_52, %mul3A_53 : vector<2048x64xf32>
    %add3A = arith.addf %mul3A_54, %dot_general3A_37 : vector<2048x64xf32>
    %swap3A = arith.constant 0 : index
    %swap3A_55 = arith.constant 0 : index
    %swap3A_56 = arith.constant 0 : index
    %swap3A_57 = arith.constant 0 : index
    %swap3A_58 = vector.load %arg5[%swap3A, %swap3A_55, %swap3A_56, %swap3A_57] : memref<1x1x2048x64xf32, #tpu.memory_space<vmem>>, vector<1x1x2048x64xf32>
    %swap3A_59 = vector.shape_cast %swap3A_58 : vector<1x1x2048x64xf32> to vector<2048x64xf32>
    %swap3A_60 = vector.shape_cast %add3A : vector<2048x64xf32> to vector<1x1x2048x64xf32>
    tpu.vector_store %arg5[%swap3A, %swap3A_55, %swap3A_56, %swap3A_57], %swap3A_60 {strides = array<i32>} : memref<1x1x2048x64xf32, #tpu.memory_space<vmem>>, vector<1x1x2048x64xf32>,
    return
  }
  func.func @transform_0(%arg0: i32) -> (i32, i32, i32) {
    %c0_i32 = arith.constant 0 : i32
    %c0_i32_0 = arith.constant 0 : i32
    %c0_i32_1 = arith.constant 0 : i32
    return %arg0, %c0_i32, %c0_i32_0 : i32, i32, i32
  }
  func.func @transform_1(%arg0: i32) -> (i32, i32, i32, i32) {
    %jit3A = arith.constant 12 : i32
    %div3A = arith.divsi %arg0, %jit3A : i32
    %sign3A = arith.constant 0 : i32
    %sign3A_0 = arith.cmpi sgt, %arg0, %sign3A : i32
    %sign3A_1 = arith.extui %sign3A_0 : i1 to i32
    %sign3A_2 = arith.constant 0 : i32
    %sign3A_3 = arith.cmpi slt, %arg0, %sign3A_2 : i32
    %sign3A_4 = arith.extui %sign3A_3 : i1 to i32
    %sign3A_5 = arith.subi %sign3A_1, %sign3A_4 : i32
    %sign3A_6 = arith.constant 0 : i32
    %sign3A_7 = arith.cmpi sgt, %jit3A, %sign3A_6 : i32
    %sign3A_8 = arith.extui %sign3A_7 : i1 to i32
    %sign3A_9 = arith.constant 0 : i32
    %sign3A_10 = arith.cmpi slt, %jit3A, %sign3A_9 : i32
    %sign3A_11 = arith.extui %sign3A_10 : i1 to i32
    %sign3A_12 = arith.subi %sign3A_8, %sign3A_11 : i32
    %ne3A = arith.cmpi ne, %sign3A_5, %sign3A_12 : i32
    %rem3A = arith.remsi %arg0, %jit3A : i32
    %ne3A_13 = arith.constant 0 : i32
    %ne3A_14 = arith.cmpi ne, %rem3A, %ne3A_13 : i32
    %and3A = arith.andi %ne3A, %ne3A_14 : i1
    %sub3A = arith.constant 1 : i32
    %sub3A_15 = arith.subi %div3A, %sub3A : i32
    %select_n3A = arith.select %and3A, %sub3A_15, %div3A : i32
    %jit3A_16 = arith.constant 12 : i32
    %eq3A = arith.constant 0 : i32
    %eq3A_17 = arith.cmpi eq, %jit3A_16, %eq3A : i32
    %jit3A_18 = arith.constant 1 : i32
    %select_n3A_19 = arith.select %eq3A_17, %jit3A_18, %jit3A_16 : i32
    %rem3A_20 = arith.remsi %arg0, %select_n3A_19 : i32
    %ne3A_21 = arith.constant 0 : i32
    %ne3A_22 = arith.cmpi ne, %rem3A_20, %ne3A_21 : i32
    %lt3A = arith.constant 0 : i32
    %lt3A_23 = arith.cmpi slt, %rem3A_20, %lt3A : i32
    %lt3A_24 = arith.constant 0 : i32
    %lt3A_25 = arith.cmpi slt, %select_n3A_19, %lt3A_24 : i32
    %ne3A_26 = arith.xori %lt3A_23, %lt3A_25 : i1
    %and3A_27 = arith.andi %ne3A_26, %ne3A_22 : i1
    %add3A = arith.addi %rem3A_20, %select_n3A_19 : i32
    %select_n3A_28 = arith.select %and3A_27, %add3A, %rem3A_20 : i32
    %c0_i32 = arith.constant 0 : i32
    %c0_i32_29 = arith.constant 0 : i32
    %c0_i32_30 = arith.constant 0 : i32
    return %select_n3A, %select_n3A_28, %c0_i32, %c0_i32_29 : i32, i32, i32, i32
  }
  func.func @transform_2(%arg0: i32) -> (i32, i32, i32, i32) {
    %jit3A = arith.constant 12 : i32
    %div3A = arith.divsi %arg0, %jit3A : i32
    %sign3A = arith.constant 0 : i32
    %sign3A_0 = arith.cmpi sgt, %arg0, %sign3A : i32
    %sign3A_1 = arith.extui %sign3A_0 : i1 to i32
    %sign3A_2 = arith.constant 0 : i32
    %sign3A_3 = arith.cmpi slt, %arg0, %sign3A_2 : i32
    %sign3A_4 = arith.extui %sign3A_3 : i1 to i32
    %sign3A_5 = arith.subi %sign3A_1, %sign3A_4 : i32
    %sign3A_6 = arith.constant 0 : i32
    %sign3A_7 = arith.cmpi sgt, %jit3A, %sign3A_6 : i32
    %sign3A_8 = arith.extui %sign3A_7 : i1 to i32
    %sign3A_9 = arith.constant 0 : i32
    %sign3A_10 = arith.cmpi slt, %jit3A, %sign3A_9 : i32
    %sign3A_11 = arith.extui %sign3A_10 : i1 to i32
    %sign3A_12 = arith.subi %sign3A_8, %sign3A_11 : i32
    %ne3A = arith.cmpi ne, %sign3A_5, %sign3A_12 : i32
    %rem3A = arith.remsi %arg0, %jit3A : i32
    %ne3A_13 = arith.constant 0 : i32
    %ne3A_14 = arith.cmpi ne, %rem3A, %ne3A_13 : i32
    %and3A = arith.andi %ne3A, %ne3A_14 : i1
    %sub3A = arith.constant 1 : i32
    %sub3A_15 = arith.subi %div3A, %sub3A : i32
    %select_n3A = arith.select %and3A, %sub3A_15, %div3A : i32
    %jit3A_16 = arith.constant 12 : i32
    %eq3A = arith.constant 0 : i32
    %eq3A_17 = arith.cmpi eq, %jit3A_16, %eq3A : i32
    %jit3A_18 = arith.constant 1 : i32
    %select_n3A_19 = arith.select %eq3A_17, %jit3A_18, %jit3A_16 : i32
    %rem3A_20 = arith.remsi %arg0, %select_n3A_19 : i32
    %ne3A_21 = arith.constant 0 : i32
    %ne3A_22 = arith.cmpi ne, %rem3A_20, %ne3A_21 : i32
    %lt3A = arith.constant 0 : i32
    %lt3A_23 = arith.cmpi slt, %rem3A_20, %lt3A : i32
    %lt3A_24 = arith.constant 0 : i32
    %lt3A_25 = arith.cmpi slt, %select_n3A_19, %lt3A_24 : i32
    %ne3A_26 = arith.xori %lt3A_23, %lt3A_25 : i1
    %and3A_27 = arith.andi %ne3A_26, %ne3A_22 : i1
    %add3A = arith.addi %rem3A_20, %select_n3A_19 : i32
    %select_n3A_28 = arith.select %and3A_27, %add3A, %rem3A_20 : i32
    %c0_i32 = arith.constant 0 : i32
    %c0_i32_29 = arith.constant 0 : i32
    %c0_i32_30 = arith.constant 0 : i32
    return %select_n3A, %select_n3A_28, %c0_i32, %c0_i32_29 : i32, i32, i32, i32
  }
  func.func @transform_3(%arg0: i32) -> (i32, i32, i32, i32) {
    %jit3A = arith.constant 12 : i32
    %div3A = arith.divsi %arg0, %jit3A : i32
    %sign3A = arith.constant 0 : i32
    %sign3A_0 = arith.cmpi sgt, %arg0, %sign3A : i32
    %sign3A_1 = arith.extui %sign3A_0 : i1 to i32
    %sign3A_2 = arith.constant 0 : i32
    %sign3A_3 = arith.cmpi slt, %arg0, %sign3A_2 : i32
    %sign3A_4 = arith.extui %sign3A_3 : i1 to i32
    %sign3A_5 = arith.subi %sign3A_1, %sign3A_4 : i32
    %sign3A_6 = arith.constant 0 : i32
    %sign3A_7 = arith.cmpi sgt, %jit3A, %sign3A_6 : i32
    %sign3A_8 = arith.extui %sign3A_7 : i1 to i32
    %sign3A_9 = arith.constant 0 : i32
    %sign3A_10 = arith.cmpi slt, %jit3A, %sign3A_9 : i32
    %sign3A_11 = arith.extui %sign3A_10 : i1 to i32
    %sign3A_12 = arith.subi %sign3A_8, %sign3A_11 : i32
    %ne3A = arith.cmpi ne, %sign3A_5, %sign3A_12 : i32
    %rem3A = arith.remsi %arg0, %jit3A : i32
    %ne3A_13 = arith.constant 0 : i32
    %ne3A_14 = arith.cmpi ne, %rem3A, %ne3A_13 : i32
    %and3A = arith.andi %ne3A, %ne3A_14 : i1
    %sub3A = arith.constant 1 : i32
    %sub3A_15 = arith.subi %div3A, %sub3A : i32
    %select_n3A = arith.select %and3A, %sub3A_15, %div3A : i32
    %jit3A_16 = arith.constant 12 : i32
    %eq3A = arith.constant 0 : i32
    %eq3A_17 = arith.cmpi eq, %jit3A_16, %eq3A : i32
    %jit3A_18 = arith.constant 1 : i32
    %select_n3A_19 = arith.select %eq3A_17, %jit3A_18, %jit3A_16 : i32
    %rem3A_20 = arith.remsi %arg0, %select_n3A_19 : i32
    %ne3A_21 = arith.constant 0 : i32
    %ne3A_22 = arith.cmpi ne, %rem3A_20, %ne3A_21 : i32
    %lt3A = arith.constant 0 : i32
    %lt3A_23 = arith.cmpi slt, %rem3A_20, %lt3A : i32
    %lt3A_24 = arith.constant 0 : i32
    %lt3A_25 = arith.cmpi slt, %select_n3A_19, %lt3A_24 : i32
    %ne3A_26 = arith.xori %lt3A_23, %lt3A_25 : i1
    %and3A_27 = arith.andi %ne3A_26, %ne3A_22 : i1
    %add3A = arith.addi %rem3A_20, %select_n3A_19 : i32
    %select_n3A_28 = arith.select %and3A_27, %add3A, %rem3A_20 : i32
    %c0_i32 = arith.constant 0 : i32
    %c0_i32_29 = arith.constant 0 : i32
    %c0_i32_30 = arith.constant 0 : i32
    return %select_n3A, %select_n3A_28, %c0_i32, %c0_i32_29 : i32, i32, i32, i32
  }
  func.func @transform_4(%arg0: i32) -> (i32, i32, i32, i32) {
    %jit3A = arith.constant 12 : i32
    %div3A = arith.divsi %arg0, %jit3A : i32
    %sign3A = arith.constant 0 : i32
    %sign3A_0 = arith.cmpi sgt, %arg0, %sign3A : i32
    %sign3A_1 = arith.extui %sign3A_0 : i1 to i32
    %sign3A_2 = arith.constant 0 : i32
    %sign3A_3 = arith.cmpi slt, %arg0, %sign3A_2 : i32
    %sign3A_4 = arith.extui %sign3A_3 : i1 to i32
    %sign3A_5 = arith.subi %sign3A_1, %sign3A_4 : i32
    %sign3A_6 = arith.constant 0 : i32
    %sign3A_7 = arith.cmpi sgt, %jit3A, %sign3A_6 : i32
    %sign3A_8 = arith.extui %sign3A_7 : i1 to i32
    %sign3A_9 = arith.constant 0 : i32
    %sign3A_10 = arith.cmpi slt, %jit3A, %sign3A_9 : i32
    %sign3A_11 = arith.extui %sign3A_10 : i1 to i32
    %sign3A_12 = arith.subi %sign3A_8, %sign3A_11 : i32
    %ne3A = arith.cmpi ne, %sign3A_5, %sign3A_12 : i32
    %rem3A = arith.remsi %arg0, %jit3A : i32
    %ne3A_13 = arith.constant 0 : i32
    %ne3A_14 = arith.cmpi ne, %rem3A, %ne3A_13 : i32
    %and3A = arith.andi %ne3A, %ne3A_14 : i1
    %sub3A = arith.constant 1 : i32
    %sub3A_15 = arith.subi %div3A, %sub3A : i32
    %select_n3A = arith.select %and3A, %sub3A_15, %div3A : i32
    %jit3A_16 = arith.constant 12 : i32
    %eq3A = arith.constant 0 : i32
    %eq3A_17 = arith.cmpi eq, %jit3A_16, %eq3A : i32
    %jit3A_18 = arith.constant 1 : i32
    %select_n3A_19 = arith.select %eq3A_17, %jit3A_18, %jit3A_16 : i32
    %rem3A_20 = arith.remsi %arg0, %select_n3A_19 : i32
    %ne3A_21 = arith.constant 0 : i32
    %ne3A_22 = arith.cmpi ne, %rem3A_20, %ne3A_21 : i32
    %lt3A = arith.constant 0 : i32
    %lt3A_23 = arith.cmpi slt, %rem3A_20, %lt3A : i32
    %lt3A_24 = arith.constant 0 : i32
    %lt3A_25 = arith.cmpi slt, %select_n3A_19, %lt3A_24 : i32
    %ne3A_26 = arith.xori %lt3A_23, %lt3A_25 : i1
    %and3A_27 = arith.andi %ne3A_26, %ne3A_22 : i1
    %add3A = arith.addi %rem3A_20, %select_n3A_19 : i32
    %select_n3A_28 = arith.select %and3A_27, %add3A, %rem3A_20 : i32
    %c0_i32 = arith.constant 0 : i32
    %c0_i32_29 = arith.constant 0 : i32
    %c0_i32_30 = arith.constant 0 : i32
    return %select_n3A, %select_n3A_28, %c0_i32, %c0_i32_29 : i32, i32, i32, i32
  }
}

module attributes {stable_mosaic.version = 14 : i64} {
  func.func @_out_ln_kernel(%arg0: i32, %arg1: i32, %arg2: memref<1x512x768xf32, #tpu.memory_space<vmem>>, %arg3: memref<768x768xf32, #tpu.memory_space<vmem>>, %arg4: memref<1x768xf32, #tpu.memory_space<vmem>>, %arg5: memref<1x512x768xf32, #tpu.memory_space<vmem>>, %arg6: memref<1x768xf32, #tpu.memory_space<vmem>>, %arg7: memref<1x768xf32, #tpu.memory_space<vmem>>, %arg8: memref<1x512x768xf32, #tpu.memory_space<vmem>>) attributes {dimension_semantics = [#tpu.dimension_semantics<parallel>, #tpu.dimension_semantics<parallel>], iteration_bounds = array<i64: 2, 4>, scalar_prefetch = 0 : i64, scratch_operands = 0 : i64, tpu.core_type = #tpu.core_type<tc>, window_params = [{transform_indices = @transform_0, window_bounds = array<i64: 1, 512, 768>}, {pipeline_mode = #tpu.pipeline_mode<synchronous>, transform_indices = @transform_1, window_bounds = array<i64: 768, 768>}, {pipeline_mode = #tpu.pipeline_mode<synchronous>, transform_indices = @transform_2, window_bounds = array<i64: 1, 768>}, {transform_indices = @transform_3, window_bounds = array<i64: 1, 512, 768>}, {pipeline_mode = #tpu.pipeline_mode<synchronous>, transform_indices = @transform_4, window_bounds = array<i64: 1, 768>}, {pipeline_mode = #tpu.pipeline_mode<synchronous>, transform_indices = @transform_5, window_bounds = array<i64: 1, 768>}, {transform_indices = @transform_6, window_bounds = array<i64: 1, 512, 768>}]} {
    %get3A = arith.constant 0 : index
    %get3A_0 = arith.constant 0 : index
    %get3A_1 = arith.constant 0 : index
    %get3A_2 = vector.load %arg2[%get3A, %get3A_0, %get3A_1] : memref<1x512x768xf32, #tpu.memory_space<vmem>>, vector<1x512x768xf32>
    %get3A_3 = vector.shape_cast %get3A_2 : vector<1x512x768xf32> to vector<512x768xf32>
    %get3A_4 = arith.constant 0 : index
    %get3A_5 = arith.constant 0 : index
    %get3A_6 = vector.load %arg3[%get3A_4, %get3A_5] : memref<768x768xf32, #tpu.memory_space<vmem>>, vector<768x768xf32>
    %dot_general3A = arith.constant dense<0.000000e+00> : vector<512x768xf32>
    %dot_general3A_7 = tpu.matmul %get3A_3, %get3A_6, %dot_general3A {dimension_numbers = #tpu.dot_dimension_numbers<[1], [1], [0], [0], [0, 0, 1, 0], [], []>, transpose_lhs_hint = false} : vector<512x768xf32>, vector<768x768xf32>, vector<512x768xf32> -> vector<512x768xf32>
    %get3A_8 = arith.constant 0 : index
    %get3A_9 = arith.constant 0 : index
    %get3A_10 = vector.load %arg4[%get3A_8, %get3A_9] : memref<1x768xf32, #tpu.memory_space<vmem>>, vector<1x768xf32>
    %add3A = vector.broadcast %get3A_10 : vector<1x768xf32> to vector<512x768xf32>
    %add3A_11 = arith.addf %dot_general3A_7, %add3A : vector<512x768xf32>
    %get3A_12 = arith.constant 0 : index
    %get3A_13 = arith.constant 0 : index
    %get3A_14 = arith.constant 0 : index
    %get3A_15 = vector.load %arg5[%get3A_12, %get3A_13, %get3A_14] : memref<1x512x768xf32, #tpu.memory_space<vmem>>, vector<1x512x768xf32>
    %get3A_16 = vector.shape_cast %get3A_15 : vector<1x512x768xf32> to vector<512x768xf32>
    %add3A_17 = arith.addf %add3A_11, %get3A_16 : vector<512x768xf32>
    %get3A_18 = arith.constant 0 : index
    %get3A_19 = arith.constant 0 : index
    %get3A_20 = vector.load %arg6[%get3A_18, %get3A_19] : memref<1x768xf32, #tpu.memory_space<vmem>>, vector<1x768xf32>
    %get3A_21 = arith.constant 0 : index
    %get3A_22 = arith.constant 0 : index
    %get3A_23 = vector.load %arg7[%get3A_21, %get3A_22] : memref<1x768xf32, #tpu.memory_space<vmem>>, vector<1x768xf32>
    %reduce_sum3A = arith.constant dense<0.000000e+00> : vector<512xf32>
    %reduce_sum3A_24 = vector.multi_reduction <add>, %add3A_17, %reduce_sum3A [1] : vector<512x768xf32> to vector<512xf32>
    %broadcast_in_dim3A = vector.shape_cast %reduce_sum3A_24 : vector<512xf32> to vector<512x1xf32>
    %div3A = arith.constant 7.680000e+02 : f32
    %div3A_25 = vector.broadcast %div3A : f32 to vector<512x1xf32>
    %div3A_26 = arith.divf %broadcast_in_dim3A, %div3A_25 : vector<512x1xf32>
    %sub3A = vector.broadcast %div3A_26 : vector<512x1xf32> to vector<512x768xf32>
    %sub3A_27 = arith.subf %add3A_17, %sub3A : vector<512x768xf32>
    %integer_pow3A = arith.mulf %sub3A_27, %sub3A_27 : vector<512x768xf32>
    %reduce_sum3A_28 = arith.constant dense<0.000000e+00> : vector<512xf32>
    %reduce_sum3A_29 = vector.multi_reduction <add>, %integer_pow3A, %reduce_sum3A_28 [1] : vector<512x768xf32> to vector<512xf32>
    %broadcast_in_dim3A_30 = vector.shape_cast %reduce_sum3A_29 : vector<512xf32> to vector<512x1xf32>
    %div3A_31 = arith.constant 7.680000e+02 : f32
    %div3A_32 = vector.broadcast %div3A_31 : f32 to vector<512x1xf32>
    %div3A_33 = arith.divf %broadcast_in_dim3A_30, %div3A_32 : vector<512x1xf32>
    %sub3A_34 = vector.broadcast %div3A_26 : vector<512x1xf32> to vector<512x768xf32>
    %sub3A_35 = arith.subf %add3A_17, %sub3A_34 : vector<512x768xf32>
    %add3A_36 = arith.constant 9.99999974E-6 : f32
    %add3A_37 = vector.broadcast %add3A_36 : f32 to vector<512x1xf32>
    %add3A_38 = arith.addf %div3A_33, %add3A_37 : vector<512x1xf32>
    %sqrt3A = math.sqrt %add3A_38 : vector<512x1xf32>
    %div3A_39 = vector.broadcast %sqrt3A : vector<512x1xf32> to vector<512x768xf32>
    %div3A_40 = arith.divf %sub3A_35, %div3A_39 : vector<512x768xf32>
    %mul3A = vector.broadcast %get3A_20 : vector<1x768xf32> to vector<512x768xf32>
    %mul3A_41 = arith.mulf %div3A_40, %mul3A : vector<512x768xf32>
    %add3A_42 = vector.broadcast %get3A_23 : vector<1x768xf32> to vector<512x768xf32>
    %add3A_43 = arith.addf %mul3A_41, %add3A_42 : vector<512x768xf32>
    %swap3A = arith.constant 0 : index
    %swap3A_44 = arith.constant 0 : index
    %swap3A_45 = arith.constant 0 : index
    %swap3A_46 = vector.load %arg8[%swap3A, %swap3A_44, %swap3A_45] : memref<1x512x768xf32, #tpu.memory_space<vmem>>, vector<1x512x768xf32>
    %swap3A_47 = vector.shape_cast %swap3A_46 : vector<1x512x768xf32> to vector<512x768xf32>
    %swap3A_48 = vector.shape_cast %add3A_43 : vector<512x768xf32> to vector<1x512x768xf32>
    tpu.vector_store %arg8[%swap3A, %swap3A_44, %swap3A_45], %swap3A_48 {strides = array<i32>} : memref<1x512x768xf32, #tpu.memory_space<vmem>>, vector<1x512x768xf32>,
    return
  }
  func.func @transform_0(%arg0: i32, %arg1: i32) -> (i32, i32, i32) {
    %c0_i32 = arith.constant 0 : i32
    %c0_i32_0 = arith.constant 0 : i32
    return %arg0, %arg1, %c0_i32 : i32, i32, i32
  }
  func.func @transform_1(%arg0: i32, %arg1: i32) -> (i32, i32) {
    %c0_i32 = arith.constant 0 : i32
    %c0_i32_0 = arith.constant 0 : i32
    %c0_i32_1 = arith.constant 0 : i32
    return %c0_i32, %c0_i32_0 : i32, i32
  }
  func.func @transform_2(%arg0: i32, %arg1: i32) -> (i32, i32) {
    %c0_i32 = arith.constant 0 : i32
    %c0_i32_0 = arith.constant 0 : i32
    %c0_i32_1 = arith.constant 0 : i32
    return %c0_i32, %c0_i32_0 : i32, i32
  }
  func.func @transform_3(%arg0: i32, %arg1: i32) -> (i32, i32, i32) {
    %c0_i32 = arith.constant 0 : i32
    %c0_i32_0 = arith.constant 0 : i32
    return %arg0, %arg1, %c0_i32 : i32, i32, i32
  }
  func.func @transform_4(%arg0: i32, %arg1: i32) -> (i32, i32) {
    %c0_i32 = arith.constant 0 : i32
    %c0_i32_0 = arith.constant 0 : i32
    %c0_i32_1 = arith.constant 0 : i32
    return %c0_i32, %c0_i32_0 : i32, i32
  }
  func.func @transform_5(%arg0: i32, %arg1: i32) -> (i32, i32) {
    %c0_i32 = arith.constant 0 : i32
    %c0_i32_0 = arith.constant 0 : i32
    %c0_i32_1 = arith.constant 0 : i32
    return %c0_i32, %c0_i32_0 : i32, i32
  }
  func.func @transform_6(%arg0: i32, %arg1: i32) -> (i32, i32, i32) {
    %c0_i32 = arith.constant 0 : i32
    %c0_i32_0 = arith.constant 0 : i32
    return %arg0, %arg1, %c0_i32 : i32, i32, i32
  }
}

module attributes {stable_mosaic.version = 14 : i64} {
  func.func @_ffn_kernel(%arg0: i32, %arg1: i32, %arg2: memref<1x512x768xf32, #tpu.memory_space<vmem>>, %arg3: memref<2048x768xf32, #tpu.memory_space<vmem>>, %arg4: memref<1x2048xf32, #tpu.memory_space<vmem>>, %arg5: memref<768x2048xf32, #tpu.memory_space<vmem>>, %arg6: memref<1x768xf32, #tpu.memory_space<vmem>>, %arg7: memref<1x768xf32, #tpu.memory_space<vmem>>, %arg8: memref<1x768xf32, #tpu.memory_space<vmem>>, %arg9: memref<1x512x768xf32, #tpu.memory_space<vmem>>) attributes {dimension_semantics = [#tpu.dimension_semantics<parallel>, #tpu.dimension_semantics<parallel>], iteration_bounds = array<i64: 2, 4>, scalar_prefetch = 0 : i64, scratch_operands = 0 : i64, tpu.core_type = #tpu.core_type<tc>, window_params = [{transform_indices = @transform_0, window_bounds = array<i64: 1, 512, 768>}, {pipeline_mode = #tpu.pipeline_mode<synchronous>, transform_indices = @transform_1, window_bounds = array<i64: 2048, 768>}, {pipeline_mode = #tpu.pipeline_mode<synchronous>, transform_indices = @transform_2, window_bounds = array<i64: 1, 2048>}, {pipeline_mode = #tpu.pipeline_mode<synchronous>, transform_indices = @transform_3, window_bounds = array<i64: 768, 2048>}, {pipeline_mode = #tpu.pipeline_mode<synchronous>, transform_indices = @transform_4, window_bounds = array<i64: 1, 768>}, {pipeline_mode = #tpu.pipeline_mode<synchronous>, transform_indices = @transform_5, window_bounds = array<i64: 1, 768>}, {pipeline_mode = #tpu.pipeline_mode<synchronous>, transform_indices = @transform_6, window_bounds = array<i64: 1, 768>}, {transform_indices = @transform_7, window_bounds = array<i64: 1, 512, 768>}]} {
    %get3A = arith.constant 0 : index
    %get3A_0 = arith.constant 0 : index
    %get3A_1 = arith.constant 0 : index
    %get3A_2 = vector.load %arg2[%get3A, %get3A_0, %get3A_1] : memref<1x512x768xf32, #tpu.memory_space<vmem>>, vector<1x512x768xf32>
    %get3A_3 = vector.shape_cast %get3A_2 : vector<1x512x768xf32> to vector<512x768xf32>
    %get3A_4 = arith.constant 0 : index
    %get3A_5 = arith.constant 0 : index
    %get3A_6 = vector.load %arg3[%get3A_4, %get3A_5] : memref<2048x768xf32, #tpu.memory_space<vmem>>, vector<2048x768xf32>
    %dot_general3A = arith.constant dense<0.000000e+00> : vector<512x2048xf32>
    %dot_general3A_7 = tpu.matmul %get3A_3, %get3A_6, %dot_general3A {dimension_numbers = #tpu.dot_dimension_numbers<[1], [1], [0], [0], [0, 0, 1, 0], [], []>, transpose_lhs_hint = false} : vector<512x768xf32>, vector<2048x768xf32>, vector<512x2048xf32> -> vector<512x2048xf32>
    %get3A_8 = arith.constant 0 : index
    %get3A_9 = arith.constant 0 : index
    %get3A_10 = vector.load %arg4[%get3A_8, %get3A_9] : memref<1x2048xf32, #tpu.memory_space<vmem>>, vector<1x2048xf32>
    %add3A = vector.broadcast %get3A_10 : vector<1x2048xf32> to vector<512x2048xf32>
    %add3A_11 = arith.addf %dot_general3A_7, %add3A : vector<512x2048xf32>
    %mul3A = arith.constant 5.000000e-01 : f32
    %mul3A_12 = vector.broadcast %mul3A : f32 to vector<512x2048xf32>
    %mul3A_13 = arith.mulf %mul3A_12, %add3A_11 : vector<512x2048xf32>
    %mul3A_14 = arith.constant 0.707106769 : f32
    %mul3A_15 = vector.broadcast %mul3A_14 : f32 to vector<512x2048xf32>
    %mul3A_16 = arith.mulf %add3A_11, %mul3A_15 : vector<512x2048xf32>
    %erf3A = math.erf %mul3A_16 : vector<512x2048xf32>
    %add3A_17 = arith.constant 1.000000e+00 : f32
    %add3A_18 = vector.broadcast %add3A_17 : f32 to vector<512x2048xf32>
    %add3A_19 = arith.addf %add3A_18, %erf3A : vector<512x2048xf32>
    %mul3A_20 = arith.mulf %mul3A_13, %add3A_19 : vector<512x2048xf32>
    %get3A_21 = arith.constant 0 : index
    %get3A_22 = arith.constant 0 : index
    %get3A_23 = vector.load %arg5[%get3A_21, %get3A_22] : memref<768x2048xf32, #tpu.memory_space<vmem>>, vector<768x2048xf32>
    %dot_general3A_24 = arith.constant dense<0.000000e+00> : vector<512x768xf32>
    %dot_general3A_25 = tpu.matmul %mul3A_20, %get3A_23, %dot_general3A_24 {dimension_numbers = #tpu.dot_dimension_numbers<[1], [1], [0], [0], [0, 0, 1, 0], [], []>, transpose_lhs_hint = false} : vector<512x2048xf32>, vector<768x2048xf32>, vector<512x768xf32> -> vector<512x768xf32>
    %get3A_26 = arith.constant 0 : index
    %get3A_27 = arith.constant 0 : index
    %get3A_28 = vector.load %arg6[%get3A_26, %get3A_27] : memref<1x768xf32, #tpu.memory_space<vmem>>, vector<1x768xf32>
    %add3A_29 = vector.broadcast %get3A_28 : vector<1x768xf32> to vector<512x768xf32>
    %add3A_30 = arith.addf %dot_general3A_25, %add3A_29 : vector<512x768xf32>
    %add3A_31 = arith.addf %add3A_30, %get3A_3 : vector<512x768xf32>
    %get3A_32 = arith.constant 0 : index
    %get3A_33 = arith.constant 0 : index
    %get3A_34 = vector.load %arg7[%get3A_32, %get3A_33] : memref<1x768xf32, #tpu.memory_space<vmem>>, vector<1x768xf32>
    %get3A_35 = arith.constant 0 : index
    %get3A_36 = arith.constant 0 : index
    %get3A_37 = vector.load %arg8[%get3A_35, %get3A_36] : memref<1x768xf32, #tpu.memory_space<vmem>>, vector<1x768xf32>
    %reduce_sum3A = arith.constant dense<0.000000e+00> : vector<512xf32>
    %reduce_sum3A_38 = vector.multi_reduction <add>, %add3A_31, %reduce_sum3A [1] : vector<512x768xf32> to vector<512xf32>
    %broadcast_in_dim3A = vector.shape_cast %reduce_sum3A_38 : vector<512xf32> to vector<512x1xf32>
    %div3A = arith.constant 7.680000e+02 : f32
    %div3A_39 = vector.broadcast %div3A : f32 to vector<512x1xf32>
    %div3A_40 = arith.divf %broadcast_in_dim3A, %div3A_39 : vector<512x1xf32>
    %sub3A = vector.broadcast %div3A_40 : vector<512x1xf32> to vector<512x768xf32>
    %sub3A_41 = arith.subf %add3A_31, %sub3A : vector<512x768xf32>
    %integer_pow3A = arith.mulf %sub3A_41, %sub3A_41 : vector<512x768xf32>
    %reduce_sum3A_42 = arith.constant dense<0.000000e+00> : vector<512xf32>
    %reduce_sum3A_43 = vector.multi_reduction <add>, %integer_pow3A, %reduce_sum3A_42 [1] : vector<512x768xf32> to vector<512xf32>
    %broadcast_in_dim3A_44 = vector.shape_cast %reduce_sum3A_43 : vector<512xf32> to vector<512x1xf32>
    %div3A_45 = arith.constant 7.680000e+02 : f32
    %div3A_46 = vector.broadcast %div3A_45 : f32 to vector<512x1xf32>
    %div3A_47 = arith.divf %broadcast_in_dim3A_44, %div3A_46 : vector<512x1xf32>
    %sub3A_48 = vector.broadcast %div3A_40 : vector<512x1xf32> to vector<512x768xf32>
    %sub3A_49 = arith.subf %add3A_31, %sub3A_48 : vector<512x768xf32>
    %add3A_50 = arith.constant 9.99999974E-6 : f32
    %add3A_51 = vector.broadcast %add3A_50 : f32 to vector<512x1xf32>
    %add3A_52 = arith.addf %div3A_47, %add3A_51 : vector<512x1xf32>
    %sqrt3A = math.sqrt %add3A_52 : vector<512x1xf32>
    %div3A_53 = vector.broadcast %sqrt3A : vector<512x1xf32> to vector<512x768xf32>
    %div3A_54 = arith.divf %sub3A_49, %div3A_53 : vector<512x768xf32>
    %mul3A_55 = vector.broadcast %get3A_34 : vector<1x768xf32> to vector<512x768xf32>
    %mul3A_56 = arith.mulf %div3A_54, %mul3A_55 : vector<512x768xf32>
    %add3A_57 = vector.broadcast %get3A_37 : vector<1x768xf32> to vector<512x768xf32>
    %add3A_58 = arith.addf %mul3A_56, %add3A_57 : vector<512x768xf32>
    %swap3A = arith.constant 0 : index
    %swap3A_59 = arith.constant 0 : index
    %swap3A_60 = arith.constant 0 : index
    %swap3A_61 = vector.load %arg9[%swap3A, %swap3A_59, %swap3A_60] : memref<1x512x768xf32, #tpu.memory_space<vmem>>, vector<1x512x768xf32>
    %swap3A_62 = vector.shape_cast %swap3A_61 : vector<1x512x768xf32> to vector<512x768xf32>
    %swap3A_63 = vector.shape_cast %add3A_58 : vector<512x768xf32> to vector<1x512x768xf32>
    tpu.vector_store %arg9[%swap3A, %swap3A_59, %swap3A_60], %swap3A_63 {strides = array<i32>} : memref<1x512x768xf32, #tpu.memory_space<vmem>>, vector<1x512x768xf32>,
    return
  }
  func.func @transform_0(%arg0: i32, %arg1: i32) -> (i32, i32, i32) {
    %c0_i32 = arith.constant 0 : i32
    %c0_i32_0 = arith.constant 0 : i32
    return %arg0, %arg1, %c0_i32 : i32, i32, i32
  }
  func.func @transform_1(%arg0: i32, %arg1: i32) -> (i32, i32) {
    %c0_i32 = arith.constant 0 : i32
    %c0_i32_0 = arith.constant 0 : i32
    %c0_i32_1 = arith.constant 0 : i32
    return %c0_i32, %c0_i32_0 : i32, i32
  }
  func.func @transform_2(%arg0: i32, %arg1: i32) -> (i32, i32) {
    %c0_i32 = arith.constant 0 : i32
    %c0_i32_0 = arith.constant 0 : i32
    %c0_i32_1 = arith.constant 0 : i32
    return %c0_i32, %c0_i32_0 : i32, i32
  }
  func.func @transform_3(%arg0: i32, %arg1: i32) -> (i32, i32) {
    %c0_i32 = arith.constant 0 : i32
    %c0_i32_0 = arith.constant 0 : i32
    %c0_i32_1 = arith.constant 0 : i32
    return %c0_i32, %c0_i32_0 : i32, i32
  }
  func.func @transform_4(%arg0: i32, %arg1: i32) -> (i32, i32) {
    %c0_i32 = arith.constant 0 : i32
    %c0_i32_0 = arith.constant 0 : i32
    %c0_i32_1 = arith.constant 0 : i32
    return %c0_i32, %c0_i32_0 : i32, i32
  }
  func.func @transform_5(%arg0: i32, %arg1: i32) -> (i32, i32) {
    %c0_i32 = arith.constant 0 : i32
    %c0_i32_0 = arith.constant 0 : i32
    %c0_i32_1 = arith.constant 0 : i32
    return %c0_i32, %c0_i32_0 : i32, i32
  }
  func.func @transform_6(%arg0: i32, %arg1: i32) -> (i32, i32) {
    %c0_i32 = arith.constant 0 : i32
    %c0_i32_0 = arith.constant 0 : i32
    %c0_i32_1 = arith.constant 0 : i32
    return %c0_i32, %c0_i32_0 : i32, i32
  }
  func.func @transform_7(%arg0: i32, %arg1: i32) -> (i32, i32, i32) {
    %c0_i32 = arith.constant 0 : i32
    %c0_i32_0 = arith.constant 0 : i32
    return %arg0, %arg1, %c0_i32 : i32, i32, i32
  }
}

module attributes {stable_mosaic.version = 14 : i64} {
  func.func @_attend_kernel(%arg0: i32, %arg1: memref<1x32x128xi32, #tpu.memory_space<vmem>>, %arg2: memref<1x1x2048x64xf32, #tpu.memory_space<vmem>>, %arg3: memref<1x1x2048x64xf32, #tpu.memory_space<vmem>>, %arg4: memref<1x1x2048x64xf32, #tpu.memory_space<vmem>>, %arg5: memref<1x1x2048x64xf32, #tpu.memory_space<vmem>>) attributes {dimension_semantics = [#tpu.dimension_semantics<parallel>], iteration_bounds = array<i64: 24>, scalar_prefetch = 0 : i64, scratch_operands = 0 : i64, tpu.core_type = #tpu.core_type<tc>, window_params = [{transform_indices = @transform_0, window_bounds = array<i64: 1, 32, 128>}, {transform_indices = @transform_1, window_bounds = array<i64: 1, 1, 2048, 64>}, {transform_indices = @transform_2, window_bounds = array<i64: 1, 1, 2048, 64>}, {transform_indices = @transform_3, window_bounds = array<i64: 1, 1, 2048, 64>}, {transform_indices = @transform_4, window_bounds = array<i64: 1, 1, 2048, 64>}]} {
    %get3A = arith.constant 0 : index
    %get3A_0 = arith.constant 0 : index
    %get3A_1 = arith.constant 0 : index
    %get3A_2 = vector.load %arg1[%get3A, %get3A_0, %get3A_1] : memref<1x32x128xi32, #tpu.memory_space<vmem>>, vector<1x32x1xi32>
    %get3A_3 = vector.shape_cast %get3A_2 : vector<1x32x1xi32> to vector<32x1xi32>
    %iota3A = tpu.iota {dimensions = array<i32: 1>} : vector<32x2048xi32>
    %eq3A = vector.broadcast %get3A_3 : vector<32x1xi32> to vector<32x2048xi32>
    %eq3A_4 = arith.cmpi eq, %iota3A, %eq3A : vector<32x2048xi32>
    %convert_element_type3A = arith.extui %eq3A_4 : vector<32x2048xi1> to vector<32x2048xi32>
    %convert_element_type3A_5 = arith.sitofp %convert_element_type3A : vector<32x2048xi32> to vector<32x2048xf32>
    %get3A_6 = arith.constant 0 : index
    %get3A_7 = arith.constant 0 : index
    %get3A_8 = arith.constant 0 : index
    %get3A_9 = arith.constant 0 : index
    %get3A_10 = vector.load %arg2[%get3A_6, %get3A_7, %get3A_8, %get3A_9] : memref<1x1x2048x64xf32, #tpu.memory_space<vmem>>, vector<1x1x2048x64xf32>
    %get3A_11 = vector.shape_cast %get3A_10 : vector<1x1x2048x64xf32> to vector<2048x64xf32>
    %get3A_12 = arith.constant 0 : index
    %get3A_13 = arith.constant 0 : index
    %get3A_14 = arith.constant 0 : index
    %get3A_15 = arith.constant 0 : index
    %get3A_16 = vector.load %arg3[%get3A_12, %get3A_13, %get3A_14, %get3A_15] : memref<1x1x2048x64xf32, #tpu.memory_space<vmem>>, vector<1x1x2048x64xf32>
    %get3A_17 = vector.shape_cast %get3A_16 : vector<1x1x2048x64xf32> to vector<2048x64xf32>
    %get3A_18 = arith.constant 0 : index
    %get3A_19 = arith.constant 0 : index
    %get3A_20 = arith.constant 0 : index
    %get3A_21 = arith.constant 0 : index
    %get3A_22 = vector.load %arg4[%get3A_18, %get3A_19, %get3A_20, %get3A_21] : memref<1x1x2048x64xf32, #tpu.memory_space<vmem>>, vector<1x1x2048x64xf32>
    %get3A_23 = vector.shape_cast %get3A_22 : vector<1x1x2048x64xf32> to vector<2048x64xf32>
    %dot_general3A = arith.constant dense<0.000000e+00> : vector<32x64xf32>
    %dot_general3A_24 = tpu.matmul %convert_element_type3A_5, %get3A_11, %dot_general3A {dimension_numbers = #tpu.dot_dimension_numbers<[1], [0], [0], [1], [0, 0, 1, 1], [], []>, transpose_lhs_hint = false} : vector<32x2048xf32>, vector<2048x64xf32>, vector<32x64xf32> -> vector<32x64xf32>
    %dot_general3A_25 = arith.constant dense<0.000000e+00> : vector<32x2048xf32>
    %dot_general3A_26 = tpu.matmul %dot_general3A_24, %get3A_17, %dot_general3A_25 {dimension_numbers = #tpu.dot_dimension_numbers<[1], [1], [0], [0], [0, 0, 1, 0], [], []>, transpose_lhs_hint = false} : vector<32x64xf32>, vector<2048x64xf32>, vector<32x2048xf32> -> vector<32x2048xf32>
    %mul3A = arith.constant 1.250000e-01 : f32
    %mul3A_27 = vector.broadcast %mul3A : f32 to vector<32x2048xf32>
    %mul3A_28 = arith.mulf %dot_general3A_26, %mul3A_27 : vector<32x2048xf32>
    %gt3A = vector.broadcast %get3A_3 : vector<32x1xi32> to vector<32x2048xi32>
    %gt3A_29 = arith.cmpi sgt, %iota3A, %gt3A : vector<32x2048xi32>
    %jit3A = arith.constant -1.000000e+30 : f32
    %broadcast_in_dim3A = vector.broadcast %jit3A : f32 to vector<32x2048xf32>
    %select_n3A = arith.select %gt3A_29, %broadcast_in_dim3A, %mul3A_28 : vector<32x2048xi1>, vector<32x2048xf32>
    %reduce_max3A = arith.constant dense<0xFF800000> : vector<32xf32>
    %reduce_max3A_30 = vector.multi_reduction <maximumf>, %select_n3A, %reduce_max3A [1] : vector<32x2048xf32> to vector<32xf32>
    %broadcast_in_dim3A_31 = vector.shape_cast %reduce_max3A_30 : vector<32xf32> to vector<32x1xf32>
    %sub3A = vector.broadcast %broadcast_in_dim3A_31 : vector<32x1xf32> to vector<32x2048xf32>
    %sub3A_32 = arith.subf %select_n3A, %sub3A : vector<32x2048xf32>
    %exp3A = math.exp %sub3A_32 : vector<32x2048xf32>
    %reduce_sum3A = arith.constant dense<0.000000e+00> : vector<32xf32>
    %reduce_sum3A_33 = vector.multi_reduction <add>, %exp3A, %reduce_sum3A [1] : vector<32x2048xf32> to vector<32xf32>
    %broadcast_in_dim3A_34 = vector.shape_cast %reduce_sum3A_33 : vector<32xf32> to vector<32x1xf32>
    %div3A = vector.broadcast %broadcast_in_dim3A_34 : vector<32x1xf32> to vector<32x2048xf32>
    %div3A_35 = arith.divf %exp3A, %div3A : vector<32x2048xf32>
    %dot_general3A_36 = arith.constant dense<0.000000e+00> : vector<32x64xf32>
    %dot_general3A_37 = tpu.matmul %div3A_35, %get3A_23, %dot_general3A_36 {dimension_numbers = #tpu.dot_dimension_numbers<[1], [0], [0], [1], [0, 0, 1, 1], [], []>, transpose_lhs_hint = false} : vector<32x2048xf32>, vector<2048x64xf32>, vector<32x64xf32> -> vector<32x64xf32>
    %dot_general3A_38 = arith.constant dense<0.000000e+00> : vector<2048x64xf32>
    %dot_general3A_39 = tpu.matmul %convert_element_type3A_5, %dot_general3A_37, %dot_general3A_38 {dimension_numbers = #tpu.dot_dimension_numbers<[0], [0], [1], [1], [0, 1, 1, 1], [], []>, transpose_lhs_hint = false} : vector<32x2048xf32>, vector<32x64xf32>, vector<2048x64xf32> -> vector<2048x64xf32>
    %broadcast_in_dim3A_40 = arith.constant 1.000000e+00 : f32
    %broadcast_in_dim3A_41 = vector.broadcast %broadcast_in_dim3A_40 : f32 to vector<32x1xf32>
    %dot_general3A_42 = arith.constant dense<0.000000e+00> : vector<2048x1xf32>
    %dot_general3A_43 = tpu.matmul %convert_element_type3A_5, %broadcast_in_dim3A_41, %dot_general3A_42 {dimension_numbers = #tpu.dot_dimension_numbers<[0], [0], [1], [1], [0, 1, 1, 1], [], []>, transpose_lhs_hint = false} : vector<32x2048xf32>, vector<32x1xf32>, vector<2048x1xf32> -> vector<2048x1xf32>
    %sub3A_44 = arith.constant 1.000000e+00 : f32
    %sub3A_45 = vector.broadcast %sub3A_44 : f32 to vector<2048x1xf32>
    %sub3A_46 = arith.subf %sub3A_45, %dot_general3A_43 : vector<2048x1xf32>
    %iota3A_47 = tpu.iota {dimensions = array<i32: 0>} : vector<128x128xi32>
    %iota3A_48 = tpu.iota {dimensions = array<i32: 1>} : vector<128x128xi32>
    %ge3A = arith.cmpi sge, %iota3A_47, %iota3A_48 : vector<128x128xi32>
    %convert_element_type3A_49 = arith.extui %ge3A : vector<128x128xi1> to vector<128x128xi32>
    %convert_element_type3A_50 = arith.sitofp %convert_element_type3A_49 : vector<128x128xi32> to vector<128x128xf32>
    %broadcast_in_dim3A_51 = arith.constant 0.000000e+00 : f32
    %broadcast_in_dim3A_52 = vector.broadcast %broadcast_in_dim3A_51 : f32 to vector<1x64xf32>
    %get3A_53 = arith.constant 0 : index
    %get3A_54 = arith.constant 0 : index
    %get3A_55 = arith.constant 0 : index
    %get3A_56 = arith.constant 0 : index
    %get3A_57 = vector.load %arg4[%get3A_53, %get3A_54, %get3A_55, %get3A_56] : memref<1x1x2048x64xf32, #tpu.memory_space<vmem>>, vector<1x1x128x64xf32>
    %get3A_58 = vector.shape_cast %get3A_57 : vector<1x1x128x64xf32> to vector<128x64xf32>
    %dot_general3A_59 = arith.constant dense<0.000000e+00> : vector<128x64xf32>
    %dot_general3A_60 = tpu.matmul %convert_element_type3A_50, %get3A_58, %dot_general3A_59 {dimension_numbers = #tpu.dot_dimension_numbers<[1], [0], [0], [1], [0, 0, 1, 1], [], []>, transpose_lhs_hint = false} : vector<128x128xf32>, vector<128x64xf32>, vector<128x64xf32> -> vector<128x64xf32>
    %add3A = vector.broadcast %broadcast_in_dim3A_52 : vector<1x64xf32> to vector<128x64xf32>
    %add3A_61 = arith.addf %dot_general3A_60, %add3A : vector<128x64xf32>
    %slice3A = vector.extract_strided_slice %sub3A_46 {offsets = [0, 0], sizes = [128, 1], strides = [1, 1]} : vector<2048x1xf32> to vector<128x1xf32>
    %mul3A_62 = vector.broadcast %slice3A : vector<128x1xf32> to vector<128x64xf32>
    %mul3A_63 = arith.mulf %add3A_61, %mul3A_62 : vector<128x64xf32>
    %slice3A_64 = vector.extract_strided_slice %dot_general3A_39 {offsets = [0, 0], sizes = [128, 64], strides = [1, 1]} : vector<2048x64xf32> to vector<128x64xf32>
    %add3A_65 = arith.addf %mul3A_63, %slice3A_64 : vector<128x64xf32>
    %swap3A = arith.constant 0 : index
    %swap3A_66 = arith.constant 0 : index
    %swap3A_67 = arith.constant 0 : index
    %swap3A_68 = arith.constant 0 : index
    %swap3A_69 = vector.load %arg5[%swap3A, %swap3A_66, %swap3A_67, %swap3A_68] : memref<1x1x2048x64xf32, #tpu.memory_space<vmem>>, vector<1x1x128x64xf32>
    %swap3A_70 = vector.shape_cast %swap3A_69 : vector<1x1x128x64xf32> to vector<128x64xf32>
    %swap3A_71 = vector.shape_cast %add3A_65 : vector<128x64xf32> to vector<1x1x128x64xf32>
    tpu.vector_store %arg5[%swap3A, %swap3A_66, %swap3A_67, %swap3A_68], %swap3A_71 {strides = array<i32>} : memref<1x1x2048x64xf32, #tpu.memory_space<vmem>>, vector<1x1x128x64xf32>,
    %slice3A_72 = vector.extract_strided_slice %add3A_61 {offsets = [127, 0], sizes = [1, 64], strides = [1, 1]} : vector<128x64xf32> to vector<1x64xf32>
    %get3A_73 = arith.constant 0 : index
    %get3A_74 = arith.constant 0 : index
    %get3A_75 = arith.constant 128 : index
    %get3A_76 = arith.constant 0 : index
    %get3A_77 = vector.load %arg4[%get3A_73, %get3A_74, %get3A_75, %get3A_76] : memref<1x1x2048x64xf32, #tpu.memory_space<vmem>>, vector<1x1x128x64xf32>
    %get3A_78 = vector.shape_cast %get3A_77 : vector<1x1x128x64xf32> to vector<128x64xf32>
    %dot_general3A_79 = arith.constant dense<0.000000e+00> : vector<128x64xf32>
    %dot_general3A_80 = tpu.matmul %convert_element_type3A_50, %get3A_78, %dot_general3A_79 {dimension_numbers = #tpu.dot_dimension_numbers<[1], [0], [0], [1], [0, 0, 1, 1], [], []>, transpose_lhs_hint = false} : vector<128x128xf32>, vector<128x64xf32>, vector<128x64xf32> -> vector<128x64xf32>
    %add3A_81 = vector.broadcast %slice3A_72 : vector<1x64xf32> to vector<128x64xf32>
    %add3A_82 = arith.addf %dot_general3A_80, %add3A_81 : vector<128x64xf32>
    %slice3A_83 = vector.extract_strided_slice %sub3A_46 {offsets = [128, 0], sizes = [128, 1], strides = [1, 1]} : vector<2048x1xf32> to vector<128x1xf32>
    %mul3A_84 = vector.broadcast %slice3A_83 : vector<128x1xf32> to vector<128x64xf32>
    %mul3A_85 = arith.mulf %add3A_82, %mul3A_84 : vector<128x64xf32>
    %slice3A_86 = vector.extract_strided_slice %dot_general3A_39 {offsets = [128, 0], sizes = [128, 64], strides = [1, 1]} : vector<2048x64xf32> to vector<128x64xf32>
    %add3A_87 = arith.addf %mul3A_85, %slice3A_86 : vector<128x64xf32>
    %swap3A_88 = arith.constant 0 : index
    %swap3A_89 = arith.constant 0 : index
    %swap3A_90 = arith.constant 128 : index
    %swap3A_91 = arith.constant 0 : index
    %swap3A_92 = vector.load %arg5[%swap3A_88, %swap3A_89, %swap3A_90, %swap3A_91] : memref<1x1x2048x64xf32, #tpu.memory_space<vmem>>, vector<1x1x128x64xf32>
    %swap3A_93 = vector.shape_cast %swap3A_92 : vector<1x1x128x64xf32> to vector<128x64xf32>
    %swap3A_94 = vector.shape_cast %add3A_87 : vector<128x64xf32> to vector<1x1x128x64xf32>
    tpu.vector_store %arg5[%swap3A_88, %swap3A_89, %swap3A_90, %swap3A_91], %swap3A_94 {strides = array<i32>} : memref<1x1x2048x64xf32, #tpu.memory_space<vmem>>, vector<1x1x128x64xf32>,
    %slice3A_95 = vector.extract_strided_slice %add3A_82 {offsets = [127, 0], sizes = [1, 64], strides = [1, 1]} : vector<128x64xf32> to vector<1x64xf32>
    %get3A_96 = arith.constant 0 : index
    %get3A_97 = arith.constant 0 : index
    %get3A_98 = arith.constant 256 : index
    %get3A_99 = arith.constant 0 : index
    %get3A_100 = vector.load %arg4[%get3A_96, %get3A_97, %get3A_98, %get3A_99] : memref<1x1x2048x64xf32, #tpu.memory_space<vmem>>, vector<1x1x128x64xf32>
    %get3A_101 = vector.shape_cast %get3A_100 : vector<1x1x128x64xf32> to vector<128x64xf32>
    %dot_general3A_102 = arith.constant dense<0.000000e+00> : vector<128x64xf32>
    %dot_general3A_103 = tpu.matmul %convert_element_type3A_50, %get3A_101, %dot_general3A_102 {dimension_numbers = #tpu.dot_dimension_numbers<[1], [0], [0], [1], [0, 0, 1, 1], [], []>, transpose_lhs_hint = false} : vector<128x128xf32>, vector<128x64xf32>, vector<128x64xf32> -> vector<128x64xf32>
    %add3A_104 = vector.broadcast %slice3A_95 : vector<1x64xf32> to vector<128x64xf32>
    %add3A_105 = arith.addf %dot_general3A_103, %add3A_104 : vector<128x64xf32>
    %slice3A_106 = vector.extract_strided_slice %sub3A_46 {offsets = [256, 0], sizes = [128, 1], strides = [1, 1]} : vector<2048x1xf32> to vector<128x1xf32>
    %mul3A_107 = vector.broadcast %slice3A_106 : vector<128x1xf32> to vector<128x64xf32>
    %mul3A_108 = arith.mulf %add3A_105, %mul3A_107 : vector<128x64xf32>
    %slice3A_109 = vector.extract_strided_slice %dot_general3A_39 {offsets = [256, 0], sizes = [128, 64], strides = [1, 1]} : vector<2048x64xf32> to vector<128x64xf32>
    %add3A_110 = arith.addf %mul3A_108, %slice3A_109 : vector<128x64xf32>
    %swap3A_111 = arith.constant 0 : index
    %swap3A_112 = arith.constant 0 : index
    %swap3A_113 = arith.constant 256 : index
    %swap3A_114 = arith.constant 0 : index
    %swap3A_115 = vector.load %arg5[%swap3A_111, %swap3A_112, %swap3A_113, %swap3A_114] : memref<1x1x2048x64xf32, #tpu.memory_space<vmem>>, vector<1x1x128x64xf32>
    %swap3A_116 = vector.shape_cast %swap3A_115 : vector<1x1x128x64xf32> to vector<128x64xf32>
    %swap3A_117 = vector.shape_cast %add3A_110 : vector<128x64xf32> to vector<1x1x128x64xf32>
    tpu.vector_store %arg5[%swap3A_111, %swap3A_112, %swap3A_113, %swap3A_114], %swap3A_117 {strides = array<i32>} : memref<1x1x2048x64xf32, #tpu.memory_space<vmem>>, vector<1x1x128x64xf32>,
    %slice3A_118 = vector.extract_strided_slice %add3A_105 {offsets = [127, 0], sizes = [1, 64], strides = [1, 1]} : vector<128x64xf32> to vector<1x64xf32>
    %get3A_119 = arith.constant 0 : index
    %get3A_120 = arith.constant 0 : index
    %get3A_121 = arith.constant 384 : index
    %get3A_122 = arith.constant 0 : index
    %get3A_123 = vector.load %arg4[%get3A_119, %get3A_120, %get3A_121, %get3A_122] : memref<1x1x2048x64xf32, #tpu.memory_space<vmem>>, vector<1x1x128x64xf32>
    %get3A_124 = vector.shape_cast %get3A_123 : vector<1x1x128x64xf32> to vector<128x64xf32>
    %dot_general3A_125 = arith.constant dense<0.000000e+00> : vector<128x64xf32>
    %dot_general3A_126 = tpu.matmul %convert_element_type3A_50, %get3A_124, %dot_general3A_125 {dimension_numbers = #tpu.dot_dimension_numbers<[1], [0], [0], [1], [0, 0, 1, 1], [], []>, transpose_lhs_hint = false} : vector<128x128xf32>, vector<128x64xf32>, vector<128x64xf32> -> vector<128x64xf32>
    %add3A_127 = vector.broadcast %slice3A_118 : vector<1x64xf32> to vector<128x64xf32>
    %add3A_128 = arith.addf %dot_general3A_126, %add3A_127 : vector<128x64xf32>
    %slice3A_129 = vector.extract_strided_slice %sub3A_46 {offsets = [384, 0], sizes = [128, 1], strides = [1, 1]} : vector<2048x1xf32> to vector<128x1xf32>
    %mul3A_130 = vector.broadcast %slice3A_129 : vector<128x1xf32> to vector<128x64xf32>
    %mul3A_131 = arith.mulf %add3A_128, %mul3A_130 : vector<128x64xf32>
    %slice3A_132 = vector.extract_strided_slice %dot_general3A_39 {offsets = [384, 0], sizes = [128, 64], strides = [1, 1]} : vector<2048x64xf32> to vector<128x64xf32>
    %add3A_133 = arith.addf %mul3A_131, %slice3A_132 : vector<128x64xf32>
    %swap3A_134 = arith.constant 0 : index
    %swap3A_135 = arith.constant 0 : index
    %swap3A_136 = arith.constant 384 : index
    %swap3A_137 = arith.constant 0 : index
    %swap3A_138 = vector.load %arg5[%swap3A_134, %swap3A_135, %swap3A_136, %swap3A_137] : memref<1x1x2048x64xf32, #tpu.memory_space<vmem>>, vector<1x1x128x64xf32>
    %swap3A_139 = vector.shape_cast %swap3A_138 : vector<1x1x128x64xf32> to vector<128x64xf32>
    %swap3A_140 = vector.shape_cast %add3A_133 : vector<128x64xf32> to vector<1x1x128x64xf32>
    tpu.vector_store %arg5[%swap3A_134, %swap3A_135, %swap3A_136, %swap3A_137], %swap3A_140 {strides = array<i32>} : memref<1x1x2048x64xf32, #tpu.memory_space<vmem>>, vector<1x1x128x64xf32>,
    %slice3A_141 = vector.extract_strided_slice %add3A_128 {offsets = [127, 0], sizes = [1, 64], strides = [1, 1]} : vector<128x64xf32> to vector<1x64xf32>
    %get3A_142 = arith.constant 0 : index
    %get3A_143 = arith.constant 0 : index
    %get3A_144 = arith.constant 512 : index
    %get3A_145 = arith.constant 0 : index
    %get3A_146 = vector.load %arg4[%get3A_142, %get3A_143, %get3A_144, %get3A_145] : memref<1x1x2048x64xf32, #tpu.memory_space<vmem>>, vector<1x1x128x64xf32>
    %get3A_147 = vector.shape_cast %get3A_146 : vector<1x1x128x64xf32> to vector<128x64xf32>
    %dot_general3A_148 = arith.constant dense<0.000000e+00> : vector<128x64xf32>
    %dot_general3A_149 = tpu.matmul %convert_element_type3A_50, %get3A_147, %dot_general3A_148 {dimension_numbers = #tpu.dot_dimension_numbers<[1], [0], [0], [1], [0, 0, 1, 1], [], []>, transpose_lhs_hint = false} : vector<128x128xf32>, vector<128x64xf32>, vector<128x64xf32> -> vector<128x64xf32>
    %add3A_150 = vector.broadcast %slice3A_141 : vector<1x64xf32> to vector<128x64xf32>
    %add3A_151 = arith.addf %dot_general3A_149, %add3A_150 : vector<128x64xf32>
    %slice3A_152 = vector.extract_strided_slice %sub3A_46 {offsets = [512, 0], sizes = [128, 1], strides = [1, 1]} : vector<2048x1xf32> to vector<128x1xf32>
    %mul3A_153 = vector.broadcast %slice3A_152 : vector<128x1xf32> to vector<128x64xf32>
    %mul3A_154 = arith.mulf %add3A_151, %mul3A_153 : vector<128x64xf32>
    %slice3A_155 = vector.extract_strided_slice %dot_general3A_39 {offsets = [512, 0], sizes = [128, 64], strides = [1, 1]} : vector<2048x64xf32> to vector<128x64xf32>
    %add3A_156 = arith.addf %mul3A_154, %slice3A_155 : vector<128x64xf32>
    %swap3A_157 = arith.constant 0 : index
    %swap3A_158 = arith.constant 0 : index
    %swap3A_159 = arith.constant 512 : index
    %swap3A_160 = arith.constant 0 : index
    %swap3A_161 = vector.load %arg5[%swap3A_157, %swap3A_158, %swap3A_159, %swap3A_160] : memref<1x1x2048x64xf32, #tpu.memory_space<vmem>>, vector<1x1x128x64xf32>
    %swap3A_162 = vector.shape_cast %swap3A_161 : vector<1x1x128x64xf32> to vector<128x64xf32>
    %swap3A_163 = vector.shape_cast %add3A_156 : vector<128x64xf32> to vector<1x1x128x64xf32>
    tpu.vector_store %arg5[%swap3A_157, %swap3A_158, %swap3A_159, %swap3A_160], %swap3A_163 {strides = array<i32>} : memref<1x1x2048x64xf32, #tpu.memory_space<vmem>>, vector<1x1x128x64xf32>,
    %slice3A_164 = vector.extract_strided_slice %add3A_151 {offsets = [127, 0], sizes = [1, 64], strides = [1, 1]} : vector<128x64xf32> to vector<1x64xf32>
    %get3A_165 = arith.constant 0 : index
    %get3A_166 = arith.constant 0 : index
    %get3A_167 = arith.constant 640 : index
    %get3A_168 = arith.constant 0 : index
    %get3A_169 = vector.load %arg4[%get3A_165, %get3A_166, %get3A_167, %get3A_168] : memref<1x1x2048x64xf32, #tpu.memory_space<vmem>>, vector<1x1x128x64xf32>
    %get3A_170 = vector.shape_cast %get3A_169 : vector<1x1x128x64xf32> to vector<128x64xf32>
    %dot_general3A_171 = arith.constant dense<0.000000e+00> : vector<128x64xf32>
    %dot_general3A_172 = tpu.matmul %convert_element_type3A_50, %get3A_170, %dot_general3A_171 {dimension_numbers = #tpu.dot_dimension_numbers<[1], [0], [0], [1], [0, 0, 1, 1], [], []>, transpose_lhs_hint = false} : vector<128x128xf32>, vector<128x64xf32>, vector<128x64xf32> -> vector<128x64xf32>
    %add3A_173 = vector.broadcast %slice3A_164 : vector<1x64xf32> to vector<128x64xf32>
    %add3A_174 = arith.addf %dot_general3A_172, %add3A_173 : vector<128x64xf32>
    %slice3A_175 = vector.extract_strided_slice %sub3A_46 {offsets = [640, 0], sizes = [128, 1], strides = [1, 1]} : vector<2048x1xf32> to vector<128x1xf32>
    %mul3A_176 = vector.broadcast %slice3A_175 : vector<128x1xf32> to vector<128x64xf32>
    %mul3A_177 = arith.mulf %add3A_174, %mul3A_176 : vector<128x64xf32>
    %slice3A_178 = vector.extract_strided_slice %dot_general3A_39 {offsets = [640, 0], sizes = [128, 64], strides = [1, 1]} : vector<2048x64xf32> to vector<128x64xf32>
    %add3A_179 = arith.addf %mul3A_177, %slice3A_178 : vector<128x64xf32>
    %swap3A_180 = arith.constant 0 : index
    %swap3A_181 = arith.constant 0 : index
    %swap3A_182 = arith.constant 640 : index
    %swap3A_183 = arith.constant 0 : index
    %swap3A_184 = vector.load %arg5[%swap3A_180, %swap3A_181, %swap3A_182, %swap3A_183] : memref<1x1x2048x64xf32, #tpu.memory_space<vmem>>, vector<1x1x128x64xf32>
    %swap3A_185 = vector.shape_cast %swap3A_184 : vector<1x1x128x64xf32> to vector<128x64xf32>
    %swap3A_186 = vector.shape_cast %add3A_179 : vector<128x64xf32> to vector<1x1x128x64xf32>
    tpu.vector_store %arg5[%swap3A_180, %swap3A_181, %swap3A_182, %swap3A_183], %swap3A_186 {strides = array<i32>} : memref<1x1x2048x64xf32, #tpu.memory_space<vmem>>, vector<1x1x128x64xf32>,
    %slice3A_187 = vector.extract_strided_slice %add3A_174 {offsets = [127, 0], sizes = [1, 64], strides = [1, 1]} : vector<128x64xf32> to vector<1x64xf32>
    %get3A_188 = arith.constant 0 : index
    %get3A_189 = arith.constant 0 : index
    %get3A_190 = arith.constant 768 : index
    %get3A_191 = arith.constant 0 : index
    %get3A_192 = vector.load %arg4[%get3A_188, %get3A_189, %get3A_190, %get3A_191] : memref<1x1x2048x64xf32, #tpu.memory_space<vmem>>, vector<1x1x128x64xf32>
    %get3A_193 = vector.shape_cast %get3A_192 : vector<1x1x128x64xf32> to vector<128x64xf32>
    %dot_general3A_194 = arith.constant dense<0.000000e+00> : vector<128x64xf32>
    %dot_general3A_195 = tpu.matmul %convert_element_type3A_50, %get3A_193, %dot_general3A_194 {dimension_numbers = #tpu.dot_dimension_numbers<[1], [0], [0], [1], [0, 0, 1, 1], [], []>, transpose_lhs_hint = false} : vector<128x128xf32>, vector<128x64xf32>, vector<128x64xf32> -> vector<128x64xf32>
    %add3A_196 = vector.broadcast %slice3A_187 : vector<1x64xf32> to vector<128x64xf32>
    %add3A_197 = arith.addf %dot_general3A_195, %add3A_196 : vector<128x64xf32>
    %slice3A_198 = vector.extract_strided_slice %sub3A_46 {offsets = [768, 0], sizes = [128, 1], strides = [1, 1]} : vector<2048x1xf32> to vector<128x1xf32>
    %mul3A_199 = vector.broadcast %slice3A_198 : vector<128x1xf32> to vector<128x64xf32>
    %mul3A_200 = arith.mulf %add3A_197, %mul3A_199 : vector<128x64xf32>
    %slice3A_201 = vector.extract_strided_slice %dot_general3A_39 {offsets = [768, 0], sizes = [128, 64], strides = [1, 1]} : vector<2048x64xf32> to vector<128x64xf32>
    %add3A_202 = arith.addf %mul3A_200, %slice3A_201 : vector<128x64xf32>
    %swap3A_203 = arith.constant 0 : index
    %swap3A_204 = arith.constant 0 : index
    %swap3A_205 = arith.constant 768 : index
    %swap3A_206 = arith.constant 0 : index
    %swap3A_207 = vector.load %arg5[%swap3A_203, %swap3A_204, %swap3A_205, %swap3A_206] : memref<1x1x2048x64xf32, #tpu.memory_space<vmem>>, vector<1x1x128x64xf32>
    %swap3A_208 = vector.shape_cast %swap3A_207 : vector<1x1x128x64xf32> to vector<128x64xf32>
    %swap3A_209 = vector.shape_cast %add3A_202 : vector<128x64xf32> to vector<1x1x128x64xf32>
    tpu.vector_store %arg5[%swap3A_203, %swap3A_204, %swap3A_205, %swap3A_206], %swap3A_209 {strides = array<i32>} : memref<1x1x2048x64xf32, #tpu.memory_space<vmem>>, vector<1x1x128x64xf32>,
    %slice3A_210 = vector.extract_strided_slice %add3A_197 {offsets = [127, 0], sizes = [1, 64], strides = [1, 1]} : vector<128x64xf32> to vector<1x64xf32>
    %get3A_211 = arith.constant 0 : index
    %get3A_212 = arith.constant 0 : index
    %get3A_213 = arith.constant 896 : index
    %get3A_214 = arith.constant 0 : index
    %get3A_215 = vector.load %arg4[%get3A_211, %get3A_212, %get3A_213, %get3A_214] : memref<1x1x2048x64xf32, #tpu.memory_space<vmem>>, vector<1x1x128x64xf32>
    %get3A_216 = vector.shape_cast %get3A_215 : vector<1x1x128x64xf32> to vector<128x64xf32>
    %dot_general3A_217 = arith.constant dense<0.000000e+00> : vector<128x64xf32>
    %dot_general3A_218 = tpu.matmul %convert_element_type3A_50, %get3A_216, %dot_general3A_217 {dimension_numbers = #tpu.dot_dimension_numbers<[1], [0], [0], [1], [0, 0, 1, 1], [], []>, transpose_lhs_hint = false} : vector<128x128xf32>, vector<128x64xf32>, vector<128x64xf32> -> vector<128x64xf32>
    %add3A_219 = vector.broadcast %slice3A_210 : vector<1x64xf32> to vector<128x64xf32>
    %add3A_220 = arith.addf %dot_general3A_218, %add3A_219 : vector<128x64xf32>
    %slice3A_221 = vector.extract_strided_slice %sub3A_46 {offsets = [896, 0], sizes = [128, 1], strides = [1, 1]} : vector<2048x1xf32> to vector<128x1xf32>
    %mul3A_222 = vector.broadcast %slice3A_221 : vector<128x1xf32> to vector<128x64xf32>
    %mul3A_223 = arith.mulf %add3A_220, %mul3A_222 : vector<128x64xf32>
    %slice3A_224 = vector.extract_strided_slice %dot_general3A_39 {offsets = [896, 0], sizes = [128, 64], strides = [1, 1]} : vector<2048x64xf32> to vector<128x64xf32>
    %add3A_225 = arith.addf %mul3A_223, %slice3A_224 : vector<128x64xf32>
    %swap3A_226 = arith.constant 0 : index
    %swap3A_227 = arith.constant 0 : index
    %swap3A_228 = arith.constant 896 : index
    %swap3A_229 = arith.constant 0 : index
    %swap3A_230 = vector.load %arg5[%swap3A_226, %swap3A_227, %swap3A_228, %swap3A_229] : memref<1x1x2048x64xf32, #tpu.memory_space<vmem>>, vector<1x1x128x64xf32>
    %swap3A_231 = vector.shape_cast %swap3A_230 : vector<1x1x128x64xf32> to vector<128x64xf32>
    %swap3A_232 = vector.shape_cast %add3A_225 : vector<128x64xf32> to vector<1x1x128x64xf32>
    tpu.vector_store %arg5[%swap3A_226, %swap3A_227, %swap3A_228, %swap3A_229], %swap3A_232 {strides = array<i32>} : memref<1x1x2048x64xf32, #tpu.memory_space<vmem>>, vector<1x1x128x64xf32>,
    %slice3A_233 = vector.extract_strided_slice %add3A_220 {offsets = [127, 0], sizes = [1, 64], strides = [1, 1]} : vector<128x64xf32> to vector<1x64xf32>
    %get3A_234 = arith.constant 0 : index
    %get3A_235 = arith.constant 0 : index
    %get3A_236 = arith.constant 1024 : index
    %get3A_237 = arith.constant 0 : index
    %get3A_238 = vector.load %arg4[%get3A_234, %get3A_235, %get3A_236, %get3A_237] : memref<1x1x2048x64xf32, #tpu.memory_space<vmem>>, vector<1x1x128x64xf32>
    %get3A_239 = vector.shape_cast %get3A_238 : vector<1x1x128x64xf32> to vector<128x64xf32>
    %dot_general3A_240 = arith.constant dense<0.000000e+00> : vector<128x64xf32>
    %dot_general3A_241 = tpu.matmul %convert_element_type3A_50, %get3A_239, %dot_general3A_240 {dimension_numbers = #tpu.dot_dimension_numbers<[1], [0], [0], [1], [0, 0, 1, 1], [], []>, transpose_lhs_hint = false} : vector<128x128xf32>, vector<128x64xf32>, vector<128x64xf32> -> vector<128x64xf32>
    %add3A_242 = vector.broadcast %slice3A_233 : vector<1x64xf32> to vector<128x64xf32>
    %add3A_243 = arith.addf %dot_general3A_241, %add3A_242 : vector<128x64xf32>
    %slice3A_244 = vector.extract_strided_slice %sub3A_46 {offsets = [1024, 0], sizes = [128, 1], strides = [1, 1]} : vector<2048x1xf32> to vector<128x1xf32>
    %mul3A_245 = vector.broadcast %slice3A_244 : vector<128x1xf32> to vector<128x64xf32>
    %mul3A_246 = arith.mulf %add3A_243, %mul3A_245 : vector<128x64xf32>
    %slice3A_247 = vector.extract_strided_slice %dot_general3A_39 {offsets = [1024, 0], sizes = [128, 64], strides = [1, 1]} : vector<2048x64xf32> to vector<128x64xf32>
    %add3A_248 = arith.addf %mul3A_246, %slice3A_247 : vector<128x64xf32>
    %swap3A_249 = arith.constant 0 : index
    %swap3A_250 = arith.constant 0 : index
    %swap3A_251 = arith.constant 1024 : index
    %swap3A_252 = arith.constant 0 : index
    %swap3A_253 = vector.load %arg5[%swap3A_249, %swap3A_250, %swap3A_251, %swap3A_252] : memref<1x1x2048x64xf32, #tpu.memory_space<vmem>>, vector<1x1x128x64xf32>
    %swap3A_254 = vector.shape_cast %swap3A_253 : vector<1x1x128x64xf32> to vector<128x64xf32>
    %swap3A_255 = vector.shape_cast %add3A_248 : vector<128x64xf32> to vector<1x1x128x64xf32>
    tpu.vector_store %arg5[%swap3A_249, %swap3A_250, %swap3A_251, %swap3A_252], %swap3A_255 {strides = array<i32>} : memref<1x1x2048x64xf32, #tpu.memory_space<vmem>>, vector<1x1x128x64xf32>,
    %slice3A_256 = vector.extract_strided_slice %add3A_243 {offsets = [127, 0], sizes = [1, 64], strides = [1, 1]} : vector<128x64xf32> to vector<1x64xf32>
    %get3A_257 = arith.constant 0 : index
    %get3A_258 = arith.constant 0 : index
    %get3A_259 = arith.constant 1152 : index
    %get3A_260 = arith.constant 0 : index
    %get3A_261 = vector.load %arg4[%get3A_257, %get3A_258, %get3A_259, %get3A_260] : memref<1x1x2048x64xf32, #tpu.memory_space<vmem>>, vector<1x1x128x64xf32>
    %get3A_262 = vector.shape_cast %get3A_261 : vector<1x1x128x64xf32> to vector<128x64xf32>
    %dot_general3A_263 = arith.constant dense<0.000000e+00> : vector<128x64xf32>
    %dot_general3A_264 = tpu.matmul %convert_element_type3A_50, %get3A_262, %dot_general3A_263 {dimension_numbers = #tpu.dot_dimension_numbers<[1], [0], [0], [1], [0, 0, 1, 1], [], []>, transpose_lhs_hint = false} : vector<128x128xf32>, vector<128x64xf32>, vector<128x64xf32> -> vector<128x64xf32>
    %add3A_265 = vector.broadcast %slice3A_256 : vector<1x64xf32> to vector<128x64xf32>
    %add3A_266 = arith.addf %dot_general3A_264, %add3A_265 : vector<128x64xf32>
    %slice3A_267 = vector.extract_strided_slice %sub3A_46 {offsets = [1152, 0], sizes = [128, 1], strides = [1, 1]} : vector<2048x1xf32> to vector<128x1xf32>
    %mul3A_268 = vector.broadcast %slice3A_267 : vector<128x1xf32> to vector<128x64xf32>
    %mul3A_269 = arith.mulf %add3A_266, %mul3A_268 : vector<128x64xf32>
    %slice3A_270 = vector.extract_strided_slice %dot_general3A_39 {offsets = [1152, 0], sizes = [128, 64], strides = [1, 1]} : vector<2048x64xf32> to vector<128x64xf32>
    %add3A_271 = arith.addf %mul3A_269, %slice3A_270 : vector<128x64xf32>
    %swap3A_272 = arith.constant 0 : index
    %swap3A_273 = arith.constant 0 : index
    %swap3A_274 = arith.constant 1152 : index
    %swap3A_275 = arith.constant 0 : index
    %swap3A_276 = vector.load %arg5[%swap3A_272, %swap3A_273, %swap3A_274, %swap3A_275] : memref<1x1x2048x64xf32, #tpu.memory_space<vmem>>, vector<1x1x128x64xf32>
    %swap3A_277 = vector.shape_cast %swap3A_276 : vector<1x1x128x64xf32> to vector<128x64xf32>
    %swap3A_278 = vector.shape_cast %add3A_271 : vector<128x64xf32> to vector<1x1x128x64xf32>
    tpu.vector_store %arg5[%swap3A_272, %swap3A_273, %swap3A_274, %swap3A_275], %swap3A_278 {strides = array<i32>} : memref<1x1x2048x64xf32, #tpu.memory_space<vmem>>, vector<1x1x128x64xf32>,
    %slice3A_279 = vector.extract_strided_slice %add3A_266 {offsets = [127, 0], sizes = [1, 64], strides = [1, 1]} : vector<128x64xf32> to vector<1x64xf32>
    %get3A_280 = arith.constant 0 : index
    %get3A_281 = arith.constant 0 : index
    %get3A_282 = arith.constant 1280 : index
    %get3A_283 = arith.constant 0 : index
    %get3A_284 = vector.load %arg4[%get3A_280, %get3A_281, %get3A_282, %get3A_283] : memref<1x1x2048x64xf32, #tpu.memory_space<vmem>>, vector<1x1x128x64xf32>
    %get3A_285 = vector.shape_cast %get3A_284 : vector<1x1x128x64xf32> to vector<128x64xf32>
    %dot_general3A_286 = arith.constant dense<0.000000e+00> : vector<128x64xf32>
    %dot_general3A_287 = tpu.matmul %convert_element_type3A_50, %get3A_285, %dot_general3A_286 {dimension_numbers = #tpu.dot_dimension_numbers<[1], [0], [0], [1], [0, 0, 1, 1], [], []>, transpose_lhs_hint = false} : vector<128x128xf32>, vector<128x64xf32>, vector<128x64xf32> -> vector<128x64xf32>
    %add3A_288 = vector.broadcast %slice3A_279 : vector<1x64xf32> to vector<128x64xf32>
    %add3A_289 = arith.addf %dot_general3A_287, %add3A_288 : vector<128x64xf32>
    %slice3A_290 = vector.extract_strided_slice %sub3A_46 {offsets = [1280, 0], sizes = [128, 1], strides = [1, 1]} : vector<2048x1xf32> to vector<128x1xf32>
    %mul3A_291 = vector.broadcast %slice3A_290 : vector<128x1xf32> to vector<128x64xf32>
    %mul3A_292 = arith.mulf %add3A_289, %mul3A_291 : vector<128x64xf32>
    %slice3A_293 = vector.extract_strided_slice %dot_general3A_39 {offsets = [1280, 0], sizes = [128, 64], strides = [1, 1]} : vector<2048x64xf32> to vector<128x64xf32>
    %add3A_294 = arith.addf %mul3A_292, %slice3A_293 : vector<128x64xf32>
    %swap3A_295 = arith.constant 0 : index
    %swap3A_296 = arith.constant 0 : index
    %swap3A_297 = arith.constant 1280 : index
    %swap3A_298 = arith.constant 0 : index
    %swap3A_299 = vector.load %arg5[%swap3A_295, %swap3A_296, %swap3A_297, %swap3A_298] : memref<1x1x2048x64xf32, #tpu.memory_space<vmem>>, vector<1x1x128x64xf32>
    %swap3A_300 = vector.shape_cast %swap3A_299 : vector<1x1x128x64xf32> to vector<128x64xf32>
    %swap3A_301 = vector.shape_cast %add3A_294 : vector<128x64xf32> to vector<1x1x128x64xf32>
    tpu.vector_store %arg5[%swap3A_295, %swap3A_296, %swap3A_297, %swap3A_298], %swap3A_301 {strides = array<i32>} : memref<1x1x2048x64xf32, #tpu.memory_space<vmem>>, vector<1x1x128x64xf32>,
    %slice3A_302 = vector.extract_strided_slice %add3A_289 {offsets = [127, 0], sizes = [1, 64], strides = [1, 1]} : vector<128x64xf32> to vector<1x64xf32>
    %get3A_303 = arith.constant 0 : index
    %get3A_304 = arith.constant 0 : index
    %get3A_305 = arith.constant 1408 : index
    %get3A_306 = arith.constant 0 : index
    %get3A_307 = vector.load %arg4[%get3A_303, %get3A_304, %get3A_305, %get3A_306] : memref<1x1x2048x64xf32, #tpu.memory_space<vmem>>, vector<1x1x128x64xf32>
    %get3A_308 = vector.shape_cast %get3A_307 : vector<1x1x128x64xf32> to vector<128x64xf32>
    %dot_general3A_309 = arith.constant dense<0.000000e+00> : vector<128x64xf32>
    %dot_general3A_310 = tpu.matmul %convert_element_type3A_50, %get3A_308, %dot_general3A_309 {dimension_numbers = #tpu.dot_dimension_numbers<[1], [0], [0], [1], [0, 0, 1, 1], [], []>, transpose_lhs_hint = false} : vector<128x128xf32>, vector<128x64xf32>, vector<128x64xf32> -> vector<128x64xf32>
    %add3A_311 = vector.broadcast %slice3A_302 : vector<1x64xf32> to vector<128x64xf32>
    %add3A_312 = arith.addf %dot_general3A_310, %add3A_311 : vector<128x64xf32>
    %slice3A_313 = vector.extract_strided_slice %sub3A_46 {offsets = [1408, 0], sizes = [128, 1], strides = [1, 1]} : vector<2048x1xf32> to vector<128x1xf32>
    %mul3A_314 = vector.broadcast %slice3A_313 : vector<128x1xf32> to vector<128x64xf32>
    %mul3A_315 = arith.mulf %add3A_312, %mul3A_314 : vector<128x64xf32>
    %slice3A_316 = vector.extract_strided_slice %dot_general3A_39 {offsets = [1408, 0], sizes = [128, 64], strides = [1, 1]} : vector<2048x64xf32> to vector<128x64xf32>
    %add3A_317 = arith.addf %mul3A_315, %slice3A_316 : vector<128x64xf32>
    %swap3A_318 = arith.constant 0 : index
    %swap3A_319 = arith.constant 0 : index
    %swap3A_320 = arith.constant 1408 : index
    %swap3A_321 = arith.constant 0 : index
    %swap3A_322 = vector.load %arg5[%swap3A_318, %swap3A_319, %swap3A_320, %swap3A_321] : memref<1x1x2048x64xf32, #tpu.memory_space<vmem>>, vector<1x1x128x64xf32>
    %swap3A_323 = vector.shape_cast %swap3A_322 : vector<1x1x128x64xf32> to vector<128x64xf32>
    %swap3A_324 = vector.shape_cast %add3A_317 : vector<128x64xf32> to vector<1x1x128x64xf32>
    tpu.vector_store %arg5[%swap3A_318, %swap3A_319, %swap3A_320, %swap3A_321], %swap3A_324 {strides = array<i32>} : memref<1x1x2048x64xf32, #tpu.memory_space<vmem>>, vector<1x1x128x64xf32>,
    %slice3A_325 = vector.extract_strided_slice %add3A_312 {offsets = [127, 0], sizes = [1, 64], strides = [1, 1]} : vector<128x64xf32> to vector<1x64xf32>
    %get3A_326 = arith.constant 0 : index
    %get3A_327 = arith.constant 0 : index
    %get3A_328 = arith.constant 1536 : index
    %get3A_329 = arith.constant 0 : index
    %get3A_330 = vector.load %arg4[%get3A_326, %get3A_327, %get3A_328, %get3A_329] : memref<1x1x2048x64xf32, #tpu.memory_space<vmem>>, vector<1x1x128x64xf32>
    %get3A_331 = vector.shape_cast %get3A_330 : vector<1x1x128x64xf32> to vector<128x64xf32>
    %dot_general3A_332 = arith.constant dense<0.000000e+00> : vector<128x64xf32>
    %dot_general3A_333 = tpu.matmul %convert_element_type3A_50, %get3A_331, %dot_general3A_332 {dimension_numbers = #tpu.dot_dimension_numbers<[1], [0], [0], [1], [0, 0, 1, 1], [], []>, transpose_lhs_hint = false} : vector<128x128xf32>, vector<128x64xf32>, vector<128x64xf32> -> vector<128x64xf32>
    %add3A_334 = vector.broadcast %slice3A_325 : vector<1x64xf32> to vector<128x64xf32>
    %add3A_335 = arith.addf %dot_general3A_333, %add3A_334 : vector<128x64xf32>
    %slice3A_336 = vector.extract_strided_slice %sub3A_46 {offsets = [1536, 0], sizes = [128, 1], strides = [1, 1]} : vector<2048x1xf32> to vector<128x1xf32>
    %mul3A_337 = vector.broadcast %slice3A_336 : vector<128x1xf32> to vector<128x64xf32>
    %mul3A_338 = arith.mulf %add3A_335, %mul3A_337 : vector<128x64xf32>
    %slice3A_339 = vector.extract_strided_slice %dot_general3A_39 {offsets = [1536, 0], sizes = [128, 64], strides = [1, 1]} : vector<2048x64xf32> to vector<128x64xf32>
    %add3A_340 = arith.addf %mul3A_338, %slice3A_339 : vector<128x64xf32>
    %swap3A_341 = arith.constant 0 : index
    %swap3A_342 = arith.constant 0 : index
    %swap3A_343 = arith.constant 1536 : index
    %swap3A_344 = arith.constant 0 : index
    %swap3A_345 = vector.load %arg5[%swap3A_341, %swap3A_342, %swap3A_343, %swap3A_344] : memref<1x1x2048x64xf32, #tpu.memory_space<vmem>>, vector<1x1x128x64xf32>
    %swap3A_346 = vector.shape_cast %swap3A_345 : vector<1x1x128x64xf32> to vector<128x64xf32>
    %swap3A_347 = vector.shape_cast %add3A_340 : vector<128x64xf32> to vector<1x1x128x64xf32>
    tpu.vector_store %arg5[%swap3A_341, %swap3A_342, %swap3A_343, %swap3A_344], %swap3A_347 {strides = array<i32>} : memref<1x1x2048x64xf32, #tpu.memory_space<vmem>>, vector<1x1x128x64xf32>,
    %slice3A_348 = vector.extract_strided_slice %add3A_335 {offsets = [127, 0], sizes = [1, 64], strides = [1, 1]} : vector<128x64xf32> to vector<1x64xf32>
    %get3A_349 = arith.constant 0 : index
    %get3A_350 = arith.constant 0 : index
    %get3A_351 = arith.constant 1664 : index
    %get3A_352 = arith.constant 0 : index
    %get3A_353 = vector.load %arg4[%get3A_349, %get3A_350, %get3A_351, %get3A_352] : memref<1x1x2048x64xf32, #tpu.memory_space<vmem>>, vector<1x1x128x64xf32>
    %get3A_354 = vector.shape_cast %get3A_353 : vector<1x1x128x64xf32> to vector<128x64xf32>
    %dot_general3A_355 = arith.constant dense<0.000000e+00> : vector<128x64xf32>
    %dot_general3A_356 = tpu.matmul %convert_element_type3A_50, %get3A_354, %dot_general3A_355 {dimension_numbers = #tpu.dot_dimension_numbers<[1], [0], [0], [1], [0, 0, 1, 1], [], []>, transpose_lhs_hint = false} : vector<128x128xf32>, vector<128x64xf32>, vector<128x64xf32> -> vector<128x64xf32>
    %add3A_357 = vector.broadcast %slice3A_348 : vector<1x64xf32> to vector<128x64xf32>
    %add3A_358 = arith.addf %dot_general3A_356, %add3A_357 : vector<128x64xf32>
    %slice3A_359 = vector.extract_strided_slice %sub3A_46 {offsets = [1664, 0], sizes = [128, 1], strides = [1, 1]} : vector<2048x1xf32> to vector<128x1xf32>
    %mul3A_360 = vector.broadcast %slice3A_359 : vector<128x1xf32> to vector<128x64xf32>
    %mul3A_361 = arith.mulf %add3A_358, %mul3A_360 : vector<128x64xf32>
    %slice3A_362 = vector.extract_strided_slice %dot_general3A_39 {offsets = [1664, 0], sizes = [128, 64], strides = [1, 1]} : vector<2048x64xf32> to vector<128x64xf32>
    %add3A_363 = arith.addf %mul3A_361, %slice3A_362 : vector<128x64xf32>
    %swap3A_364 = arith.constant 0 : index
    %swap3A_365 = arith.constant 0 : index
    %swap3A_366 = arith.constant 1664 : index
    %swap3A_367 = arith.constant 0 : index
    %swap3A_368 = vector.load %arg5[%swap3A_364, %swap3A_365, %swap3A_366, %swap3A_367] : memref<1x1x2048x64xf32, #tpu.memory_space<vmem>>, vector<1x1x128x64xf32>
    %swap3A_369 = vector.shape_cast %swap3A_368 : vector<1x1x128x64xf32> to vector<128x64xf32>
    %swap3A_370 = vector.shape_cast %add3A_363 : vector<128x64xf32> to vector<1x1x128x64xf32>
    tpu.vector_store %arg5[%swap3A_364, %swap3A_365, %swap3A_366, %swap3A_367], %swap3A_370 {strides = array<i32>} : memref<1x1x2048x64xf32, #tpu.memory_space<vmem>>, vector<1x1x128x64xf32>,
    %slice3A_371 = vector.extract_strided_slice %add3A_358 {offsets = [127, 0], sizes = [1, 64], strides = [1, 1]} : vector<128x64xf32> to vector<1x64xf32>
    %get3A_372 = arith.constant 0 : index
    %get3A_373 = arith.constant 0 : index
    %get3A_374 = arith.constant 1792 : index
    %get3A_375 = arith.constant 0 : index
    %get3A_376 = vector.load %arg4[%get3A_372, %get3A_373, %get3A_374, %get3A_375] : memref<1x1x2048x64xf32, #tpu.memory_space<vmem>>, vector<1x1x128x64xf32>
    %get3A_377 = vector.shape_cast %get3A_376 : vector<1x1x128x64xf32> to vector<128x64xf32>
    %dot_general3A_378 = arith.constant dense<0.000000e+00> : vector<128x64xf32>
    %dot_general3A_379 = tpu.matmul %convert_element_type3A_50, %get3A_377, %dot_general3A_378 {dimension_numbers = #tpu.dot_dimension_numbers<[1], [0], [0], [1], [0, 0, 1, 1], [], []>, transpose_lhs_hint = false} : vector<128x128xf32>, vector<128x64xf32>, vector<128x64xf32> -> vector<128x64xf32>
    %add3A_380 = vector.broadcast %slice3A_371 : vector<1x64xf32> to vector<128x64xf32>
    %add3A_381 = arith.addf %dot_general3A_379, %add3A_380 : vector<128x64xf32>
    %slice3A_382 = vector.extract_strided_slice %sub3A_46 {offsets = [1792, 0], sizes = [128, 1], strides = [1, 1]} : vector<2048x1xf32> to vector<128x1xf32>
    %mul3A_383 = vector.broadcast %slice3A_382 : vector<128x1xf32> to vector<128x64xf32>
    %mul3A_384 = arith.mulf %add3A_381, %mul3A_383 : vector<128x64xf32>
    %slice3A_385 = vector.extract_strided_slice %dot_general3A_39 {offsets = [1792, 0], sizes = [128, 64], strides = [1, 1]} : vector<2048x64xf32> to vector<128x64xf32>
    %add3A_386 = arith.addf %mul3A_384, %slice3A_385 : vector<128x64xf32>
    %swap3A_387 = arith.constant 0 : index
    %swap3A_388 = arith.constant 0 : index
    %swap3A_389 = arith.constant 1792 : index
    %swap3A_390 = arith.constant 0 : index
    %swap3A_391 = vector.load %arg5[%swap3A_387, %swap3A_388, %swap3A_389, %swap3A_390] : memref<1x1x2048x64xf32, #tpu.memory_space<vmem>>, vector<1x1x128x64xf32>
    %swap3A_392 = vector.shape_cast %swap3A_391 : vector<1x1x128x64xf32> to vector<128x64xf32>
    %swap3A_393 = vector.shape_cast %add3A_386 : vector<128x64xf32> to vector<1x1x128x64xf32>
    tpu.vector_store %arg5[%swap3A_387, %swap3A_388, %swap3A_389, %swap3A_390], %swap3A_393 {strides = array<i32>} : memref<1x1x2048x64xf32, #tpu.memory_space<vmem>>, vector<1x1x128x64xf32>,
    %slice3A_394 = vector.extract_strided_slice %add3A_381 {offsets = [127, 0], sizes = [1, 64], strides = [1, 1]} : vector<128x64xf32> to vector<1x64xf32>
    %get3A_395 = arith.constant 0 : index
    %get3A_396 = arith.constant 0 : index
    %get3A_397 = arith.constant 1920 : index
    %get3A_398 = arith.constant 0 : index
    %get3A_399 = vector.load %arg4[%get3A_395, %get3A_396, %get3A_397, %get3A_398] : memref<1x1x2048x64xf32, #tpu.memory_space<vmem>>, vector<1x1x128x64xf32>
    %get3A_400 = vector.shape_cast %get3A_399 : vector<1x1x128x64xf32> to vector<128x64xf32>
    %dot_general3A_401 = arith.constant dense<0.000000e+00> : vector<128x64xf32>
    %dot_general3A_402 = tpu.matmul %convert_element_type3A_50, %get3A_400, %dot_general3A_401 {dimension_numbers = #tpu.dot_dimension_numbers<[1], [0], [0], [1], [0, 0, 1, 1], [], []>, transpose_lhs_hint = false} : vector<128x128xf32>, vector<128x64xf32>, vector<128x64xf32> -> vector<128x64xf32>
    %add3A_403 = vector.broadcast %slice3A_394 : vector<1x64xf32> to vector<128x64xf32>
    %add3A_404 = arith.addf %dot_general3A_402, %add3A_403 : vector<128x64xf32>
    %slice3A_405 = vector.extract_strided_slice %sub3A_46 {offsets = [1920, 0], sizes = [128, 1], strides = [1, 1]} : vector<2048x1xf32> to vector<128x1xf32>
    %mul3A_406 = vector.broadcast %slice3A_405 : vector<128x1xf32> to vector<128x64xf32>
    %mul3A_407 = arith.mulf %add3A_404, %mul3A_406 : vector<128x64xf32>
    %slice3A_408 = vector.extract_strided_slice %dot_general3A_39 {offsets = [1920, 0], sizes = [128, 64], strides = [1, 1]} : vector<2048x64xf32> to vector<128x64xf32>
    %add3A_409 = arith.addf %mul3A_407, %slice3A_408 : vector<128x64xf32>
    %swap3A_410 = arith.constant 0 : index
    %swap3A_411 = arith.constant 0 : index
    %swap3A_412 = arith.constant 1920 : index
    %swap3A_413 = arith.constant 0 : index
    %swap3A_414 = vector.load %arg5[%swap3A_410, %swap3A_411, %swap3A_412, %swap3A_413] : memref<1x1x2048x64xf32, #tpu.memory_space<vmem>>, vector<1x1x128x64xf32>
    %swap3A_415 = vector.shape_cast %swap3A_414 : vector<1x1x128x64xf32> to vector<128x64xf32>
    %swap3A_416 = vector.shape_cast %add3A_409 : vector<128x64xf32> to vector<1x1x128x64xf32>
    tpu.vector_store %arg5[%swap3A_410, %swap3A_411, %swap3A_412, %swap3A_413], %swap3A_416 {strides = array<i32>} : memref<1x1x2048x64xf32, #tpu.memory_space<vmem>>, vector<1x1x128x64xf32>,
    return
  }
  func.func @transform_0(%arg0: i32) -> (i32, i32, i32) {
    %c0_i32 = arith.constant 0 : i32
    %c0_i32_0 = arith.constant 0 : i32
    %c0_i32_1 = arith.constant 0 : i32
    return %arg0, %c0_i32, %c0_i32_0 : i32, i32, i32
  }
  func.func @transform_1(%arg0: i32) -> (i32, i32, i32, i32) {
    %jit3A = arith.constant 12 : i32
    %div3A = arith.divsi %arg0, %jit3A : i32
    %sign3A = arith.constant 0 : i32
    %sign3A_0 = arith.cmpi sgt, %arg0, %sign3A : i32
    %sign3A_1 = arith.extui %sign3A_0 : i1 to i32
    %sign3A_2 = arith.constant 0 : i32
    %sign3A_3 = arith.cmpi slt, %arg0, %sign3A_2 : i32
    %sign3A_4 = arith.extui %sign3A_3 : i1 to i32
    %sign3A_5 = arith.subi %sign3A_1, %sign3A_4 : i32
    %sign3A_6 = arith.constant 0 : i32
    %sign3A_7 = arith.cmpi sgt, %jit3A, %sign3A_6 : i32
    %sign3A_8 = arith.extui %sign3A_7 : i1 to i32
    %sign3A_9 = arith.constant 0 : i32
    %sign3A_10 = arith.cmpi slt, %jit3A, %sign3A_9 : i32
    %sign3A_11 = arith.extui %sign3A_10 : i1 to i32
    %sign3A_12 = arith.subi %sign3A_8, %sign3A_11 : i32
    %ne3A = arith.cmpi ne, %sign3A_5, %sign3A_12 : i32
    %rem3A = arith.remsi %arg0, %jit3A : i32
    %ne3A_13 = arith.constant 0 : i32
    %ne3A_14 = arith.cmpi ne, %rem3A, %ne3A_13 : i32
    %and3A = arith.andi %ne3A, %ne3A_14 : i1
    %sub3A = arith.constant 1 : i32
    %sub3A_15 = arith.subi %div3A, %sub3A : i32
    %select_n3A = arith.select %and3A, %sub3A_15, %div3A : i32
    %jit3A_16 = arith.constant 12 : i32
    %eq3A = arith.constant 0 : i32
    %eq3A_17 = arith.cmpi eq, %jit3A_16, %eq3A : i32
    %jit3A_18 = arith.constant 1 : i32
    %select_n3A_19 = arith.select %eq3A_17, %jit3A_18, %jit3A_16 : i32
    %rem3A_20 = arith.remsi %arg0, %select_n3A_19 : i32
    %ne3A_21 = arith.constant 0 : i32
    %ne3A_22 = arith.cmpi ne, %rem3A_20, %ne3A_21 : i32
    %lt3A = arith.constant 0 : i32
    %lt3A_23 = arith.cmpi slt, %rem3A_20, %lt3A : i32
    %lt3A_24 = arith.constant 0 : i32
    %lt3A_25 = arith.cmpi slt, %select_n3A_19, %lt3A_24 : i32
    %ne3A_26 = arith.xori %lt3A_23, %lt3A_25 : i1
    %and3A_27 = arith.andi %ne3A_26, %ne3A_22 : i1
    %add3A = arith.addi %rem3A_20, %select_n3A_19 : i32
    %select_n3A_28 = arith.select %and3A_27, %add3A, %rem3A_20 : i32
    %c0_i32 = arith.constant 0 : i32
    %c0_i32_29 = arith.constant 0 : i32
    %c0_i32_30 = arith.constant 0 : i32
    return %select_n3A, %select_n3A_28, %c0_i32, %c0_i32_29 : i32, i32, i32, i32
  }
  func.func @transform_2(%arg0: i32) -> (i32, i32, i32, i32) {
    %jit3A = arith.constant 12 : i32
    %div3A = arith.divsi %arg0, %jit3A : i32
    %sign3A = arith.constant 0 : i32
    %sign3A_0 = arith.cmpi sgt, %arg0, %sign3A : i32
    %sign3A_1 = arith.extui %sign3A_0 : i1 to i32
    %sign3A_2 = arith.constant 0 : i32
    %sign3A_3 = arith.cmpi slt, %arg0, %sign3A_2 : i32
    %sign3A_4 = arith.extui %sign3A_3 : i1 to i32
    %sign3A_5 = arith.subi %sign3A_1, %sign3A_4 : i32
    %sign3A_6 = arith.constant 0 : i32
    %sign3A_7 = arith.cmpi sgt, %jit3A, %sign3A_6 : i32
    %sign3A_8 = arith.extui %sign3A_7 : i1 to i32
    %sign3A_9 = arith.constant 0 : i32
    %sign3A_10 = arith.cmpi slt, %jit3A, %sign3A_9 : i32
    %sign3A_11 = arith.extui %sign3A_10 : i1 to i32
    %sign3A_12 = arith.subi %sign3A_8, %sign3A_11 : i32
    %ne3A = arith.cmpi ne, %sign3A_5, %sign3A_12 : i32
    %rem3A = arith.remsi %arg0, %jit3A : i32
    %ne3A_13 = arith.constant 0 : i32
    %ne3A_14 = arith.cmpi ne, %rem3A, %ne3A_13 : i32
    %and3A = arith.andi %ne3A, %ne3A_14 : i1
    %sub3A = arith.constant 1 : i32
    %sub3A_15 = arith.subi %div3A, %sub3A : i32
    %select_n3A = arith.select %and3A, %sub3A_15, %div3A : i32
    %jit3A_16 = arith.constant 12 : i32
    %eq3A = arith.constant 0 : i32
    %eq3A_17 = arith.cmpi eq, %jit3A_16, %eq3A : i32
    %jit3A_18 = arith.constant 1 : i32
    %select_n3A_19 = arith.select %eq3A_17, %jit3A_18, %jit3A_16 : i32
    %rem3A_20 = arith.remsi %arg0, %select_n3A_19 : i32
    %ne3A_21 = arith.constant 0 : i32
    %ne3A_22 = arith.cmpi ne, %rem3A_20, %ne3A_21 : i32
    %lt3A = arith.constant 0 : i32
    %lt3A_23 = arith.cmpi slt, %rem3A_20, %lt3A : i32
    %lt3A_24 = arith.constant 0 : i32
    %lt3A_25 = arith.cmpi slt, %select_n3A_19, %lt3A_24 : i32
    %ne3A_26 = arith.xori %lt3A_23, %lt3A_25 : i1
    %and3A_27 = arith.andi %ne3A_26, %ne3A_22 : i1
    %add3A = arith.addi %rem3A_20, %select_n3A_19 : i32
    %select_n3A_28 = arith.select %and3A_27, %add3A, %rem3A_20 : i32
    %c0_i32 = arith.constant 0 : i32
    %c0_i32_29 = arith.constant 0 : i32
    %c0_i32_30 = arith.constant 0 : i32
    return %select_n3A, %select_n3A_28, %c0_i32, %c0_i32_29 : i32, i32, i32, i32
  }
  func.func @transform_3(%arg0: i32) -> (i32, i32, i32, i32) {
    %jit3A = arith.constant 12 : i32
    %div3A = arith.divsi %arg0, %jit3A : i32
    %sign3A = arith.constant 0 : i32
    %sign3A_0 = arith.cmpi sgt, %arg0, %sign3A : i32
    %sign3A_1 = arith.extui %sign3A_0 : i1 to i32
    %sign3A_2 = arith.constant 0 : i32
    %sign3A_3 = arith.cmpi slt, %arg0, %sign3A_2 : i32
    %sign3A_4 = arith.extui %sign3A_3 : i1 to i32
    %sign3A_5 = arith.subi %sign3A_1, %sign3A_4 : i32
    %sign3A_6 = arith.constant 0 : i32
    %sign3A_7 = arith.cmpi sgt, %jit3A, %sign3A_6 : i32
    %sign3A_8 = arith.extui %sign3A_7 : i1 to i32
    %sign3A_9 = arith.constant 0 : i32
    %sign3A_10 = arith.cmpi slt, %jit3A, %sign3A_9 : i32
    %sign3A_11 = arith.extui %sign3A_10 : i1 to i32
    %sign3A_12 = arith.subi %sign3A_8, %sign3A_11 : i32
    %ne3A = arith.cmpi ne, %sign3A_5, %sign3A_12 : i32
    %rem3A = arith.remsi %arg0, %jit3A : i32
    %ne3A_13 = arith.constant 0 : i32
    %ne3A_14 = arith.cmpi ne, %rem3A, %ne3A_13 : i32
    %and3A = arith.andi %ne3A, %ne3A_14 : i1
    %sub3A = arith.constant 1 : i32
    %sub3A_15 = arith.subi %div3A, %sub3A : i32
    %select_n3A = arith.select %and3A, %sub3A_15, %div3A : i32
    %jit3A_16 = arith.constant 12 : i32
    %eq3A = arith.constant 0 : i32
    %eq3A_17 = arith.cmpi eq, %jit3A_16, %eq3A : i32
    %jit3A_18 = arith.constant 1 : i32
    %select_n3A_19 = arith.select %eq3A_17, %jit3A_18, %jit3A_16 : i32
    %rem3A_20 = arith.remsi %arg0, %select_n3A_19 : i32
    %ne3A_21 = arith.constant 0 : i32
    %ne3A_22 = arith.cmpi ne, %rem3A_20, %ne3A_21 : i32
    %lt3A = arith.constant 0 : i32
    %lt3A_23 = arith.cmpi slt, %rem3A_20, %lt3A : i32
    %lt3A_24 = arith.constant 0 : i32
    %lt3A_25 = arith.cmpi slt, %select_n3A_19, %lt3A_24 : i32
    %ne3A_26 = arith.xori %lt3A_23, %lt3A_25 : i1
    %and3A_27 = arith.andi %ne3A_26, %ne3A_22 : i1
    %add3A = arith.addi %rem3A_20, %select_n3A_19 : i32
    %select_n3A_28 = arith.select %and3A_27, %add3A, %rem3A_20 : i32
    %c0_i32 = arith.constant 0 : i32
    %c0_i32_29 = arith.constant 0 : i32
    %c0_i32_30 = arith.constant 0 : i32
    return %select_n3A, %select_n3A_28, %c0_i32, %c0_i32_29 : i32, i32, i32, i32
  }
  func.func @transform_4(%arg0: i32) -> (i32, i32, i32, i32) {
    %jit3A = arith.constant 12 : i32
    %div3A = arith.divsi %arg0, %jit3A : i32
    %sign3A = arith.constant 0 : i32
    %sign3A_0 = arith.cmpi sgt, %arg0, %sign3A : i32
    %sign3A_1 = arith.extui %sign3A_0 : i1 to i32
    %sign3A_2 = arith.constant 0 : i32
    %sign3A_3 = arith.cmpi slt, %arg0, %sign3A_2 : i32
    %sign3A_4 = arith.extui %sign3A_3 : i1 to i32
    %sign3A_5 = arith.subi %sign3A_1, %sign3A_4 : i32
    %sign3A_6 = arith.constant 0 : i32
    %sign3A_7 = arith.cmpi sgt, %jit3A, %sign3A_6 : i32
    %sign3A_8 = arith.extui %sign3A_7 : i1 to i32
    %sign3A_9 = arith.constant 0 : i32
    %sign3A_10 = arith.cmpi slt, %jit3A, %sign3A_9 : i32
    %sign3A_11 = arith.extui %sign3A_10 : i1 to i32
    %sign3A_12 = arith.subi %sign3A_8, %sign3A_11 : i32
    %ne3A = arith.cmpi ne, %sign3A_5, %sign3A_12 : i32
    %rem3A = arith.remsi %arg0, %jit3A : i32
    %ne3A_13 = arith.constant 0 : i32
    %ne3A_14 = arith.cmpi ne, %rem3A, %ne3A_13 : i32
    %and3A = arith.andi %ne3A, %ne3A_14 : i1
    %sub3A = arith.constant 1 : i32
    %sub3A_15 = arith.subi %div3A, %sub3A : i32
    %select_n3A = arith.select %and3A, %sub3A_15, %div3A : i32
    %jit3A_16 = arith.constant 12 : i32
    %eq3A = arith.constant 0 : i32
    %eq3A_17 = arith.cmpi eq, %jit3A_16, %eq3A : i32
    %jit3A_18 = arith.constant 1 : i32
    %select_n3A_19 = arith.select %eq3A_17, %jit3A_18, %jit3A_16 : i32
    %rem3A_20 = arith.remsi %arg0, %select_n3A_19 : i32
    %ne3A_21 = arith.constant 0 : i32
    %ne3A_22 = arith.cmpi ne, %rem3A_20, %ne3A_21 : i32
    %lt3A = arith.constant 0 : i32
    %lt3A_23 = arith.cmpi slt, %rem3A_20, %lt3A : i32
    %lt3A_24 = arith.constant 0 : i32
    %lt3A_25 = arith.cmpi slt, %select_n3A_19, %lt3A_24 : i32
    %ne3A_26 = arith.xori %lt3A_23, %lt3A_25 : i1
    %and3A_27 = arith.andi %ne3A_26, %ne3A_22 : i1
    %add3A = arith.addi %rem3A_20, %select_n3A_19 : i32
    %select_n3A_28 = arith.select %and3A_27, %add3A, %rem3A_20 : i32
    %c0_i32 = arith.constant 0 : i32
    %c0_i32_29 = arith.constant 0 : i32
    %c0_i32_30 = arith.constant 0 : i32
    return %select_n3A, %select_n3A_28, %c0_i32, %c0_i32_29 : i32, i32, i32, i32
  }
}

module attributes {stable_mosaic.version = 14 : i64} {
  func.func @_heads_kernel(%arg0: i32, %arg1: i32, %arg2: memref<1x512x768xf32, #tpu.memory_space<vmem>>, %arg3: memref<768x768xf32, #tpu.memory_space<vmem>>, %arg4: memref<1x768xf32, #tpu.memory_space<vmem>>, %arg5: memref<1x512x768xf32, #tpu.memory_space<vmem>>) attributes {dimension_semantics = [#tpu.dimension_semantics<parallel>, #tpu.dimension_semantics<parallel>], iteration_bounds = array<i64: 2, 4>, scalar_prefetch = 0 : i64, scratch_operands = 0 : i64, tpu.core_type = #tpu.core_type<tc>, window_params = [{transform_indices = @transform_0, window_bounds = array<i64: 1, 512, 768>}, {pipeline_mode = #tpu.pipeline_mode<synchronous>, transform_indices = @transform_1, window_bounds = array<i64: 768, 768>}, {pipeline_mode = #tpu.pipeline_mode<synchronous>, transform_indices = @transform_2, window_bounds = array<i64: 1, 768>}, {transform_indices = @transform_3, window_bounds = array<i64: 1, 512, 768>}]} {
    %get3A = arith.constant 0 : index
    %get3A_0 = arith.constant 0 : index
    %get3A_1 = arith.constant 0 : index
    %get3A_2 = vector.load %arg2[%get3A, %get3A_0, %get3A_1] : memref<1x512x768xf32, #tpu.memory_space<vmem>>, vector<1x512x768xf32>
    %get3A_3 = vector.shape_cast %get3A_2 : vector<1x512x768xf32> to vector<512x768xf32>
    %get3A_4 = arith.constant 0 : index
    %get3A_5 = arith.constant 0 : index
    %get3A_6 = vector.load %arg3[%get3A_4, %get3A_5] : memref<768x768xf32, #tpu.memory_space<vmem>>, vector<768x768xf32>
    %dot_general3A = arith.constant dense<0.000000e+00> : vector<512x768xf32>
    %dot_general3A_7 = tpu.matmul %get3A_3, %get3A_6, %dot_general3A {dimension_numbers = #tpu.dot_dimension_numbers<[1], [1], [0], [0], [0, 0, 1, 0], [], []>, transpose_lhs_hint = false} : vector<512x768xf32>, vector<768x768xf32>, vector<512x768xf32> -> vector<512x768xf32>
    %get3A_8 = arith.constant 0 : index
    %get3A_9 = arith.constant 0 : index
    %get3A_10 = vector.load %arg4[%get3A_8, %get3A_9] : memref<1x768xf32, #tpu.memory_space<vmem>>, vector<1x768xf32>
    %add3A = vector.broadcast %get3A_10 : vector<1x768xf32> to vector<512x768xf32>
    %add3A_11 = arith.addf %dot_general3A_7, %add3A : vector<512x768xf32>
    %swap3A = arith.constant 0 : index
    %swap3A_12 = arith.constant 0 : index
    %swap3A_13 = arith.constant 0 : index
    %swap3A_14 = vector.load %arg5[%swap3A, %swap3A_12, %swap3A_13] : memref<1x512x768xf32, #tpu.memory_space<vmem>>, vector<1x512x768xf32>
    %swap3A_15 = vector.shape_cast %swap3A_14 : vector<1x512x768xf32> to vector<512x768xf32>
    %swap3A_16 = vector.shape_cast %add3A_11 : vector<512x768xf32> to vector<1x512x768xf32>
    tpu.vector_store %arg5[%swap3A, %swap3A_12, %swap3A_13], %swap3A_16 {strides = array<i32>} : memref<1x512x768xf32, #tpu.memory_space<vmem>>, vector<1x512x768xf32>,
    return
  }
  func.func @transform_0(%arg0: i32, %arg1: i32) -> (i32, i32, i32) {
    %c0_i32 = arith.constant 0 : i32
    %c0_i32_0 = arith.constant 0 : i32
    return %arg0, %arg1, %c0_i32 : i32, i32, i32
  }
  func.func @transform_1(%arg0: i32, %arg1: i32) -> (i32, i32) {
    %c0_i32 = arith.constant 0 : i32
    %c0_i32_0 = arith.constant 0 : i32
    %c0_i32_1 = arith.constant 0 : i32
    return %c0_i32, %c0_i32_0 : i32, i32
  }
  func.func @transform_2(%arg0: i32, %arg1: i32) -> (i32, i32) {
    %c0_i32 = arith.constant 0 : i32
    %c0_i32_0 = arith.constant 0 : i32
    %c0_i32_1 = arith.constant 0 : i32
    return %c0_i32, %c0_i32_0 : i32, i32
  }
  func.func @transform_3(%arg0: i32, %arg1: i32) -> (i32, i32, i32) {
    %c0_i32 = arith.constant 0 : i32
    %c0_i32_0 = arith.constant 0 : i32
    return %arg0, %arg1, %c0_i32 : i32, i32, i32
  }
}

module attributes {stable_mosaic.version = 14 : i64} {
  func.func @_ffn_kernel(%arg0: i32, %arg1: i32, %arg2: memref<1x512x768xf32, #tpu.memory_space<vmem>>, %arg3: memref<2048x768xf32, #tpu.memory_space<vmem>>, %arg4: memref<1x2048xf32, #tpu.memory_space<vmem>>, %arg5: memref<768x2048xf32, #tpu.memory_space<vmem>>, %arg6: memref<1x768xf32, #tpu.memory_space<vmem>>, %arg7: memref<1x768xf32, #tpu.memory_space<vmem>>, %arg8: memref<1x768xf32, #tpu.memory_space<vmem>>, %arg9: memref<1x768xf32, #tpu.memory_space<vmem>>, %arg10: memref<1x768xf32, #tpu.memory_space<vmem>>, %arg11: memref<1x512x768xf32, #tpu.memory_space<vmem>>) attributes {dimension_semantics = [#tpu.dimension_semantics<parallel>, #tpu.dimension_semantics<parallel>], iteration_bounds = array<i64: 2, 4>, scalar_prefetch = 0 : i64, scratch_operands = 0 : i64, tpu.core_type = #tpu.core_type<tc>, window_params = [{transform_indices = @transform_0, window_bounds = array<i64: 1, 512, 768>}, {pipeline_mode = #tpu.pipeline_mode<synchronous>, transform_indices = @transform_1, window_bounds = array<i64: 2048, 768>}, {pipeline_mode = #tpu.pipeline_mode<synchronous>, transform_indices = @transform_2, window_bounds = array<i64: 1, 2048>}, {pipeline_mode = #tpu.pipeline_mode<synchronous>, transform_indices = @transform_3, window_bounds = array<i64: 768, 2048>}, {pipeline_mode = #tpu.pipeline_mode<synchronous>, transform_indices = @transform_4, window_bounds = array<i64: 1, 768>}, {pipeline_mode = #tpu.pipeline_mode<synchronous>, transform_indices = @transform_5, window_bounds = array<i64: 1, 768>}, {pipeline_mode = #tpu.pipeline_mode<synchronous>, transform_indices = @transform_6, window_bounds = array<i64: 1, 768>}, {pipeline_mode = #tpu.pipeline_mode<synchronous>, transform_indices = @transform_7, window_bounds = array<i64: 1, 768>}, {pipeline_mode = #tpu.pipeline_mode<synchronous>, transform_indices = @transform_8, window_bounds = array<i64: 1, 768>}, {transform_indices = @transform_9, window_bounds = array<i64: 1, 512, 768>}]} {
    %get3A = arith.constant 0 : index
    %get3A_0 = arith.constant 0 : index
    %get3A_1 = arith.constant 0 : index
    %get3A_2 = vector.load %arg2[%get3A, %get3A_0, %get3A_1] : memref<1x512x768xf32, #tpu.memory_space<vmem>>, vector<1x512x768xf32>
    %get3A_3 = vector.shape_cast %get3A_2 : vector<1x512x768xf32> to vector<512x768xf32>
    %get3A_4 = arith.constant 0 : index
    %get3A_5 = arith.constant 0 : index
    %get3A_6 = vector.load %arg3[%get3A_4, %get3A_5] : memref<2048x768xf32, #tpu.memory_space<vmem>>, vector<2048x768xf32>
    %dot_general3A = arith.constant dense<0.000000e+00> : vector<512x2048xf32>
    %dot_general3A_7 = tpu.matmul %get3A_3, %get3A_6, %dot_general3A {dimension_numbers = #tpu.dot_dimension_numbers<[1], [1], [0], [0], [0, 0, 1, 0], [], []>, transpose_lhs_hint = false} : vector<512x768xf32>, vector<2048x768xf32>, vector<512x2048xf32> -> vector<512x2048xf32>
    %get3A_8 = arith.constant 0 : index
    %get3A_9 = arith.constant 0 : index
    %get3A_10 = vector.load %arg4[%get3A_8, %get3A_9] : memref<1x2048xf32, #tpu.memory_space<vmem>>, vector<1x2048xf32>
    %add3A = vector.broadcast %get3A_10 : vector<1x2048xf32> to vector<512x2048xf32>
    %add3A_11 = arith.addf %dot_general3A_7, %add3A : vector<512x2048xf32>
    %mul3A = arith.constant 5.000000e-01 : f32
    %mul3A_12 = vector.broadcast %mul3A : f32 to vector<512x2048xf32>
    %mul3A_13 = arith.mulf %mul3A_12, %add3A_11 : vector<512x2048xf32>
    %mul3A_14 = arith.constant 0.707106769 : f32
    %mul3A_15 = vector.broadcast %mul3A_14 : f32 to vector<512x2048xf32>
    %mul3A_16 = arith.mulf %add3A_11, %mul3A_15 : vector<512x2048xf32>
    %erf3A = math.erf %mul3A_16 : vector<512x2048xf32>
    %add3A_17 = arith.constant 1.000000e+00 : f32
    %add3A_18 = vector.broadcast %add3A_17 : f32 to vector<512x2048xf32>
    %add3A_19 = arith.addf %add3A_18, %erf3A : vector<512x2048xf32>
    %mul3A_20 = arith.mulf %mul3A_13, %add3A_19 : vector<512x2048xf32>
    %get3A_21 = arith.constant 0 : index
    %get3A_22 = arith.constant 0 : index
    %get3A_23 = vector.load %arg5[%get3A_21, %get3A_22] : memref<768x2048xf32, #tpu.memory_space<vmem>>, vector<768x2048xf32>
    %dot_general3A_24 = arith.constant dense<0.000000e+00> : vector<512x768xf32>
    %dot_general3A_25 = tpu.matmul %mul3A_20, %get3A_23, %dot_general3A_24 {dimension_numbers = #tpu.dot_dimension_numbers<[1], [1], [0], [0], [0, 0, 1, 0], [], []>, transpose_lhs_hint = false} : vector<512x2048xf32>, vector<768x2048xf32>, vector<512x768xf32> -> vector<512x768xf32>
    %get3A_26 = arith.constant 0 : index
    %get3A_27 = arith.constant 0 : index
    %get3A_28 = vector.load %arg6[%get3A_26, %get3A_27] : memref<1x768xf32, #tpu.memory_space<vmem>>, vector<1x768xf32>
    %add3A_29 = vector.broadcast %get3A_28 : vector<1x768xf32> to vector<512x768xf32>
    %add3A_30 = arith.addf %dot_general3A_25, %add3A_29 : vector<512x768xf32>
    %add3A_31 = arith.addf %add3A_30, %get3A_3 : vector<512x768xf32>
    %get3A_32 = arith.constant 0 : index
    %get3A_33 = arith.constant 0 : index
    %get3A_34 = vector.load %arg7[%get3A_32, %get3A_33] : memref<1x768xf32, #tpu.memory_space<vmem>>, vector<1x768xf32>
    %get3A_35 = arith.constant 0 : index
    %get3A_36 = arith.constant 0 : index
    %get3A_37 = vector.load %arg8[%get3A_35, %get3A_36] : memref<1x768xf32, #tpu.memory_space<vmem>>, vector<1x768xf32>
    %reduce_sum3A = arith.constant dense<0.000000e+00> : vector<512xf32>
    %reduce_sum3A_38 = vector.multi_reduction <add>, %add3A_31, %reduce_sum3A [1] : vector<512x768xf32> to vector<512xf32>
    %broadcast_in_dim3A = vector.shape_cast %reduce_sum3A_38 : vector<512xf32> to vector<512x1xf32>
    %div3A = arith.constant 7.680000e+02 : f32
    %div3A_39 = vector.broadcast %div3A : f32 to vector<512x1xf32>
    %div3A_40 = arith.divf %broadcast_in_dim3A, %div3A_39 : vector<512x1xf32>
    %sub3A = vector.broadcast %div3A_40 : vector<512x1xf32> to vector<512x768xf32>
    %sub3A_41 = arith.subf %add3A_31, %sub3A : vector<512x768xf32>
    %integer_pow3A = arith.mulf %sub3A_41, %sub3A_41 : vector<512x768xf32>
    %reduce_sum3A_42 = arith.constant dense<0.000000e+00> : vector<512xf32>
    %reduce_sum3A_43 = vector.multi_reduction <add>, %integer_pow3A, %reduce_sum3A_42 [1] : vector<512x768xf32> to vector<512xf32>
    %broadcast_in_dim3A_44 = vector.shape_cast %reduce_sum3A_43 : vector<512xf32> to vector<512x1xf32>
    %div3A_45 = arith.constant 7.680000e+02 : f32
    %div3A_46 = vector.broadcast %div3A_45 : f32 to vector<512x1xf32>
    %div3A_47 = arith.divf %broadcast_in_dim3A_44, %div3A_46 : vector<512x1xf32>
    %sub3A_48 = vector.broadcast %div3A_40 : vector<512x1xf32> to vector<512x768xf32>
    %sub3A_49 = arith.subf %add3A_31, %sub3A_48 : vector<512x768xf32>
    %add3A_50 = arith.constant 9.99999974E-6 : f32
    %add3A_51 = vector.broadcast %add3A_50 : f32 to vector<512x1xf32>
    %add3A_52 = arith.addf %div3A_47, %add3A_51 : vector<512x1xf32>
    %sqrt3A = math.sqrt %add3A_52 : vector<512x1xf32>
    %div3A_53 = vector.broadcast %sqrt3A : vector<512x1xf32> to vector<512x768xf32>
    %div3A_54 = arith.divf %sub3A_49, %div3A_53 : vector<512x768xf32>
    %mul3A_55 = vector.broadcast %get3A_34 : vector<1x768xf32> to vector<512x768xf32>
    %mul3A_56 = arith.mulf %div3A_54, %mul3A_55 : vector<512x768xf32>
    %add3A_57 = vector.broadcast %get3A_37 : vector<1x768xf32> to vector<512x768xf32>
    %add3A_58 = arith.addf %mul3A_56, %add3A_57 : vector<512x768xf32>
    %get3A_59 = arith.constant 0 : index
    %get3A_60 = arith.constant 0 : index
    %get3A_61 = vector.load %arg9[%get3A_59, %get3A_60] : memref<1x768xf32, #tpu.memory_space<vmem>>, vector<1x768xf32>
    %get3A_62 = arith.constant 0 : index
    %get3A_63 = arith.constant 0 : index
    %get3A_64 = vector.load %arg10[%get3A_62, %get3A_63] : memref<1x768xf32, #tpu.memory_space<vmem>>, vector<1x768xf32>
    %reduce_sum3A_65 = arith.constant dense<0.000000e+00> : vector<512xf32>
    %reduce_sum3A_66 = vector.multi_reduction <add>, %add3A_58, %reduce_sum3A_65 [1] : vector<512x768xf32> to vector<512xf32>
    %broadcast_in_dim3A_67 = vector.shape_cast %reduce_sum3A_66 : vector<512xf32> to vector<512x1xf32>
    %div3A_68 = arith.constant 7.680000e+02 : f32
    %div3A_69 = vector.broadcast %div3A_68 : f32 to vector<512x1xf32>
    %div3A_70 = arith.divf %broadcast_in_dim3A_67, %div3A_69 : vector<512x1xf32>
    %sub3A_71 = vector.broadcast %div3A_70 : vector<512x1xf32> to vector<512x768xf32>
    %sub3A_72 = arith.subf %add3A_58, %sub3A_71 : vector<512x768xf32>
    %integer_pow3A_73 = arith.mulf %sub3A_72, %sub3A_72 : vector<512x768xf32>
    %reduce_sum3A_74 = arith.constant dense<0.000000e+00> : vector<512xf32>
    %reduce_sum3A_75 = vector.multi_reduction <add>, %integer_pow3A_73, %reduce_sum3A_74 [1] : vector<512x768xf32> to vector<512xf32>
    %broadcast_in_dim3A_76 = vector.shape_cast %reduce_sum3A_75 : vector<512xf32> to vector<512x1xf32>
    %div3A_77 = arith.constant 7.680000e+02 : f32
    %div3A_78 = vector.broadcast %div3A_77 : f32 to vector<512x1xf32>
    %div3A_79 = arith.divf %broadcast_in_dim3A_76, %div3A_78 : vector<512x1xf32>
    %sub3A_80 = vector.broadcast %div3A_70 : vector<512x1xf32> to vector<512x768xf32>
    %sub3A_81 = arith.subf %add3A_58, %sub3A_80 : vector<512x768xf32>
    %add3A_82 = arith.constant 9.99999974E-6 : f32
    %add3A_83 = vector.broadcast %add3A_82 : f32 to vector<512x1xf32>
    %add3A_84 = arith.addf %div3A_79, %add3A_83 : vector<512x1xf32>
    %sqrt3A_85 = math.sqrt %add3A_84 : vector<512x1xf32>
    %div3A_86 = vector.broadcast %sqrt3A_85 : vector<512x1xf32> to vector<512x768xf32>
    %div3A_87 = arith.divf %sub3A_81, %div3A_86 : vector<512x768xf32>
    %mul3A_88 = vector.broadcast %get3A_61 : vector<1x768xf32> to vector<512x768xf32>
    %mul3A_89 = arith.mulf %div3A_87, %mul3A_88 : vector<512x768xf32>
    %add3A_90 = vector.broadcast %get3A_64 : vector<1x768xf32> to vector<512x768xf32>
    %add3A_91 = arith.addf %mul3A_89, %add3A_90 : vector<512x768xf32>
    %swap3A = arith.constant 0 : index
    %swap3A_92 = arith.constant 0 : index
    %swap3A_93 = arith.constant 0 : index
    %swap3A_94 = vector.load %arg11[%swap3A, %swap3A_92, %swap3A_93] : memref<1x512x768xf32, #tpu.memory_space<vmem>>, vector<1x512x768xf32>
    %swap3A_95 = vector.shape_cast %swap3A_94 : vector<1x512x768xf32> to vector<512x768xf32>
    %swap3A_96 = vector.shape_cast %add3A_91 : vector<512x768xf32> to vector<1x512x768xf32>
    tpu.vector_store %arg11[%swap3A, %swap3A_92, %swap3A_93], %swap3A_96 {strides = array<i32>} : memref<1x512x768xf32, #tpu.memory_space<vmem>>, vector<1x512x768xf32>,
    return
  }
  func.func @transform_0(%arg0: i32, %arg1: i32) -> (i32, i32, i32) {
    %c0_i32 = arith.constant 0 : i32
    %c0_i32_0 = arith.constant 0 : i32
    return %arg0, %arg1, %c0_i32 : i32, i32, i32
  }
  func.func @transform_1(%arg0: i32, %arg1: i32) -> (i32, i32) {
    %c0_i32 = arith.constant 0 : i32
    %c0_i32_0 = arith.constant 0 : i32
    %c0_i32_1 = arith.constant 0 : i32
    return %c0_i32, %c0_i32_0 : i32, i32
  }
  func.func @transform_2(%arg0: i32, %arg1: i32) -> (i32, i32) {
    %c0_i32 = arith.constant 0 : i32
    %c0_i32_0 = arith.constant 0 : i32
    %c0_i32_1 = arith.constant 0 : i32
    return %c0_i32, %c0_i32_0 : i32, i32
  }
  func.func @transform_3(%arg0: i32, %arg1: i32) -> (i32, i32) {
    %c0_i32 = arith.constant 0 : i32
    %c0_i32_0 = arith.constant 0 : i32
    %c0_i32_1 = arith.constant 0 : i32
    return %c0_i32, %c0_i32_0 : i32, i32
  }
  func.func @transform_4(%arg0: i32, %arg1: i32) -> (i32, i32) {
    %c0_i32 = arith.constant 0 : i32
    %c0_i32_0 = arith.constant 0 : i32
    %c0_i32_1 = arith.constant 0 : i32
    return %c0_i32, %c0_i32_0 : i32, i32
  }
  func.func @transform_5(%arg0: i32, %arg1: i32) -> (i32, i32) {
    %c0_i32 = arith.constant 0 : i32
    %c0_i32_0 = arith.constant 0 : i32
    %c0_i32_1 = arith.constant 0 : i32
    return %c0_i32, %c0_i32_0 : i32, i32
  }
  func.func @transform_6(%arg0: i32, %arg1: i32) -> (i32, i32) {
    %c0_i32 = arith.constant 0 : i32
    %c0_i32_0 = arith.constant 0 : i32
    %c0_i32_1 = arith.constant 0 : i32
    return %c0_i32, %c0_i32_0 : i32, i32
  }
  func.func @transform_7(%arg0: i32, %arg1: i32) -> (i32, i32) {
    %c0_i32 = arith.constant 0 : i32
    %c0_i32_0 = arith.constant 0 : i32
    %c0_i32_1 = arith.constant 0 : i32
    return %c0_i32, %c0_i32_0 : i32, i32
  }
  func.func @transform_8(%arg0: i32, %arg1: i32) -> (i32, i32) {
    %c0_i32 = arith.constant 0 : i32
    %c0_i32_0 = arith.constant 0 : i32
    %c0_i32_1 = arith.constant 0 : i32
    return %c0_i32, %c0_i32_0 : i32, i32
  }
  func.func @transform_9(%arg0: i32, %arg1: i32) -> (i32, i32, i32) {
    %c0_i32 = arith.constant 0 : i32
    %c0_i32_0 = arith.constant 0 : i32
    return %arg0, %arg1, %c0_i32 : i32, i32, i32
  }
}

module attributes {stable_mosaic.version = 14 : i64} {
  func.func @_heads_kernel(%arg0: i32, %arg1: i32, %arg2: memref<1x512x768xf32, #tpu.memory_space<vmem>>, %arg3: memref<768x768xf32, #tpu.memory_space<vmem>>, %arg4: memref<768x768xf32, #tpu.memory_space<vmem>>, %arg5: memref<1x768xf32, #tpu.memory_space<vmem>>, %arg6: memref<1x768xf32, #tpu.memory_space<vmem>>, %arg7: memref<1x512x1536xf32, #tpu.memory_space<vmem>>) attributes {dimension_semantics = [#tpu.dimension_semantics<parallel>, #tpu.dimension_semantics<parallel>], iteration_bounds = array<i64: 2, 4>, scalar_prefetch = 0 : i64, scratch_operands = 0 : i64, tpu.core_type = #tpu.core_type<tc>, window_params = [{transform_indices = @transform_0, window_bounds = array<i64: 1, 512, 768>}, {pipeline_mode = #tpu.pipeline_mode<synchronous>, transform_indices = @transform_1, window_bounds = array<i64: 768, 768>}, {pipeline_mode = #tpu.pipeline_mode<synchronous>, transform_indices = @transform_2, window_bounds = array<i64: 768, 768>}, {pipeline_mode = #tpu.pipeline_mode<synchronous>, transform_indices = @transform_3, window_bounds = array<i64: 1, 768>}, {pipeline_mode = #tpu.pipeline_mode<synchronous>, transform_indices = @transform_4, window_bounds = array<i64: 1, 768>}, {transform_indices = @transform_5, window_bounds = array<i64: 1, 512, 1536>}]} {
    %get3A = arith.constant 0 : index
    %get3A_0 = arith.constant 0 : index
    %get3A_1 = arith.constant 0 : index
    %get3A_2 = vector.load %arg2[%get3A, %get3A_0, %get3A_1] : memref<1x512x768xf32, #tpu.memory_space<vmem>>, vector<1x512x768xf32>
    %get3A_3 = vector.shape_cast %get3A_2 : vector<1x512x768xf32> to vector<512x768xf32>
    %get3A_4 = arith.constant 0 : index
    %get3A_5 = arith.constant 0 : index
    %get3A_6 = vector.load %arg3[%get3A_4, %get3A_5] : memref<768x768xf32, #tpu.memory_space<vmem>>, vector<768x768xf32>
    %dot_general3A = arith.constant dense<0.000000e+00> : vector<512x768xf32>
    %dot_general3A_7 = tpu.matmul %get3A_3, %get3A_6, %dot_general3A {dimension_numbers = #tpu.dot_dimension_numbers<[1], [1], [0], [0], [0, 0, 1, 0], [], []>, transpose_lhs_hint = false} : vector<512x768xf32>, vector<768x768xf32>, vector<512x768xf32> -> vector<512x768xf32>
    %get3A_8 = arith.constant 0 : index
    %get3A_9 = arith.constant 0 : index
    %get3A_10 = vector.load %arg5[%get3A_8, %get3A_9] : memref<1x768xf32, #tpu.memory_space<vmem>>, vector<1x768xf32>
    %add3A = vector.broadcast %get3A_10 : vector<1x768xf32> to vector<512x768xf32>
    %add3A_11 = arith.addf %dot_general3A_7, %add3A : vector<512x768xf32>
    %swap3A = arith.constant 0 : index
    %swap3A_12 = arith.constant 0 : index
    %swap3A_13 = arith.constant 0 : index
    %swap3A_14 = vector.load %arg7[%swap3A, %swap3A_12, %swap3A_13] : memref<1x512x1536xf32, #tpu.memory_space<vmem>>, vector<1x512x768xf32>
    %swap3A_15 = vector.shape_cast %swap3A_14 : vector<1x512x768xf32> to vector<512x768xf32>
    %swap3A_16 = vector.shape_cast %add3A_11 : vector<512x768xf32> to vector<1x512x768xf32>
    tpu.vector_store %arg7[%swap3A, %swap3A_12, %swap3A_13], %swap3A_16 {strides = array<i32>} : memref<1x512x1536xf32, #tpu.memory_space<vmem>>, vector<1x512x768xf32>,
    %get3A_17 = arith.constant 0 : index
    %get3A_18 = arith.constant 0 : index
    %get3A_19 = vector.load %arg4[%get3A_17, %get3A_18] : memref<768x768xf32, #tpu.memory_space<vmem>>, vector<768x768xf32>
    %dot_general3A_20 = arith.constant dense<0.000000e+00> : vector<512x768xf32>
    %dot_general3A_21 = tpu.matmul %get3A_3, %get3A_19, %dot_general3A_20 {dimension_numbers = #tpu.dot_dimension_numbers<[1], [1], [0], [0], [0, 0, 1, 0], [], []>, transpose_lhs_hint = false} : vector<512x768xf32>, vector<768x768xf32>, vector<512x768xf32> -> vector<512x768xf32>
    %get3A_22 = arith.constant 0 : index
    %get3A_23 = arith.constant 0 : index
    %get3A_24 = vector.load %arg6[%get3A_22, %get3A_23] : memref<1x768xf32, #tpu.memory_space<vmem>>, vector<1x768xf32>
    %add3A_25 = vector.broadcast %get3A_24 : vector<1x768xf32> to vector<512x768xf32>
    %add3A_26 = arith.addf %dot_general3A_21, %add3A_25 : vector<512x768xf32>
    %swap3A_27 = arith.constant 0 : index
    %swap3A_28 = arith.constant 0 : index
    %swap3A_29 = arith.constant 768 : index
    %swap3A_30 = vector.load %arg7[%swap3A_27, %swap3A_28, %swap3A_29] : memref<1x512x1536xf32, #tpu.memory_space<vmem>>, vector<1x512x768xf32>
    %swap3A_31 = vector.shape_cast %swap3A_30 : vector<1x512x768xf32> to vector<512x768xf32>
    %swap3A_32 = vector.shape_cast %add3A_26 : vector<512x768xf32> to vector<1x512x768xf32>
    tpu.vector_store %arg7[%swap3A_27, %swap3A_28, %swap3A_29], %swap3A_32 {strides = array<i32>} : memref<1x512x1536xf32, #tpu.memory_space<vmem>>, vector<1x512x768xf32>,
    return
  }
  func.func @transform_0(%arg0: i32, %arg1: i32) -> (i32, i32, i32) {
    %c0_i32 = arith.constant 0 : i32
    %c0_i32_0 = arith.constant 0 : i32
    return %arg0, %arg1, %c0_i32 : i32, i32, i32
  }
  func.func @transform_1(%arg0: i32, %arg1: i32) -> (i32, i32) {
    %c0_i32 = arith.constant 0 : i32
    %c0_i32_0 = arith.constant 0 : i32
    %c0_i32_1 = arith.constant 0 : i32
    return %c0_i32, %c0_i32_0 : i32, i32
  }
  func.func @transform_2(%arg0: i32, %arg1: i32) -> (i32, i32) {
    %c0_i32 = arith.constant 0 : i32
    %c0_i32_0 = arith.constant 0 : i32
    %c0_i32_1 = arith.constant 0 : i32
    return %c0_i32, %c0_i32_0 : i32, i32
  }
  func.func @transform_3(%arg0: i32, %arg1: i32) -> (i32, i32) {
    %c0_i32 = arith.constant 0 : i32
    %c0_i32_0 = arith.constant 0 : i32
    %c0_i32_1 = arith.constant 0 : i32
    return %c0_i32, %c0_i32_0 : i32, i32
  }
  func.func @transform_4(%arg0: i32, %arg1: i32) -> (i32, i32) {
    %c0_i32 = arith.constant 0 : i32
    %c0_i32_0 = arith.constant 0 : i32
    %c0_i32_1 = arith.constant 0 : i32
    return %c0_i32, %c0_i32_0 : i32, i32
  }
  func.func @transform_5(%arg0: i32, %arg1: i32) -> (i32, i32, i32) {
    %c0_i32 = arith.constant 0 : i32
    %c0_i32_0 = arith.constant 0 : i32
    return %arg0, %arg1, %c0_i32 : i32, i32, i32
  }
}

module attributes {stable_mosaic.version = 14 : i64} {
  func.func @_proj_kernel(%arg0: i32, %arg1: i32, %arg2: memref<1x512x768xf32, #tpu.memory_space<vmem>>, %arg3: memref<128x768xf32, #tpu.memory_space<vmem>>, %arg4: memref<1x128xf32, #tpu.memory_space<vmem>>, %arg5: memref<1x512x128xf32, #tpu.memory_space<vmem>>) attributes {dimension_semantics = [#tpu.dimension_semantics<parallel>, #tpu.dimension_semantics<parallel>], iteration_bounds = array<i64: 2, 2>, scalar_prefetch = 0 : i64, scratch_operands = 0 : i64, tpu.core_type = #tpu.core_type<tc>, window_params = [{transform_indices = @transform_0, window_bounds = array<i64: 1, 512, 768>}, {pipeline_mode = #tpu.pipeline_mode<synchronous>, transform_indices = @transform_1, window_bounds = array<i64: 128, 768>}, {pipeline_mode = #tpu.pipeline_mode<synchronous>, transform_indices = @transform_2, window_bounds = array<i64: 1, 128>}, {transform_indices = @transform_3, window_bounds = array<i64: 1, 512, 128>}]} {
    %get3A = arith.constant 0 : index
    %get3A_0 = arith.constant 0 : index
    %get3A_1 = arith.constant 0 : index
    %get3A_2 = vector.load %arg2[%get3A, %get3A_0, %get3A_1] : memref<1x512x768xf32, #tpu.memory_space<vmem>>, vector<1x512x768xf32>
    %get3A_3 = vector.shape_cast %get3A_2 : vector<1x512x768xf32> to vector<512x768xf32>
    %get3A_4 = arith.constant 0 : index
    %get3A_5 = arith.constant 0 : index
    %get3A_6 = vector.load %arg3[%get3A_4, %get3A_5] : memref<128x768xf32, #tpu.memory_space<vmem>>, vector<128x768xf32>
    %dot_general3A = arith.constant dense<0.000000e+00> : vector<512x128xf32>
    %dot_general3A_7 = tpu.matmul %get3A_3, %get3A_6, %dot_general3A {dimension_numbers = #tpu.dot_dimension_numbers<[1], [1], [0], [0], [0, 0, 1, 0], [], []>, transpose_lhs_hint = false} : vector<512x768xf32>, vector<128x768xf32>, vector<512x128xf32> -> vector<512x128xf32>
    %get3A_8 = arith.constant 0 : index
    %get3A_9 = arith.constant 0 : index
    %get3A_10 = vector.load %arg4[%get3A_8, %get3A_9] : memref<1x128xf32, #tpu.memory_space<vmem>>, vector<1x128xf32>
    %add3A = vector.broadcast %get3A_10 : vector<1x128xf32> to vector<512x128xf32>
    %add3A_11 = arith.addf %dot_general3A_7, %add3A : vector<512x128xf32>
    %swap3A = arith.constant 0 : index
    %swap3A_12 = arith.constant 0 : index
    %swap3A_13 = arith.constant 0 : index
    %swap3A_14 = vector.load %arg5[%swap3A, %swap3A_12, %swap3A_13] : memref<1x512x128xf32, #tpu.memory_space<vmem>>, vector<1x512x128xf32>
    %swap3A_15 = vector.shape_cast %swap3A_14 : vector<1x512x128xf32> to vector<512x128xf32>
    %swap3A_16 = vector.shape_cast %add3A_11 : vector<512x128xf32> to vector<1x512x128xf32>
    tpu.vector_store %arg5[%swap3A, %swap3A_12, %swap3A_13], %swap3A_16 {strides = array<i32>} : memref<1x512x128xf32, #tpu.memory_space<vmem>>, vector<1x512x128xf32>,
    return
  }
  func.func @transform_0(%arg0: i32, %arg1: i32) -> (i32, i32, i32) {
    %c0_i32 = arith.constant 0 : i32
    %c0_i32_0 = arith.constant 0 : i32
    return %arg0, %arg1, %c0_i32 : i32, i32, i32
  }
  func.func @transform_1(%arg0: i32, %arg1: i32) -> (i32, i32) {
    %c0_i32 = arith.constant 0 : i32
    %c0_i32_0 = arith.constant 0 : i32
    %c0_i32_1 = arith.constant 0 : i32
    return %c0_i32, %c0_i32_0 : i32, i32
  }
  func.func @transform_2(%arg0: i32, %arg1: i32) -> (i32, i32) {
    %c0_i32 = arith.constant 0 : i32
    %c0_i32_0 = arith.constant 0 : i32
    %c0_i32_1 = arith.constant 0 : i32
    return %c0_i32, %c0_i32_0 : i32, i32
  }
  func.func @transform_3(%arg0: i32, %arg1: i32) -> (i32, i32, i32) {
    %c0_i32 = arith.constant 0 : i32
    %c0_i32_0 = arith.constant 0 : i32
    return %arg0, %arg1, %c0_i32 : i32, i32, i32
  }
}

</mosaic_0001>

<sc_bundles>
// kernel: sparse-core-data-format-call.1.cloned.1.call-start
scs
called_computation.1_lowered:
.L_overlay_start_0:
0x0: {  	s1 =	sld [smem:$0x3FD9]  }
0x1: {  	s2 =	sld [smem:$0x3FFE];
	_ =	sdelay $0x1  }
0x2: {  	s3 =	srdreg.scid  }
0x3: {  	s0 =	sand.u32 $0x1, s3  }
0x4: {  	s17 =	sshll.u32 s0, $0xA;
	s1 =	sadd.s32 s2, s1  }
0x5: {  	s1 =	sadd.s32 s1, s17  }
0x6: {  	[smem:$0x3F80] =	sst s1  }
0x7: {  	_ = 	snop  }
0x8: {  	(tm) =	ssettm $0x1  }
0x9: {  	s18 =	sld [smem:$0x3FFB];
	_ =	sdelay $0x3  }
0xa: {  	_ =	strace s18  }
0xb: {  	s1 =	sld [smem:$0x3FFC];
	_ =	sdelay $0x3  }
0xc: {  	_ =	strace s1  }
0xd: {  	s1 =	sld [smem:$0x3FFD];
	_ =	sdelay $0x3  }
0xe: {  	_ =	strace s1  }
0xf: {  	_ =	strace $0x8FFFFFFF  }
0x10: {  	s19 =	sld [smem:$0x3FDB];
	_ =	sdelay $0x1  }
0x11: {  	s20 =	simm.s32 $_scs_section_size  }
0x12: {  	s4 =	simm.s32 $_size__tile_overlayer_lowered;
	s5 =	simm.s32 $_tile_overlayer_lowered  }
0x13: {  	s23 =	simm.s32 $0x1BFF;
	s22 =	sshll.u32 s5, $0x1;
	s1 =	sadd.s32 s20, s19  }
0x14: {  	s6 =	simm.s32 $0x0;
	s21 =	sshll.u32 s4, $0x1;
	s4 =	sadd.s32 s22, s1  }
0x15: {  	[timem:s6], [sflag:s23] =	dma.local [hbm:s4], s21  }
0x16: {  	_ =	swait.ge [sflag:s23], s21  }
0x17: {  	s2 =	ssub.s32 $0x0, s21;
	[sflag:s23] =	ssyncset.done $0x0  }
0x18: {  	[sflag:s23] =	ssyncadd.s32 s2;
	_ =	sdelay $0x1  }
0x19: {  	s24 =	simm.s32 $0x1B8B  }
0x1a: {  	_ =	swait.ge [sflag:s24], $0x1  }
0x1b: {  	[sflag:s24] =	ssyncset.done $0x0  }
0x1c: {  	s26 =	simm.s32 $0x1B8E;
	s25 =	sld [smem:$0x3FFE];
	[sflag:s24] =	ssyncadd.s32 $0xFFFFFFFF  }
0x1d: {  	s27 =	simm.s32 $execute0_lowered;
	[smem:$0x3FD2] =	sst s26  }
0x1e: {  	s4 =	sshll.u32 s27, $0x1;
	_ =	strace $0x80000046;
	[dreg:$0x1] =	wrdreg $0xFFFFFFFF  }
0x1f: {  	s28 =	simm.s32 $_size_execute0_lowered;
	s1 =	sadd.s32 s1, s4;
	[dreg:$0x0] =	wrdreg $0x0  }
0x20: {  	s4 =	sshll.u32 s28, $0x1;
	[dreg:$0x2] =	wrdreg s1  }
0x21: {  	[dreg:$0x3] =	wrdreg s4  }
0x22: {  	[dreg:$0x4] =	wrdreg $0xC0  }
0x23: {  	_ =	task [dreg:s6], $0x5FFFF  }
0x24: {  	[dreg:$0x1] =	wrdreg $0xFFFFFFFF  }
0x25: {  	[dreg:$0x0] =	wrdreg $0x60  }
0x26: {  	[dreg:$0x2] =	wrdreg s25  }
0x27: {  	[dreg:$0x3] =	wrdreg $0xA  }
0x28: {  	_ =	task.clear_ibuf [dreg:s6], $0x4FFFF;
	_ =	strace $0x90000046  }
0x29: {  	s29 =	simm.s32 $0xA;
	_ =	strace $0x80000048  }
0x2a: {  	_ =	swait.ge [sflag:s29], $0x1  }
0x2b: {  	[sflag:s29] =	ssyncadd.s32 $0xFFFFFFFF  }
0x2c: {  	_ =	strace $0x90000048  }
0x2d: {  	_ =	sfence  }
0x2e: {  	s30 =	sld [smem:$0x0];
	_ =	sdelay $0x2  }
0x2f: {  	s31 =	sshll.u32 s3, $0xD;
	s3 =	sshrl.u32 s3, $0x2  }
0x30: {  	s2 =	sand.u32 $0x4000, s31;
	s1 =	sadd.s32 s3, s30  }
0x31: {  	s0 =	sor.u32 s2, s0;
	s1 =	sshll.u32 s1, $0x11  }
0x32: {  	s0 =	sor.u32 s1, s0  }
0x33: {  	s0 =	sadd.s32 $0x8F2B, s0  }
0x34: {  	[sflag:s0] =	ssyncadd.remote.s32 $0x1  }
0x35: {  	_ =	sfence.sel $0xFFFF  }
0x36: {  	[dreg:$0x0] =	wrdreg $0xFFFFFFFF;
	(pc) =	sbr.abs _section_cstart, $3  }
0x37: {  	[dreg:$0x1] =	wrdreg $0xFFFFFFFF  }
0x38: {  	_ =	task.clear_ibuf [dreg:s6], $0x2FFFF;
	_ =	strace $0x9FFFFFFF  }
0x39: {  	(tm) =	ssettm $0x7FFFFFFF  }
tec
execute0_lowered:
.L_overlay_start_1:
0x0: {  	(tag) =	ssettag $0x1  }
0x1: {  	s0 =	stileid.u32;
	s1 =	srdreg.scid  }
0x2: {  	s7 =	rddreg [dreg:$0x0];
	s30 =	simm.s32 $0x2;
	s15 =	simm.s32 $0x0  }
0x3: {  	s11 =	simm.s32 $0x80;
	s16 =	simm.s32 $0x0;
	s17 =	simm.s32 $0x0  }
0x4: {  	s14 =	simm.s32 $0x0;
	s2 =	sshll.u32 s0, $0x6;
	s3 =	sshll.u32 s1, $0xA  }
0x5: {  	s1 =	rddreg [dreg:$0x1];
	s4 =	sshrl.u32 s0, $0x1;
	_ =	strace $0x80000047  }
0x6: {  	s3 =	sor.u32 s2, s3;
	s2 =	sand.u32 $0x1, s0;
	s4 =	sand.u32 $0x1, s4  }
0x7: {  	s3 =	sand.u32 $0x700, s3;
	s5 =	ssub.s32 $0x2, s2;
	s29 =	ssub.s32 $0x24, s4  }
0x8: {  	s6 =	sshrl.u32 s5, $0x1;
	s5 =	sand.u32 $0x1, s5;
	s8 =	ssub.s32 $0x800, s3  }
0x9: {  	s9 =	sshrl.u32 s29, $0x1;
	s5 =	sadd.s32 s5, s6;
	s6 =	sand.u32 $0x1, s29  }
0xa: {  	s12 =	smov.u32 s4;
	s10 =	sand.u32 $0x700, s8;
	s6 =	sadd.s32 s6, s9  }
0xb: {  	p0 =	sne.s32 s10, $0x0;
	s9 =	simm.s32 $0x1;
	s6 =	smul.u32 s5, s6  }
.Ltmp0:
0xc: {  	s8 =	sshrl.u32 s8, $0xB;
	s9 =	simm.s32 @!p0 $0x0;
	(pc) =	sbr.rel .LBB1_1-.Ltmp0, $4  }
0xd: {  	s13 =	smov.u32 s2;
	s31 =	sadd.s32 s3, s7;
	s8 =	sadd.s32 s9, s8  }
0xe: {  	s7 =	sadd.s32 $0x2B3A00, s7;
	s5 =	simm.s32 $0x1;
	s6 =	smul.u32 s8, s6  }
0xf: {  	s10 =	simm.s32 $0x40;
	p0 =	por $0x0, $0x0;
	[sflag:s5] =	ssyncpa.u1 $0x0  }
0x10: {  	[sflag:s30] =	ssyncpa.u1 $0x0;
	s8 =	sadd.s32 $0x193A00, s31;
	s9 =	sadd.s32 $0x1, s6  }
.LBB1_4:
0x11: {  	_ = 	snop  }
0x12: {  	[tilespmem:s22+$0x1860 ss:$0x41] =	vst.msk $0xffff, v8  }
0x13: {  	[tilespmem:s22+$0x1C70 ss:$0x41] =	vst.msk $0xffff, v7  }
0x14: {  	[tilespmem:s22+$0x2490 ss:$0x41] =	vst.msk $0xffff, v1  }
0x15: {  	s25 =	sor.u32 s28, s27;
	v47 =	vld.idx.msk [tilespmem:v0+s20+$0x470 ss:$0x1], $0xffff;
	[tilespmem:s22+$0x28A0 ss:$0x41] =	vst.msk $0xffff, v2  }
0x16: {  	[tilespmem:s22+$0x2CB0 ss:$0x41] =	vst.msk $0xffff, v3;
	v57 =	vld.idx.msk [tilespmem:v0+s25+$0x410 ss:$0x1], $0xffff  }
0x17: {  	[tilespmem:s22+$0x30C0 ss:$0x41] =	vst.msk $0xffff, v4;
	v58 =	vld.idx.msk [tilespmem:v0+s25+$0x420 ss:$0x1], $0xffff  }
0x18: {  	[tilespmem:s22+$0x34D0 ss:$0x41] =	vst.msk $0xffff, v5;
	v59 =	vld.idx.msk [tilespmem:v0+s25+$0x430 ss:$0x1], $0xffff  }
0x19: {  	s31 =	sshra.s32 s23, $0x2;
	[tilespmem:s22+$0x38E0 ss:$0x41] =	vst.msk $0xffff, v6;
	v60 =	vld.idx.msk [tilespmem:v0+s25+$0x440 ss:$0x1], $0xffff  }
0x1a: {  	s26 =	sand.u32 $0x3B00, s25;
	s20 =	sadd.s32 s31, s21;
	v61 =	vld.idx.msk [tilespmem:v0+s25+$0x450 ss:$0x1], $0xffff;
	[tilespmem:s22+$0x3CF0 ss:$0x41] =	vst.msk $0xffff, v47  }
0x1b: {  	s24 =	sand.u32 $0x80, s24;
	v62 =	vld.idx.msk [tilespmem:v0+s25+$0x460 ss:$0x1], $0xffff;
	s19 =	sadd.s32 s26, s19;
	[tilespmem:s20+$0x2490 ss:$0x41] =	vst.msk $0xffff, v57  }
0x1c: {  	v63 =	vld.idx.msk [tilespmem:v0+s25+$0x470 ss:$0x1], $0xffff;
	s19 =	sadd.s32 s24, s19;
	[tilespmem:s20+$0x28A0 ss:$0x41] =	vst.msk $0xffff, v58  }
0x1d: {  	v48 =	vld [tilespmem:s19+$0x400];
	[tilespmem:s20+$0x2CB0 ss:$0x41] =	vst.msk $0xffff, v59  }
0x1e: {  	v49 =	vld [tilespmem:s19+$0x0];
	[tilespmem:s20+$0x30C0 ss:$0x41] =	vst.msk $0xffff, v60  }
0x1f: {  	v50 =	vld [tilespmem:s19+$0x10];
	[tilespmem:s20+$0x34D0 ss:$0x41] =	vst.msk $0xffff, v61  }
0x20: {  	v51 =	vld [tilespmem:s19+$0x20];
	[tilespmem:s20+$0x38E0 ss:$0x41] =	vst.msk $0xffff, v62  }
0x21: {  	v52 =	vld [tilespmem:s19+$0x30];
	[tilespmem:s20+$0x3CF0 ss:$0x41] =	vst.msk $0xffff, v63  }
0x22: {  	v53 =	vld [tilespmem:s19+$0x40];
	[tilespmem:s20+$0x2080 ss:$0x41] =	vst.msk $0xffff, v48  }
0x23: {  	v54 =	vld [tilespmem:s19+$0x50];
	[tilespmem:s20+$0x0 ss:$0x41] =	vst.msk $0xffff, v49  }
0x24: {  	v55 =	vld [tilespmem:s19+$0x60];
	[tilespmem:s20+$0x410 ss:$0x41] =	vst.msk $0xffff, v50  }
0x25: {  	v56 =	vld [tilespmem:s19+$0x70];
	[tilespmem:s20+$0x820 ss:$0x41] =	vst.msk $0xffff, v51  }
0x26: {  	s17 =	smul.u32 $0x120000, s17;
	[tilespmem:s20+$0xC30 ss:$0x41] =	vst.msk $0xffff, v52  }
0x27: {  	[tilespmem:s20+$0x1040 ss:$0x41] =	vst.msk $0xffff, v53  }
0x28: {  	s16 =	sshll.u32 s16, $0xF;
	s17 =	sadd.s32 s7, s17;
	[tilespmem:s20+$0x1450 ss:$0x41] =	vst.msk $0xffff, v54  }
0x29: {  	s15 =	sshll.u32 s15, $0x4;
	s16 =	sadd.s32 s16, s17;
	[tilespmem:s20+$0x1860 ss:$0x41] =	vst.msk $0xffff, v55  }
0x2a: {  	s15 =	sadd.s32 s15, s16;
	[tilespmem:s20+$0x1C70 ss:$0x41] =	vst.msk $0xffff, v56  }
0x2b: {  	[hbm4b:s15+s10] =	stream.strided.scatter [tilespmem:s18], [sflag:$0x2], $0x4000, s11, s10, $0x18;
	[tilespmem:$0x10200] =	vst v63  }
.LBB1_5:
0x2c: {  	s18 =	sadd.s32 $0x2, s12  }
0x2d: {  	s16 =	sadd.s32 $0x2, s13;
	s19 =	smov.u32 s13;
	p2 =	sgt.s32 s18, $0x23  }
0x2e: {  	s19 =	smov.u32 @p2 s16  }
0x2f: {  	s18 =	smov.u32 @p2 s4;
	p2 =	sgt.s32 s19, $0x1  }
0x30: {  	s19 =	smov.u32 @p2 s2;
	p2 =	sne.s32 s14, s9  }
.Ltmp1:
0x31: {  	p1 =	slt.u32 s14, $0x2;
	(pc) =	sbr.rel @!p2 .LBB1_6-.Ltmp1, $4  }
0x32: {  	s17 =	smov.u32 s13;
	s15 =	simm.s32 @!p1 $0x2  }
0x33: {  	p0 =	por !p0, !p0;
	_ =	swait.ge @!p1 [sflag:s15], $0x4000;
	s16 =	smov.u32 s12  }
0x34: {  	[sflag:s15] =	ssyncset.done @!p1 $0x0;
	s12 =	smov.u32 s18;
	s14 =	sadd.s32 $0x1, s14  }
0x35: {  	[sflag:s15] =	ssyncadd.s32 @!p1 $0xFFFFC000;
	s15 =	smov.u32 s3;
	s13 =	smov.u32 s19  }
.LBB1_1:
0x36: {  	p1 =	sge.u32 s14, s6  }
0x37: {  	s19 =	smul.u32 @!p1 $0x90000, s13  }
0x38: {  	s31 =	sadd.s32 $0xFFFFFFFF, s14;
	s18 =	sxor.u32 @!p1 $0xFFFFFFFF, s14;
	s20 =	sshll.u32 @!p1 s12, $0xE  }
0x39: {  	s21 =	simm.s32 @!p1 $0x4000;
	s18 =	sshll.u32 @!p1 s18, $0xE;
	s19 =	sadd.s32 @!p1 s19, s8  }
0x3a: {  	s18 =	sand.u32 @!p1 $0x4000, s18;
	s19 =	sadd.s32 @!p1 s20, s19;
	s20 =	simm.s32 @!p1 $0x800  }
0x3b: {  	[tilespmem:s18], [sflag:$0x1] =	stream.strided.gather @!p1 [hbm4b:s19+s20], $0x4000, s21, s20, $0x38;
	[tilespmem:$0x10200] =	vst v63  }
0x3c: {  	p1 =	sge.u32 s31, s6  }
.Ltmp2:
0x3d: {  	_ = 	snop;
	(pc) =	sbr.rel @p1 .LBB1_5-.Ltmp2, $1  }
0x3e: {  	_ =	sdelay $0x3  }
0x3f: {  	s21 =	simm.s32 $0x0  }
0x40: {  	s20 =	sand.u32 $0x3800, s21;
	s22 =	sand.u32 $0x380, s21  }
0x41: {  	s18 =	sand.u32 $0x1, s14;
	s20 =	sor.u32 s22, s20  }
0x42: {  	_ =	swait.ge [sflag:s5], $0x4000;
	s19 =	sshll.u32 s18, $0xE;
	s22 =	sand.u32 $0x3B00, s20  }
0x43: {  	[sflag:s5] =	ssyncset.done $0x0;
	s21 =	sand.u32 $0x80, s21;
	s22 =	sadd.s32 s22, s19  }
0x44: {  	[sflag:s5] =	ssyncadd.s32 $0xFFFFC000;
	s24 =	sadd.s32 s21, s22  }
0x45: {  	v4 =	vld [tilespmem:s24+$0x400]  }
0x46: {  	s23 =	simm.s32 $0x1;
	v5 =	vld [tilespmem:s24+$0x0]  }
0x47: {  	s23 =	simm.s32 @!p0 $0x0;
	v6 =	vld [tilespmem:s24+$0x10]  }
0x48: {  	v0 =	vmov s19;
	s31 =	smul.u32 $0x10400, s23;
	v7 =	vld [tilespmem:s24+$0x20]  }
0x49: {  	v9 =	vld [tilespmem:s24+$0x30]  }
0x4a: {  	s21 =	sshrl.u32 s31, $0x2;
	v10 =	vld [tilespmem:s24+$0x40]  }
0x4b: {  	s21 =	sor.u32 $0x8000, s21;
	v11 =	vld [tilespmem:s24+$0x50]  }
0x4c: {  	v8 =	vld [tilespmem:s24+$0x60];
	s22 =	sadd.s32 $0x0, s21  }
0x4d: {  	v1 =	vld.idx.msk [tilespmem:v0+s20+$0x410 ss:$0x1], $0xffff;
	[tilespmem:s22+$0x2080 ss:$0x41] =	vst.msk $0xffff, v4  }
0x4e: {  	v2 =	vld.idx.msk [tilespmem:v0+s20+$0x420 ss:$0x1], $0xffff;
	[tilespmem:s22+$0x0 ss:$0x41] =	vst.msk $0xffff, v5  }
0x4f: {  	v3 =	vld.idx.msk [tilespmem:v0+s20+$0x430 ss:$0x1], $0xffff;
	[tilespmem:s22+$0x410 ss:$0x41] =	vst.msk $0xffff, v6  }
0x50: {  	s18 =	smul.u32 $0x10400, s18;
	[tilespmem:s22+$0x820 ss:$0x41] =	vst.msk $0xffff, v7;
	v7 =	vld [tilespmem:s24+$0x70]  }
0x51: {  	s25 =	simm.s32 $0x100;
	s26 =	simm.s32 $0x8;
	[tilespmem:s22+$0xC30 ss:$0x41] =	vst.msk $0xffff, v9;
	v4 =	vld.idx.msk [tilespmem:v0+s20+$0x440 ss:$0x1], $0xffff  }
0x52: {  	s27 =	sand.u32 $0x3800, s25;
	s18 =	sshrl.u32 s18, $0x2;
	[tilespmem:s22+$0x1040 ss:$0x41] =	vst.msk $0xffff, v10;
	v5 =	vld.idx.msk [tilespmem:v0+s20+$0x450 ss:$0x1], $0xffff;
	s24 =	simm.s32 $0x80  }
0x53: {  	s23 =	simm.s32 $0x4;
	s18 =	sor.u32 $0x8000, s18;
	[tilespmem:s22+$0x1450 ss:$0x41] =	vst.msk $0xffff, v11;
	v6 =	vld.idx.msk [tilespmem:v0+s20+$0x460 ss:$0x1], $0xffff;
	s28 =	sand.u32 $0x380, s24  }
.LBB1_3:
0x54: {  	p1 =	sne.s32 s26, $0xFC;
	[tilespmem:s22+$0x1860 ss:$0x41] =	vst.msk $0xffff, v8;
	v8 =	vld.idx.msk [tilespmem:v0+s20+$0x470 ss:$0x1], $0xffff;
	s20 =	sor.u32 s28, s27  }
0x55: {  	s27 =	sand.u32 $0x3B00, s20;
	v9 =	vld.idx.msk [tilespmem:v0+s20+$0x410 ss:$0x1], $0xffff;
	[tilespmem:s22+$0x1C70 ss:$0x41] =	vst.msk $0xffff, v7  }
0x56: {  	s28 =	sand.u32 $0x80, s24;
	s27 =	sadd.s32 s27, s19;
	v7 =	vld.idx.msk [tilespmem:v0+s20+$0x420 ss:$0x1], $0xffff;
	[tilespmem:s22+$0x2490 ss:$0x41] =	vst.msk $0xffff, v1  }
0x57: {  	s27 =	sadd.s32 s28, s27;
	v10 =	vld.idx.msk [tilespmem:v0+s20+$0x430 ss:$0x1], $0xffff;
	[tilespmem:s22+$0x28A0 ss:$0x41] =	vst.msk $0xffff, v2  }
0x58: {  	v11 =	vld [tilespmem:s27+$0x400];
	[tilespmem:s22+$0x2CB0 ss:$0x41] =	vst.msk $0xffff, v3  }
0x59: {  	v12 =	vld [tilespmem:s27+$0x0];
	[tilespmem:s22+$0x30C0 ss:$0x41] =	vst.msk $0xffff, v4  }
0x5a: {  	v4 =	vld [tilespmem:s27+$0x10];
	[tilespmem:s22+$0x34D0 ss:$0x41] =	vst.msk $0xffff, v5  }
0x5b: {  	s28 =	sshra.s32 s23, $0x2;
	s23 =	smov.u32 s26;
	v1 =	vmov v9;
	v5 =	vld [tilespmem:s27+$0x20];
	[tilespmem:s22+$0x38E0 ss:$0x41] =	vst.msk $0xffff, v6  }
0x5c: {  	v2 =	vmov v7;
	v6 =	vld [tilespmem:s27+$0x30];
	[tilespmem:s22+$0x3CF0 ss:$0x41] =	vst.msk $0xffff, v8;
	s22 =	sadd.s32 s28, s21  }
0x5d: {  	v3 =	vmov v10;
	v9 =	vld [tilespmem:s27+$0x40];
	[tilespmem:s22+$0x2080 ss:$0x41] =	vst.msk $0xffff, v11  }
0x5e: {  	[tilespmem:s22+$0x0 ss:$0x41] =	vst.msk $0xffff, v12;
	v10 =	vld [tilespmem:s27+$0x50]  }
.Ltmp3:
0x5f: {  	[tilespmem:s22+$0x410 ss:$0x41] =	vst.msk $0xffff, v4;
	v8 =	vld [tilespmem:s27+$0x60];
	(pc) =	sbr.rel @p1 .LBB1_3-.Ltmp3, $4  }
0x60: {  	[tilespmem:s22+$0x820 ss:$0x41] =	vst.msk $0xffff, v5;
	v7 =	vld [tilespmem:s27+$0x70]  }
0x61: {  	[tilespmem:s22+$0xC30 ss:$0x41] =	vst.msk $0xffff, v6;
	v4 =	vld.idx.msk [tilespmem:v0+s20+$0x440 ss:$0x1], $0xffff  }
0x62: {  	s24 =	sadd.s32 $0x80, s24;
	s25 =	sadd.s32 $0x100, s25;
	[tilespmem:s22+$0x1040 ss:$0x41] =	vst.msk $0xffff, v9;
	v5 =	vld.idx.msk [tilespmem:v0+s20+$0x450 ss:$0x1], $0xffff  }
0x63: {  	s26 =	sadd.s32 $0x4, s26;
	s28 =	sand.u32 $0x380, s24;
	s27 =	sand.u32 $0x3800, s25;
	[tilespmem:s22+$0x1450 ss:$0x41] =	vst.msk $0xffff, v10;
	v6 =	vld.idx.msk [tilespmem:v0+s20+$0x460 ss:$0x1], $0xffff  }
.Ltmp4:
0x64: {  	_ = 	snop;
	(pc) =	sbr.rel .LBB1_4-.Ltmp4, $1  }
0x65: {  	_ =	sdelay $0x3  }
.LBB1_6:
0x66: {  	_ =	sfence.sel $0x180000  }
0x67: {  	s2 =	simm.s32 $0x1;
	[bflag:$0x0] =	sbarrier.arrive $0xFFFF  }
0x68: {  	s31 =	simm.s32 $0x2;
	[sflag:s2] =	ssyncpa.u1 $0x1  }
0x69: {  	[sflag:s31] =	ssyncpa.u1 $0x1  }
0x6a: {  	p0 =	sne.s32 s0, $0x0;
	_ =	strace $0x90000047  }
0x6b: {  	s0 =	sadd.s32 @!p0 $0x100000, s1;
	[bflag:$0x2] =	sbarrier.arrive $0xFFFF  }
0x6c: {  	[sflag:s0] =	ssyncadd.tile.s32 @!p0 $0x1;
	_ =	shalt  }
.Lfunc_end1:
_tile_overlayer_lowered:
.L_overlay_start_2:
0x6d: {  	(tag) =	ssettag $0x2  }
0x6e: {  	s0 =	rddreg [dreg:$0x0];
	s2 =	stileid.u32  }
0x6f: {  	s1 =	rddreg [dreg:$0x1];
	p0 =	sne.s32 s2, $0x0  }
0x70: {  	s3 =	rddreg [dreg:$0x2];
	[bflag:$0x3] =	sbarrier.arrive $0xFFFF;
	s2 =	simm.s32 @!p0 $0x1C01  }
0x71: {  	[timem:s3], [sflag:s2] =	dma.local @!p0 [hbm:s0], s1  }
0x72: {  	s0 =	simm.s32 @!p0 $0x1  }
0x73: {  	_ =	swait.ge @!p0 [sflag:s0], s1  }
0x74: {  	s1 =	ssub.s32 @!p0 $0x0, s1;
	[sflag:s0] =	ssyncset.done @!p0 $0x0  }
0x75: {  	[sflag:s0] =	ssyncadd.s32 @!p0 s1  }
0x76: {  	[bflag:$0x3] =	sbarrier.arrive $0xFFFF  }
0x77: {  	_ =	shalt  }

// kernel: sparse-core-data-format-call.2.cloned.1.call-start
scs
called_computation.2_lowered:
.L_overlay_start_0:
0x0: {  	s2 =	sld [smem:$0x3FD9]  }
0x1: {  	s3 =	sld [smem:$0x3FFE];
	_ =	sdelay $0x1  }
0x2: {  	s1 =	srdreg.scid  }
0x3: {  	s0 =	sand.u32 $0x1, s1  }
0x4: {  	s18 =	sshll.u32 s0, $0xA;
	s2 =	sadd.s32 s3, s2  }
0x5: {  	s2 =	sadd.s32 s2, s18  }
0x6: {  	[smem:$0x3F80] =	sst s2  }
0x7: {  	_ = 	snop  }
0x8: {  	(tm) =	ssettm $0x1  }
0x9: {  	s19 =	sld [smem:$0x3FFB];
	_ =	sdelay $0x3  }
0xa: {  	_ =	strace s19  }
0xb: {  	s2 =	sld [smem:$0x3FFC];
	_ =	sdelay $0x3  }
0xc: {  	_ =	strace s2  }
0xd: {  	s2 =	sld [smem:$0x3FFD];
	_ =	sdelay $0x3  }
0xe: {  	_ =	strace s2  }
0xf: {  	_ =	strace $0x8FFFFFFF  }
0x10: {  	s20 =	sld [smem:$0x3FDB];
	_ =	sdelay $0x1  }
0x11: {  	s21 =	simm.s32 $_scs_section_size  }
0x12: {  	s4 =	simm.s32 $_size__tile_overlayer_lowered;
	s5 =	simm.s32 $_tile_overlayer_lowered  }
0x13: {  	s6 =	simm.s32 $0x1BFF;
	s22 =	sshll.u32 s5, $0x1;
	s3 =	sadd.s32 s21, s20  }
0x14: {  	s23 =	simm.s32 $0x0;
	s4 =	sshll.u32 s4, $0x1;
	s5 =	sadd.s32 s22, s3  }
0x15: {  	[timem:s23], [sflag:s6] =	dma.local [hbm:s5], s4  }
0x16: {  	_ =	swait.ge [sflag:s6], s4  }
0x17: {  	s4 =	ssub.s32 $0x0, s4;
	[sflag:s6] =	ssyncset.done $0x0  }
0x18: {  	[sflag:s6] =	ssyncadd.s32 s4;
	_ =	sdelay $0x1  }
0x19: {  	s24 =	simm.s32 $0x1B8B  }
0x1a: {  	_ =	swait.ge [sflag:s24], $0x1  }
0x1b: {  	[sflag:s24] =	ssyncset.done $0x0  }
0x1c: {  	[sflag:s24] =	ssyncadd.s32 $0xFFFFFFFF  }
0x1d: {  	s4 =	sld [smem:$0x0]  }
0x1e: {  	s5 =	sand.u32 $0xFFFFFFFE, s1  }
0x1f: {  	p0 =	sne.s32 s1, s5  }
0x20: {  	s5 =	sshll.u32 @p0 s5, $0xE  }
0x21: {  	s5 =	sadd.s32 @p0 $0x11B8D, s5;
	s6 =	sshll.u32 @p0 s4, $0x11  }
0x22: {  	s5 =	sor.u32 @p0 s6, s5  }
0x23: {  	[sflag:s5] =	ssyncadd.remote.s32 @p0 $0x1;
	_ =	sdelay $0x1  }
0x24: {  	s5 =	simm.s32 @p0 $0x1B8D  }
0x25: {  	_ =	swait.eq @p0 [sflag:s5], $0x1  }
0x26: {  	[sflag:s5] =	ssyncadd.s32 @p0 $0xFFFFFFFF  }
0x27: {  	s6 =	sshll.u32 @!p0 s1, $0xE  }
0x28: {  	s6 =	sor.u32 @!p0 $0x4000, s6;
	s5 =	simm.s32 @!p0 $0x1B8D  }
0x29: {  	s4 =	sshll.u32 @!p0 s4, $0x11;
	s6 =	sadd.s32 @!p0 $0x11B8D, s6;
	_ =	swait.eq @!p0 [sflag:s5], $0x1  }
0x2a: {  	s4 =	sor.u32 @!p0 s4, s6;
	[sflag:s5] =	ssyncadd.s32 @!p0 $0xFFFFFFFF  }
0x2b: {  	s26 =	simm.s32 $0x1B8E;
	s25 =	sld [smem:$0x3FFE];
	[sflag:s4] =	ssyncadd.remote.s32 @!p0 $0x1  }
0x2c: {  	s27 =	simm.s32 $execute0_lowered;
	[smem:$0x3FD2] =	sst s26  }
0x2d: {  	s5 =	sshll.u32 s27, $0x1;
	_ =	strace $0x80000049;
	[dreg:$0x1] =	wrdreg $0xFFFFFFFF  }
0x2e: {  	s28 =	simm.s32 $_size_execute0_lowered;
	s3 =	sadd.s32 s3, s5;
	[dreg:$0x0] =	wrdreg $0x0  }
0x2f: {  	s5 =	sshll.u32 s28, $0x1;
	[dreg:$0x2] =	wrdreg s3  }
0x30: {  	[dreg:$0x3] =	wrdreg s5  }
0x31: {  	[dreg:$0x4] =	wrdreg $0xC0  }
0x32: {  	_ =	task [dreg:s23], $0x5FFFF  }
0x33: {  	[dreg:$0x1] =	wrdreg $0xFFFFFFFF  }
0x34: {  	[dreg:$0x0] =	wrdreg $0x60  }
0x35: {  	[dreg:$0x2] =	wrdreg s25  }
0x36: {  	[dreg:$0x3] =	wrdreg $0x9  }
0x37: {  	_ =	task.clear_ibuf [dreg:s23], $0x4FFFF;
	_ =	strace $0x90000049  }
0x38: {  	s29 =	simm.s32 $0x9;
	_ =	strace $0x8000004B  }
0x39: {  	_ =	swait.ge [sflag:s29], $0x1  }
0x3a: {  	[sflag:s29] =	ssyncadd.s32 $0xFFFFFFFF  }
0x3b: {  	_ =	strace $0x9000004B  }
0x3c: {  	_ =	sfence  }
0x3d: {  	s30 =	sld [smem:$0x0];
	_ =	sdelay $0x2  }
0x3e: {  	s31 =	sshll.u32 s1, $0xD;
	s1 =	sshrl.u32 s1, $0x2  }
0x3f: {  	s4 =	sand.u32 $0x4000, s31;
	s1 =	sadd.s32 s1, s30  }
0x40: {  	s0 =	sor.u32 s4, s0;
	s1 =	sshll.u32 s1, $0x11  }
0x41: {  	s0 =	sor.u32 s1, s0  }
0x42: {  	s0 =	sadd.s32 $0x8F2B, s0  }
0x43: {  	[sflag:s0] =	ssyncadd.remote.s32 $0x1  }
0x44: {  	_ =	sfence.sel $0xFFFF  }
0x45: {  	[dreg:$0x0] =	wrdreg $0xFFFFFFFF;
	(pc) =	sbr.abs _section_cstart, $3  }
0x46: {  	[dreg:$0x1] =	wrdreg $0xFFFFFFFF  }
0x47: {  	_ =	task.clear_ibuf [dreg:s23], $0x2FFFF;
	_ =	strace $0x9FFFFFFF  }
0x48: {  	(tm) =	ssettm $0x7FFFFFFF  }
0x49: {  	_ =	shalt  }
tec
execute0_lowered:
.L_overlay_start_1:
0x0: {  	(tag) =	ssettag $0x1  }
0x1: {  	s0 =	stileid.u32;
	s1 =	srdreg.scid  }
0x2: {  	s7 =	rddreg [dreg:$0x0];
	s30 =	simm.s32 $0x2;
	s15 =	simm.s32 $0x0  }
0x3: {  	s11 =	simm.s32 $0x80;
	s16 =	simm.s32 $0x0;
	s17 =	simm.s32 $0x0  }
0x4: {  	s14 =	simm.s32 $0x0;
	s2 =	sshll.u32 s0, $0x6;
	s3 =	sshll.u32 s1, $0xA  }
0x5: {  	s1 =	rddreg [dreg:$0x1];
	s4 =	sshrl.u32 s0, $0x1;
	_ =	strace $0x8000004A  }
0x6: {  	s3 =	sor.u32 s2, s3;
	s2 =	sand.u32 $0x1, s0;
	s4 =	sand.u32 $0x1, s4  }
0x7: {  	s3 =	sand.u32 $0x700, s3;
	s5 =	ssub.s32 $0x2, s2;
	s29 =	ssub.s32 $0x24, s4  }
0x8: {  	s6 =	sshrl.u32 s5, $0x1;
	s5 =	sand.u32 $0x1, s5;
	s8 =	ssub.s32 $0x800, s3  }
0x9: {  	s9 =	sshrl.u32 s29, $0x1;
	s5 =	sadd.s32 s5, s6;
	s6 =	sand.u32 $0x1, s29  }
0xa: {  	s12 =	smov.u32 s4;
	s10 =	sand.u32 $0x700, s8;
	s6 =	sadd.s32 s6, s9  }
0xb: {  	p0 =	sne.s32 s10, $0x0;
	s9 =	simm.s32 $0x1;
	s6 =	smul.u32 s5, s6  }
.Ltmp0:
0xc: {  	s8 =	sshrl.u32 s8, $0xB;
	s9 =	simm.s32 @!p0 $0x0;
	(pc) =	sbr.rel .LBB1_1-.Ltmp0, $4  }
0xd: {  	s13 =	smov.u32 s2;
	s31 =	sadd.s32 s3, s7;
	s8 =	sadd.s32 s9, s8  }
0xe: {  	s7 =	sadd.s32 $0x733A00, s7;
	s5 =	simm.s32 $0x1;
	s6 =	smul.u32 s8, s6  }
0xf: {  	s10 =	simm.s32 $0x40;
	p0 =	por $0x0, $0x0;
	[sflag:s5] =	ssyncpa.u1 $0x0  }
0x10: {  	[sflag:s30] =	ssyncpa.u1 $0x0;
	s8 =	sadd.s32 $0x613A00, s31;
	s9 =	sadd.s32 $0x1, s6  }
.LBB1_4:
0x11: {  	_ = 	snop  }
0x12: {  	[tilespmem:s22+$0x1860 ss:$0x41] =	vst.msk $0xffff, v8  }
0x13: {  	[tilespmem:s22+$0x1C70 ss:$0x41] =	vst.msk $0xffff, v7  }
0x14: {  	[tilespmem:s22+$0x2490 ss:$0x41] =	vst.msk $0xffff, v1  }
0x15: {  	s25 =	sor.u32 s28, s27;
	v47 =	vld.idx.msk [tilespmem:v0+s20+$0x470 ss:$0x1], $0xffff;
	[tilespmem:s22+$0x28A0 ss:$0x41] =	vst.msk $0xffff, v2  }
0x16: {  	[tilespmem:s22+$0x2CB0 ss:$0x41] =	vst.msk $0xffff, v3;
	v57 =	vld.idx.msk [tilespmem:v0+s25+$0x410 ss:$0x1], $0xffff  }
0x17: {  	[tilespmem:s22+$0x30C0 ss:$0x41] =	vst.msk $0xffff, v4;
	v58 =	vld.idx.msk [tilespmem:v0+s25+$0x420 ss:$0x1], $0xffff  }
0x18: {  	[tilespmem:s22+$0x34D0 ss:$0x41] =	vst.msk $0xffff, v5;
	v59 =	vld.idx.msk [tilespmem:v0+s25+$0x430 ss:$0x1], $0xffff  }
0x19: {  	s31 =	sshra.s32 s23, $0x2;
	[tilespmem:s22+$0x38E0 ss:$0x41] =	vst.msk $0xffff, v6;
	v60 =	vld.idx.msk [tilespmem:v0+s25+$0x440 ss:$0x1], $0xffff  }
0x1a: {  	s26 =	sand.u32 $0x3B00, s25;
	s20 =	sadd.s32 s31, s21;
	v61 =	vld.idx.msk [tilespmem:v0+s25+$0x450 ss:$0x1], $0xffff;
	[tilespmem:s22+$0x3CF0 ss:$0x41] =	vst.msk $0xffff, v47  }
0x1b: {  	s24 =	sand.u32 $0x80, s24;
	v62 =	vld.idx.msk [tilespmem:v0+s25+$0x460 ss:$0x1], $0xffff;
	s19 =	sadd.s32 s26, s19;
	[tilespmem:s20+$0x2490 ss:$0x41] =	vst.msk $0xffff, v57  }
0x1c: {  	v63 =	vld.idx.msk [tilespmem:v0+s25+$0x470 ss:$0x1], $0xffff;
	s19 =	sadd.s32 s24, s19;
	[tilespmem:s20+$0x28A0 ss:$0x41] =	vst.msk $0xffff, v58  }
0x1d: {  	v48 =	vld [tilespmem:s19+$0x400];
	[tilespmem:s20+$0x2CB0 ss:$0x41] =	vst.msk $0xffff, v59  }
0x1e: {  	v49 =	vld [tilespmem:s19+$0x0];
	[tilespmem:s20+$0x30C0 ss:$0x41] =	vst.msk $0xffff, v60  }
0x1f: {  	v50 =	vld [tilespmem:s19+$0x10];
	[tilespmem:s20+$0x34D0 ss:$0x41] =	vst.msk $0xffff, v61  }
0x20: {  	v51 =	vld [tilespmem:s19+$0x20];
	[tilespmem:s20+$0x38E0 ss:$0x41] =	vst.msk $0xffff, v62  }
0x21: {  	v52 =	vld [tilespmem:s19+$0x30];
	[tilespmem:s20+$0x3CF0 ss:$0x41] =	vst.msk $0xffff, v63  }
0x22: {  	v53 =	vld [tilespmem:s19+$0x40];
	[tilespmem:s20+$0x2080 ss:$0x41] =	vst.msk $0xffff, v48  }
0x23: {  	v54 =	vld [tilespmem:s19+$0x50];
	[tilespmem:s20+$0x0 ss:$0x41] =	vst.msk $0xffff, v49  }
0x24: {  	v55 =	vld [tilespmem:s19+$0x60];
	[tilespmem:s20+$0x410 ss:$0x41] =	vst.msk $0xffff, v50  }
0x25: {  	v56 =	vld [tilespmem:s19+$0x70];
	[tilespmem:s20+$0x820 ss:$0x41] =	vst.msk $0xffff, v51  }
0x26: {  	s17 =	smul.u32 $0x120000, s17;
	[tilespmem:s20+$0xC30 ss:$0x41] =	vst.msk $0xffff, v52  }
0x27: {  	[tilespmem:s20+$0x1040 ss:$0x41] =	vst.msk $0xffff, v53  }
0x28: {  	s16 =	sshll.u32 s16, $0xF;
	s17 =	sadd.s32 s7, s17;
	[tilespmem:s20+$0x1450 ss:$0x41] =	vst.msk $0xffff, v54  }
0x29: {  	s15 =	sshll.u32 s15, $0x4;
	s16 =	sadd.s32 s16, s17;
	[tilespmem:s20+$0x1860 ss:$0x41] =	vst.msk $0xffff, v55  }
0x2a: {  	s15 =	sadd.s32 s15, s16;
	[tilespmem:s20+$0x1C70 ss:$0x41] =	vst.msk $0xffff, v56  }
0x2b: {  	[hbm4b:s15+s10] =	stream.strided.scatter [tilespmem:s18], [sflag:$0x2], $0x4000, s11, s10, $0x18;
	[tilespmem:$0x10200] =	vst v63  }
.LBB1_5:
0x2c: {  	s18 =	sadd.s32 $0x2, s12  }
0x2d: {  	s16 =	sadd.s32 $0x2, s13;
	s19 =	smov.u32 s13;
	p2 =	sgt.s32 s18, $0x23  }
0x2e: {  	s19 =	smov.u32 @p2 s16  }
0x2f: {  	s18 =	smov.u32 @p2 s4;
	p2 =	sgt.s32 s19, $0x1  }
0x30: {  	s19 =	smov.u32 @p2 s2;
	p2 =	sne.s32 s14, s9  }
.Ltmp1:
0x31: {  	p1 =	slt.u32 s14, $0x2;
	(pc) =	sbr.rel @!p2 .LBB1_6-.Ltmp1, $4  }
0x32: {  	s17 =	smov.u32 s13;
	s15 =	simm.s32 @!p1 $0x2  }
0x33: {  	p0 =	por !p0, !p0;
	_ =	swait.ge @!p1 [sflag:s15], $0x4000;
	s16 =	smov.u32 s12  }
0x34: {  	[sflag:s15] =	ssyncset.done @!p1 $0x0;
	s12 =	smov.u32 s18;
	s14 =	sadd.s32 $0x1, s14  }
0x35: {  	[sflag:s15] =	ssyncadd.s32 @!p1 $0xFFFFC000;
	s15 =	smov.u32 s3;
	s13 =	smov.u32 s19  }
.LBB1_1:
0x36: {  	p1 =	sge.u32 s14, s6  }
0x37: {  	s19 =	smul.u32 @!p1 $0x90000, s13  }
0x38: {  	s31 =	sadd.s32 $0xFFFFFFFF, s14;
	s18 =	sxor.u32 @!p1 $0xFFFFFFFF, s14;
	s20 =	sshll.u32 @!p1 s12, $0xE  }
0x39: {  	s21 =	simm.s32 @!p1 $0x4000;
	s18 =	sshll.u32 @!p1 s18, $0xE;
	s19 =	sadd.s32 @!p1 s19, s8  }
0x3a: {  	s18 =	sand.u32 @!p1 $0x4000, s18;
	s19 =	sadd.s32 @!p1 s20, s19;
	s20 =	simm.s32 @!p1 $0x800  }
0x3b: {  	[tilespmem:s18], [sflag:$0x1] =	stream.strided.gather @!p1 [hbm4b:s19+s20], $0x4000, s21, s20, $0x38;
	[tilespmem:$0x10200] =	vst v63  }
0x3c: {  	p1 =	sge.u32 s31, s6  }
.Ltmp2:
0x3d: {  	_ = 	snop;
	(pc) =	sbr.rel @p1 .LBB1_5-.Ltmp2, $1  }
0x3e: {  	_ =	sdelay $0x3  }
0x3f: {  	s21 =	simm.s32 $0x0  }
0x40: {  	s20 =	sand.u32 $0x3800, s21;
	s22 =	sand.u32 $0x380, s21  }
0x41: {  	s18 =	sand.u32 $0x1, s14;
	s20 =	sor.u32 s22, s20  }
0x42: {  	_ =	swait.ge [sflag:s5], $0x4000;
	s19 =	sshll.u32 s18, $0xE;
	s22 =	sand.u32 $0x3B00, s20  }
0x43: {  	[sflag:s5] =	ssyncset.done $0x0;
	s21 =	sand.u32 $0x80, s21;
	s22 =	sadd.s32 s22, s19  }
0x44: {  	[sflag:s5] =	ssyncadd.s32 $0xFFFFC000;
	s24 =	sadd.s32 s21, s22  }
0x45: {  	v4 =	vld [tilespmem:s24+$0x400]  }
0x46: {  	s23 =	simm.s32 $0x1;
	v5 =	vld [tilespmem:s24+$0x0]  }
0x47: {  	s23 =	simm.s32 @!p0 $0x0;
	v6 =	vld [tilespmem:s24+$0x10]  }
0x48: {  	v0 =	vmov s19;
	s31 =	smul.u32 $0x10400, s23;
	v7 =	vld [tilespmem:s24+$0x20]  }
0x49: {  	v9 =	vld [tilespmem:s24+$0x30]  }
0x4a: {  	s21 =	sshrl.u32 s31, $0x2;
	v10 =	vld [tilespmem:s24+$0x40]  }
0x4b: {  	s21 =	sor.u32 $0x8000, s21;
	v11 =	vld [tilespmem:s24+$0x50]  }
0x4c: {  	v8 =	vld [tilespmem:s24+$0x60];
	s22 =	sadd.s32 $0x0, s21  }
0x4d: {  	v1 =	vld.idx.msk [tilespmem:v0+s20+$0x410 ss:$0x1], $0xffff;
	[tilespmem:s22+$0x2080 ss:$0x41] =	vst.msk $0xffff, v4  }
0x4e: {  	v2 =	vld.idx.msk [tilespmem:v0+s20+$0x420 ss:$0x1], $0xffff;
	[tilespmem:s22+$0x0 ss:$0x41] =	vst.msk $0xffff, v5  }
0x4f: {  	v3 =	vld.idx.msk [tilespmem:v0+s20+$0x430 ss:$0x1], $0xffff;
	[tilespmem:s22+$0x410 ss:$0x41] =	vst.msk $0xffff, v6  }
0x50: {  	s18 =	smul.u32 $0x10400, s18;
	[tilespmem:s22+$0x820 ss:$0x41] =	vst.msk $0xffff, v7;
	v7 =	vld [tilespmem:s24+$0x70]  }
0x51: {  	s25 =	simm.s32 $0x100;
	s26 =	simm.s32 $0x8;
	[tilespmem:s22+$0xC30 ss:$0x41] =	vst.msk $0xffff, v9;
	v4 =	vld.idx.msk [tilespmem:v0+s20+$0x440 ss:$0x1], $0xffff  }
0x52: {  	s27 =	sand.u32 $0x3800, s25;
	s18 =	sshrl.u32 s18, $0x2;
	[tilespmem:s22+$0x1040 ss:$0x41] =	vst.msk $0xffff, v10;
	v5 =	vld.idx.msk [tilespmem:v0+s20+$0x450 ss:$0x1], $0xffff;
	s24 =	simm.s32 $0x80  }
0x53: {  	s23 =	simm.s32 $0x4;
	s18 =	sor.u32 $0x8000, s18;
	[tilespmem:s22+$0x1450 ss:$0x41] =	vst.msk $0xffff, v11;
	v6 =	vld.idx.msk [tilespmem:v0+s20+$0x460 ss:$0x1], $0xffff;
	s28 =	sand.u32 $0x380, s24  }
.LBB1_3:
0x54: {  	p1 =	sne.s32 s26, $0xFC;
	[tilespmem:s22+$0x1860 ss:$0x41] =	vst.msk $0xffff, v8;
	v8 =	vld.idx.msk [tilespmem:v0+s20+$0x470 ss:$0x1], $0xffff;
	s20 =	sor.u32 s28, s27  }
0x55: {  	s27 =	sand.u32 $0x3B00, s20;
	v9 =	vld.idx.msk [tilespmem:v0+s20+$0x410 ss:$0x1], $0xffff;
	[tilespmem:s22+$0x1C70 ss:$0x41] =	vst.msk $0xffff, v7  }
0x56: {  	s28 =	sand.u32 $0x80, s24;
	s27 =	sadd.s32 s27, s19;
	v7 =	vld.idx.msk [tilespmem:v0+s20+$0x420 ss:$0x1], $0xffff;
	[tilespmem:s22+$0x2490 ss:$0x41] =	vst.msk $0xffff, v1  }
0x57: {  	s27 =	sadd.s32 s28, s27;
	v10 =	vld.idx.msk [tilespmem:v0+s20+$0x430 ss:$0x1], $0xffff;
	[tilespmem:s22+$0x28A0 ss:$0x41] =	vst.msk $0xffff, v2  }
0x58: {  	v11 =	vld [tilespmem:s27+$0x400];
	[tilespmem:s22+$0x2CB0 ss:$0x41] =	vst.msk $0xffff, v3  }
0x59: {  	v12 =	vld [tilespmem:s27+$0x0];
	[tilespmem:s22+$0x30C0 ss:$0x41] =	vst.msk $0xffff, v4  }
0x5a: {  	v4 =	vld [tilespmem:s27+$0x10];
	[tilespmem:s22+$0x34D0 ss:$0x41] =	vst.msk $0xffff, v5  }
0x5b: {  	s28 =	sshra.s32 s23, $0x2;
	s23 =	smov.u32 s26;
	v1 =	vmov v9;
	v5 =	vld [tilespmem:s27+$0x20];
	[tilespmem:s22+$0x38E0 ss:$0x41] =	vst.msk $0xffff, v6  }
0x5c: {  	v2 =	vmov v7;
	v6 =	vld [tilespmem:s27+$0x30];
	[tilespmem:s22+$0x3CF0 ss:$0x41] =	vst.msk $0xffff, v8;
	s22 =	sadd.s32 s28, s21  }
0x5d: {  	v3 =	vmov v10;
	v9 =	vld [tilespmem:s27+$0x40];
	[tilespmem:s22+$0x2080 ss:$0x41] =	vst.msk $0xffff, v11  }
0x5e: {  	[tilespmem:s22+$0x0 ss:$0x41] =	vst.msk $0xffff, v12;
	v10 =	vld [tilespmem:s27+$0x50]  }
.Ltmp3:
0x5f: {  	[tilespmem:s22+$0x410 ss:$0x41] =	vst.msk $0xffff, v4;
	v8 =	vld [tilespmem:s27+$0x60];
	(pc) =	sbr.rel @p1 .LBB1_3-.Ltmp3, $4  }
0x60: {  	[tilespmem:s22+$0x820 ss:$0x41] =	vst.msk $0xffff, v5;
	v7 =	vld [tilespmem:s27+$0x70]  }
0x61: {  	[tilespmem:s22+$0xC30 ss:$0x41] =	vst.msk $0xffff, v6;
	v4 =	vld.idx.msk [tilespmem:v0+s20+$0x440 ss:$0x1], $0xffff  }
0x62: {  	s24 =	sadd.s32 $0x80, s24;
	s25 =	sadd.s32 $0x100, s25;
	[tilespmem:s22+$0x1040 ss:$0x41] =	vst.msk $0xffff, v9;
	v5 =	vld.idx.msk [tilespmem:v0+s20+$0x450 ss:$0x1], $0xffff  }
0x63: {  	s26 =	sadd.s32 $0x4, s26;
	s28 =	sand.u32 $0x380, s24;
	s27 =	sand.u32 $0x3800, s25;
	[tilespmem:s22+$0x1450 ss:$0x41] =	vst.msk $0xffff, v10;
	v6 =	vld.idx.msk [tilespmem:v0+s20+$0x460 ss:$0x1], $0xffff  }
.Ltmp4:
0x64: {  	_ = 	snop;
	(pc) =	sbr.rel .LBB1_4-.Ltmp4, $1  }
0x65: {  	_ =	sdelay $0x3  }
.LBB1_6:
0x66: {  	_ =	sfence.sel $0x180000  }
0x67: {  	s2 =	simm.s32 $0x1;
	[bflag:$0x0] =	sbarrier.arrive $0xFFFF  }
0x68: {  	s31 =	simm.s32 $0x2;
	[sflag:s2] =	ssyncpa.u1 $0x1  }
0x69: {  	[sflag:s31] =	ssyncpa.u1 $0x1  }
0x6a: {  	p0 =	sne.s32 s0, $0x0;
	_ =	strace $0x9000004A  }
0x6b: {  	s0 =	sadd.s32 @!p0 $0x100000, s1;
	[bflag:$0x2] =	sbarrier.arrive $0xFFFF  }
0x6c: {  	[sflag:s0] =	ssyncadd.tile.s32 @!p0 $0x1;
	_ =	shalt  }
.Lfunc_end1:
_tile_overlayer_lowered:
.L_overlay_start_2:
0x6d: {  	(tag) =	ssettag $0x2  }
0x6e: {  	s0 =	rddreg [dreg:$0x0];
	s2 =	stileid.u32  }
0x6f: {  	s1 =	rddreg [dreg:$0x1];
	p0 =	sne.s32 s2, $0x0  }
0x70: {  	s3 =	rddreg [dreg:$0x2];
	[bflag:$0x3] =	sbarrier.arrive $0xFFFF;
	s2 =	simm.s32 @!p0 $0x1C01  }
0x71: {  	[timem:s3], [sflag:s2] =	dma.local @!p0 [hbm:s0], s1  }
0x72: {  	s0 =	simm.s32 @!p0 $0x1  }
0x73: {  	_ =	swait.ge @!p0 [sflag:s0], s1  }
0x74: {  	s1 =	ssub.s32 @!p0 $0x0, s1;
	[sflag:s0] =	ssyncset.done @!p0 $0x0  }
0x75: {  	[sflag:s0] =	ssyncadd.s32 @!p0 s1  }
0x76: {  	[bflag:$0x3] =	sbarrier.arrive $0xFFFF  }
0x77: {  	_ =	shalt  }

// kernel: sparse-core-data-format-call.cloned.1.call-start
scs
called_computation_lowered:
.L_overlay_start_0:
0x0: {  	s2 =	sld [smem:$0x3FD9]  }
0x1: {  	s3 =	sld [smem:$0x3FFE];
	_ =	sdelay $0x1  }
0x2: {  	s1 =	srdreg.scid  }
0x3: {  	s0 =	sand.u32 $0x1, s1  }
0x4: {  	s18 =	sshll.u32 s0, $0xA;
	s2 =	sadd.s32 s3, s2  }
0x5: {  	s2 =	sadd.s32 s2, s18  }
0x6: {  	[smem:$0x3F80] =	sst s2  }
0x7: {  	_ = 	snop  }
0x8: {  	(tm) =	ssettm $0x1  }
0x9: {  	s19 =	sld [smem:$0x3FFB];
	_ =	sdelay $0x3  }
0xa: {  	_ =	strace s19  }
0xb: {  	s2 =	sld [smem:$0x3FFC];
	_ =	sdelay $0x3  }
0xc: {  	_ =	strace s2  }
0xd: {  	s2 =	sld [smem:$0x3FFD];
	_ =	sdelay $0x3  }
0xe: {  	_ =	strace s2  }
0xf: {  	_ =	strace $0x8FFFFFFF  }
0x10: {  	s20 =	sld [smem:$0x3FDB];
	_ =	sdelay $0x1  }
0x11: {  	s21 =	simm.s32 $_scs_section_size  }
0x12: {  	s4 =	simm.s32 $_size__tile_overlayer_lowered;
	s5 =	simm.s32 $_tile_overlayer_lowered  }
0x13: {  	s6 =	simm.s32 $0x1BFF;
	s22 =	sshll.u32 s5, $0x1;
	s3 =	sadd.s32 s21, s20  }
0x14: {  	s23 =	simm.s32 $0x0;
	s4 =	sshll.u32 s4, $0x1;
	s5 =	sadd.s32 s22, s3  }
0x15: {  	[timem:s23], [sflag:s6] =	dma.local [hbm:s5], s4  }
0x16: {  	_ =	swait.ge [sflag:s6], s4  }
0x17: {  	s4 =	ssub.s32 $0x0, s4;
	[sflag:s6] =	ssyncset.done $0x0  }
0x18: {  	[sflag:s6] =	ssyncadd.s32 s4;
	_ =	sdelay $0x1  }
0x19: {  	s24 =	simm.s32 $0x1B8B  }
0x1a: {  	_ =	swait.ge [sflag:s24], $0x1  }
0x1b: {  	[sflag:s24] =	ssyncset.done $0x0  }
0x1c: {  	[sflag:s24] =	ssyncadd.s32 $0xFFFFFFFF  }
0x1d: {  	s4 =	sld [smem:$0x0]  }
0x1e: {  	s5 =	sand.u32 $0xFFFFFFFE, s1  }
0x1f: {  	p0 =	sne.s32 s1, s5  }
0x20: {  	s5 =	sshll.u32 @p0 s5, $0xE  }
0x21: {  	s5 =	sadd.s32 @p0 $0x11B8D, s5;
	s6 =	sshll.u32 @p0 s4, $0x11  }
0x22: {  	s5 =	sor.u32 @p0 s6, s5  }
0x23: {  	[sflag:s5] =	ssyncadd.remote.s32 @p0 $0x1;
	_ =	sdelay $0x1  }
0x24: {  	s5 =	simm.s32 @p0 $0x1B8D  }
0x25: {  	_ =	swait.eq @p0 [sflag:s5], $0x1  }
0x26: {  	[sflag:s5] =	ssyncadd.s32 @p0 $0xFFFFFFFF  }
0x27: {  	s6 =	sshll.u32 @!p0 s1, $0xE  }
0x28: {  	s6 =	sor.u32 @!p0 $0x4000, s6;
	s5 =	simm.s32 @!p0 $0x1B8D  }
0x29: {  	s4 =	sshll.u32 @!p0 s4, $0x11;
	s6 =	sadd.s32 @!p0 $0x11B8D, s6;
	_ =	swait.eq @!p0 [sflag:s5], $0x1  }
0x2a: {  	s4 =	sor.u32 @!p0 s4, s6;
	[sflag:s5] =	ssyncadd.s32 @!p0 $0xFFFFFFFF  }
0x2b: {  	s26 =	simm.s32 $0x1B8E;
	s25 =	sld [smem:$0x3FFE];
	[sflag:s4] =	ssyncadd.remote.s32 @!p0 $0x1  }
0x2c: {  	s27 =	simm.s32 $execute0_lowered;
	[smem:$0x3FD2] =	sst s26  }
0x2d: {  	s5 =	sshll.u32 s27, $0x1;
	_ =	strace $0x8000004C;
	[dreg:$0x1] =	wrdreg $0xFFFFFFFF  }
0x2e: {  	s28 =	simm.s32 $_size_execute0_lowered;
	s3 =	sadd.s32 s3, s5;
	[dreg:$0x0] =	wrdreg $0x0  }
0x2f: {  	s5 =	sshll.u32 s28, $0x1;
	[dreg:$0x2] =	wrdreg s3  }
0x30: {  	[dreg:$0x3] =	wrdreg s5  }
0x31: {  	[dreg:$0x4] =	wrdreg $0xC0  }
0x32: {  	_ =	task [dreg:s23], $0x5FFFF  }
0x33: {  	[dreg:$0x1] =	wrdreg $0xFFFFFFFF  }
0x34: {  	[dreg:$0x0] =	wrdreg $0x60  }
0x35: {  	[dreg:$0x2] =	wrdreg s25  }
0x36: {  	[dreg:$0x3] =	wrdreg $0xA  }
0x37: {  	_ =	task.clear_ibuf [dreg:s23], $0x4FFFF;
	_ =	strace $0x9000004C  }
0x38: {  	s29 =	simm.s32 $0xA;
	_ =	strace $0x8000004E  }
0x39: {  	_ =	swait.ge [sflag:s29], $0x1  }
0x3a: {  	[sflag:s29] =	ssyncadd.s32 $0xFFFFFFFF  }
0x3b: {  	_ =	strace $0x9000004E  }
0x3c: {  	_ =	sfence  }
0x3d: {  	s30 =	sld [smem:$0x0];
	_ =	sdelay $0x2  }
0x3e: {  	s31 =	sshll.u32 s1, $0xD;
	s1 =	sshrl.u32 s1, $0x2  }
0x3f: {  	s4 =	sand.u32 $0x4000, s31;
	s1 =	sadd.s32 s1, s30  }
0x40: {  	s0 =	sor.u32 s4, s0;
	s1 =	sshll.u32 s1, $0x11  }
0x41: {  	s0 =	sor.u32 s1, s0  }
0x42: {  	s0 =	sadd.s32 $0x8F2B, s0  }
0x43: {  	[sflag:s0] =	ssyncadd.remote.s32 $0x1  }
0x44: {  	_ =	sfence.sel $0xFFFF  }
0x45: {  	[dreg:$0x0] =	wrdreg $0xFFFFFFFF;
	(pc) =	sbr.abs _section_cstart, $3  }
0x46: {  	[dreg:$0x1] =	wrdreg $0xFFFFFFFF  }
0x47: {  	_ =	task.clear_ibuf [dreg:s23], $0x2FFFF;
	_ =	strace $0x9FFFFFFF  }
0x48: {  	(tm) =	ssettm $0x7FFFFFFF  }
0x49: {  	_ =	shalt  }
tec
execute0_lowered:
.L_overlay_start_1:
0x0: {  	(tag) =	ssettag $0x1  }
0x1: {  	s0 =	stileid.u32;
	s1 =	srdreg.scid  }
0x2: {  	s7 =	rddreg [dreg:$0x0];
	s30 =	simm.s32 $0x2;
	s15 =	simm.s32 $0x0  }
0x3: {  	s11 =	simm.s32 $0x80;
	s16 =	simm.s32 $0x0;
	s17 =	simm.s32 $0x0  }
0x4: {  	s14 =	simm.s32 $0x0;
	s2 =	sshll.u32 s0, $0x6;
	s3 =	sshll.u32 s1, $0xA  }
0x5: {  	s1 =	rddreg [dreg:$0x1];
	s4 =	sshrl.u32 s0, $0x1;
	_ =	strace $0x8000004D  }
0x6: {  	s3 =	sor.u32 s2, s3;
	s2 =	sand.u32 $0x1, s0;
	s4 =	sand.u32 $0x1, s4  }
0x7: {  	s3 =	sand.u32 $0x700, s3;
	s5 =	ssub.s32 $0x2, s2;
	s29 =	ssub.s32 $0x24, s4  }
0x8: {  	s6 =	sshrl.u32 s5, $0x1;
	s5 =	sand.u32 $0x1, s5;
	s8 =	ssub.s32 $0x800, s3  }
0x9: {  	s9 =	sshrl.u32 s29, $0x1;
	s5 =	sadd.s32 s5, s6;
	s6 =	sand.u32 $0x1, s29  }
0xa: {  	s12 =	smov.u32 s4;
	s10 =	sand.u32 $0x700, s8;
	s6 =	sadd.s32 s6, s9  }
0xb: {  	p0 =	sne.s32 s10, $0x0;
	s9 =	simm.s32 $0x1;
	s6 =	smul.u32 s5, s6  }
.Ltmp0:
0xc: {  	s8 =	sshrl.u32 s8, $0xB;
	s9 =	simm.s32 @!p0 $0x0;
	(pc) =	sbr.rel .LBB1_1-.Ltmp0, $4  }
0xd: {  	s13 =	smov.u32 s2;
	s31 =	sadd.s32 s3, s7;
	s8 =	sadd.s32 s9, s8  }
0xe: {  	s7 =	sadd.s32 $0x379600, s7;
	s5 =	simm.s32 $0x1;
	s6 =	smul.u32 s8, s6  }
0xf: {  	s10 =	simm.s32 $0x40;
	p0 =	por $0x0, $0x0;
	[sflag:s5] =	ssyncpa.u1 $0x0  }
0x10: {  	[sflag:s30] =	ssyncpa.u1 $0x0;
	s8 =	sadd.s32 $0x259600, s31;
	s9 =	sadd.s32 $0x1, s6  }
.LBB1_4:
0x11: {  	_ = 	snop  }
0x12: {  	[tilespmem:s22+$0x1860 ss:$0x41] =	vst.msk $0xffff, v8  }
0x13: {  	[tilespmem:s22+$0x1C70 ss:$0x41] =	vst.msk $0xffff, v7  }
0x14: {  	[tilespmem:s22+$0x2490 ss:$0x41] =	vst.msk $0xffff, v1  }
0x15: {  	s25 =	sor.u32 s28, s27;
	v47 =	vld.idx.msk [tilespmem:v0+s20+$0x470 ss:$0x1], $0xffff;
	[tilespmem:s22+$0x28A0 ss:$0x41] =	vst.msk $0xffff, v2  }
0x16: {  	[tilespmem:s22+$0x2CB0 ss:$0x41] =	vst.msk $0xffff, v3;
	v57 =	vld.idx.msk [tilespmem:v0+s25+$0x410 ss:$0x1], $0xffff  }
0x17: {  	[tilespmem:s22+$0x30C0 ss:$0x41] =	vst.msk $0xffff, v4;
	v58 =	vld.idx.msk [tilespmem:v0+s25+$0x420 ss:$0x1], $0xffff  }
0x18: {  	[tilespmem:s22+$0x34D0 ss:$0x41] =	vst.msk $0xffff, v5;
	v59 =	vld.idx.msk [tilespmem:v0+s25+$0x430 ss:$0x1], $0xffff  }
0x19: {  	s31 =	sshra.s32 s23, $0x2;
	[tilespmem:s22+$0x38E0 ss:$0x41] =	vst.msk $0xffff, v6;
	v60 =	vld.idx.msk [tilespmem:v0+s25+$0x440 ss:$0x1], $0xffff  }
0x1a: {  	s26 =	sand.u32 $0x3B00, s25;
	s20 =	sadd.s32 s31, s21;
	v61 =	vld.idx.msk [tilespmem:v0+s25+$0x450 ss:$0x1], $0xffff;
	[tilespmem:s22+$0x3CF0 ss:$0x41] =	vst.msk $0xffff, v47  }
0x1b: {  	s24 =	sand.u32 $0x80, s24;
	v62 =	vld.idx.msk [tilespmem:v0+s25+$0x460 ss:$0x1], $0xffff;
	s19 =	sadd.s32 s26, s19;
	[tilespmem:s20+$0x2490 ss:$0x41] =	vst.msk $0xffff, v57  }
0x1c: {  	v63 =	vld.idx.msk [tilespmem:v0+s25+$0x470 ss:$0x1], $0xffff;
	s19 =	sadd.s32 s24, s19;
	[tilespmem:s20+$0x28A0 ss:$0x41] =	vst.msk $0xffff, v58  }
0x1d: {  	v48 =	vld [tilespmem:s19+$0x400];
	[tilespmem:s20+$0x2CB0 ss:$0x41] =	vst.msk $0xffff, v59  }
0x1e: {  	v49 =	vld [tilespmem:s19+$0x0];
	[tilespmem:s20+$0x30C0 ss:$0x41] =	vst.msk $0xffff, v60  }
0x1f: {  	v50 =	vld [tilespmem:s19+$0x10];
	[tilespmem:s20+$0x34D0 ss:$0x41] =	vst.msk $0xffff, v61  }
0x20: {  	v51 =	vld [tilespmem:s19+$0x20];
	[tilespmem:s20+$0x38E0 ss:$0x41] =	vst.msk $0xffff, v62  }
0x21: {  	v52 =	vld [tilespmem:s19+$0x30];
	[tilespmem:s20+$0x3CF0 ss:$0x41] =	vst.msk $0xffff, v63  }
0x22: {  	v53 =	vld [tilespmem:s19+$0x40];
	[tilespmem:s20+$0x2080 ss:$0x41] =	vst.msk $0xffff, v48  }
0x23: {  	v54 =	vld [tilespmem:s19+$0x50];
	[tilespmem:s20+$0x0 ss:$0x41] =	vst.msk $0xffff, v49  }
0x24: {  	v55 =	vld [tilespmem:s19+$0x60];
	[tilespmem:s20+$0x410 ss:$0x41] =	vst.msk $0xffff, v50  }
0x25: {  	v56 =	vld [tilespmem:s19+$0x70];
	[tilespmem:s20+$0x820 ss:$0x41] =	vst.msk $0xffff, v51  }
0x26: {  	s17 =	smul.u32 $0x120000, s17;
	[tilespmem:s20+$0xC30 ss:$0x41] =	vst.msk $0xffff, v52  }
0x27: {  	[tilespmem:s20+$0x1040 ss:$0x41] =	vst.msk $0xffff, v53  }
0x28: {  	s16 =	sshll.u32 s16, $0xF;
	s17 =	sadd.s32 s7, s17;
	[tilespmem:s20+$0x1450 ss:$0x41] =	vst.msk $0xffff, v54  }
0x29: {  	s15 =	sshll.u32 s15, $0x4;
	s16 =	sadd.s32 s16, s17;
	[tilespmem:s20+$0x1860 ss:$0x41] =	vst.msk $0xffff, v55  }
0x2a: {  	s15 =	sadd.s32 s15, s16;
	[tilespmem:s20+$0x1C70 ss:$0x41] =	vst.msk $0xffff, v56  }
0x2b: {  	[hbm4b:s15+s10] =	stream.strided.scatter [tilespmem:s18], [sflag:$0x2], $0x4000, s11, s10, $0x18;
	[tilespmem:$0x10200] =	vst v63  }
.LBB1_5:
0x2c: {  	s18 =	sadd.s32 $0x2, s12  }
0x2d: {  	s16 =	sadd.s32 $0x2, s13;
	s19 =	smov.u32 s13;
	p2 =	sgt.s32 s18, $0x23  }
0x2e: {  	s19 =	smov.u32 @p2 s16  }
0x2f: {  	s18 =	smov.u32 @p2 s4;
	p2 =	sgt.s32 s19, $0x1  }
0x30: {  	s19 =	smov.u32 @p2 s2;
	p2 =	sne.s32 s14, s9  }
.Ltmp1:
0x31: {  	p1 =	slt.u32 s14, $0x2;
	(pc) =	sbr.rel @!p2 .LBB1_6-.Ltmp1, $4  }
0x32: {  	s17 =	smov.u32 s13;
	s15 =	simm.s32 @!p1 $0x2  }
0x33: {  	p0 =	por !p0, !p0;
	_ =	swait.ge @!p1 [sflag:s15], $0x4000;
	s16 =	smov.u32 s12  }
0x34: {  	[sflag:s15] =	ssyncset.done @!p1 $0x0;
	s12 =	smov.u32 s18;
	s14 =	sadd.s32 $0x1, s14  }
0x35: {  	[sflag:s15] =	ssyncadd.s32 @!p1 $0xFFFFC000;
	s15 =	smov.u32 s3;
	s13 =	smov.u32 s19  }
.LBB1_1:
0x36: {  	p1 =	sge.u32 s14, s6  }
0x37: {  	s19 =	smul.u32 @!p1 $0x90000, s13  }
0x38: {  	s31 =	sadd.s32 $0xFFFFFFFF, s14;
	s18 =	sxor.u32 @!p1 $0xFFFFFFFF, s14;
	s20 =	sshll.u32 @!p1 s12, $0xE  }
0x39: {  	s21 =	simm.s32 @!p1 $0x4000;
	s18 =	sshll.u32 @!p1 s18, $0xE;
	s19 =	sadd.s32 @!p1 s19, s8  }
0x3a: {  	s18 =	sand.u32 @!p1 $0x4000, s18;
	s19 =	sadd.s32 @!p1 s20, s19;
	s20 =	simm.s32 @!p1 $0x800  }
0x3b: {  	[tilespmem:s18], [sflag:$0x1] =	stream.strided.gather @!p1 [hbm4b:s19+s20], $0x4000, s21, s20, $0x38;
	[tilespmem:$0x10200] =	vst v63  }
0x3c: {  	p1 =	sge.u32 s31, s6  }
.Ltmp2:
0x3d: {  	_ = 	snop;
	(pc) =	sbr.rel @p1 .LBB1_5-.Ltmp2, $1  }
0x3e: {  	_ =	sdelay $0x3  }
0x3f: {  	s21 =	simm.s32 $0x0  }
0x40: {  	s20 =	sand.u32 $0x3800, s21;
	s22 =	sand.u32 $0x380, s21  }
0x41: {  	s18 =	sand.u32 $0x1, s14;
	s20 =	sor.u32 s22, s20  }
0x42: {  	_ =	swait.ge [sflag:s5], $0x4000;
	s19 =	sshll.u32 s18, $0xE;
	s22 =	sand.u32 $0x3B00, s20  }
0x43: {  	[sflag:s5] =	ssyncset.done $0x0;
	s21 =	sand.u32 $0x80, s21;
	s22 =	sadd.s32 s22, s19  }
0x44: {  	[sflag:s5] =	ssyncadd.s32 $0xFFFFC000;
	s24 =	sadd.s32 s21, s22  }
0x45: {  	v4 =	vld [tilespmem:s24+$0x400]  }
0x46: {  	s23 =	simm.s32 $0x1;
	v5 =	vld [tilespmem:s24+$0x0]  }
0x47: {  	s23 =	simm.s32 @!p0 $0x0;
	v6 =	vld [tilespmem:s24+$0x10]  }
0x48: {  	v0 =	vmov s19;
	s31 =	smul.u32 $0x10400, s23;
	v7 =	vld [tilespmem:s24+$0x20]  }
0x49: {  	v9 =	vld [tilespmem:s24+$0x30]  }
0x4a: {  	s21 =	sshrl.u32 s31, $0x2;
	v10 =	vld [tilespmem:s24+$0x40]  }
0x4b: {  	s21 =	sor.u32 $0x8000, s21;
	v11 =	vld [tilespmem:s24+$0x50]  }
0x4c: {  	v8 =	vld [tilespmem:s24+$0x60];
	s22 =	sadd.s32 $0x0, s21  }
0x4d: {  	v1 =	vld.idx.msk [tilespmem:v0+s20+$0x410 ss:$0x1], $0xffff;
	[tilespmem:s22+$0x2080 ss:$0x41] =	vst.msk $0xffff, v4  }
0x4e: {  	v2 =	vld.idx.msk [tilespmem:v0+s20+$0x420 ss:$0x1], $0xffff;
	[tilespmem:s22+$0x0 ss:$0x41] =	vst.msk $0xffff, v5  }
0x4f: {  	v3 =	vld.idx.msk [tilespmem:v0+s20+$0x430 ss:$0x1], $0xffff;
	[tilespmem:s22+$0x410 ss:$0x41] =	vst.msk $0xffff, v6  }
0x50: {  	s18 =	smul.u32 $0x10400, s18;
	[tilespmem:s22+$0x820 ss:$0x41] =	vst.msk $0xffff, v7;
	v7 =	vld [tilespmem:s24+$0x70]  }
0x51: {  	s25 =	simm.s32 $0x100;
	s26 =	simm.s32 $0x8;
	[tilespmem:s22+$0xC30 ss:$0x41] =	vst.msk $0xffff, v9;
	v4 =	vld.idx.msk [tilespmem:v0+s20+$0x440 ss:$0x1], $0xffff  }
0x52: {  	s27 =	sand.u32 $0x3800, s25;
	s18 =	sshrl.u32 s18, $0x2;
	[tilespmem:s22+$0x1040 ss:$0x41] =	vst.msk $0xffff, v10;
	v5 =	vld.idx.msk [tilespmem:v0+s20+$0x450 ss:$0x1], $0xffff;
	s24 =	simm.s32 $0x80  }
0x53: {  	s23 =	simm.s32 $0x4;
	s18 =	sor.u32 $0x8000, s18;
	[tilespmem:s22+$0x1450 ss:$0x41] =	vst.msk $0xffff, v11;
	v6 =	vld.idx.msk [tilespmem:v0+s20+$0x460 ss:$0x1], $0xffff;
	s28 =	sand.u32 $0x380, s24  }
.LBB1_3:
0x54: {  	p1 =	sne.s32 s26, $0xFC;
	[tilespmem:s22+$0x1860 ss:$0x41] =	vst.msk $0xffff, v8;
	v8 =	vld.idx.msk [tilespmem:v0+s20+$0x470 ss:$0x1], $0xffff;
	s20 =	sor.u32 s28, s27  }
0x55: {  	s27 =	sand.u32 $0x3B00, s20;
	v9 =	vld.idx.msk [tilespmem:v0+s20+$0x410 ss:$0x1], $0xffff;
	[tilespmem:s22+$0x1C70 ss:$0x41] =	vst.msk $0xffff, v7  }
0x56: {  	s28 =	sand.u32 $0x80, s24;
	s27 =	sadd.s32 s27, s19;
	v7 =	vld.idx.msk [tilespmem:v0+s20+$0x420 ss:$0x1], $0xffff;
	[tilespmem:s22+$0x2490 ss:$0x41] =	vst.msk $0xffff, v1  }
0x57: {  	s27 =	sadd.s32 s28, s27;
	v10 =	vld.idx.msk [tilespmem:v0+s20+$0x430 ss:$0x1], $0xffff;
	[tilespmem:s22+$0x28A0 ss:$0x41] =	vst.msk $0xffff, v2  }
0x58: {  	v11 =	vld [tilespmem:s27+$0x400];
	[tilespmem:s22+$0x2CB0 ss:$0x41] =	vst.msk $0xffff, v3  }
0x59: {  	v12 =	vld [tilespmem:s27+$0x0];
	[tilespmem:s22+$0x30C0 ss:$0x41] =	vst.msk $0xffff, v4  }
0x5a: {  	v4 =	vld [tilespmem:s27+$0x10];
	[tilespmem:s22+$0x34D0 ss:$0x41] =	vst.msk $0xffff, v5  }
0x5b: {  	s28 =	sshra.s32 s23, $0x2;
	s23 =	smov.u32 s26;
	v1 =	vmov v9;
	v5 =	vld [tilespmem:s27+$0x20];
	[tilespmem:s22+$0x38E0 ss:$0x41] =	vst.msk $0xffff, v6  }
0x5c: {  	v2 =	vmov v7;
	v6 =	vld [tilespmem:s27+$0x30];
	[tilespmem:s22+$0x3CF0 ss:$0x41] =	vst.msk $0xffff, v8;
	s22 =	sadd.s32 s28, s21  }
0x5d: {  	v3 =	vmov v10;
	v9 =	vld [tilespmem:s27+$0x40];
	[tilespmem:s22+$0x2080 ss:$0x41] =	vst.msk $0xffff, v11  }
0x5e: {  	[tilespmem:s22+$0x0 ss:$0x41] =	vst.msk $0xffff, v12;
	v10 =	vld [tilespmem:s27+$0x50]  }
.Ltmp3:
0x5f: {  	[tilespmem:s22+$0x410 ss:$0x41] =	vst.msk $0xffff, v4;
	v8 =	vld [tilespmem:s27+$0x60];
	(pc) =	sbr.rel @p1 .LBB1_3-.Ltmp3, $4  }
0x60: {  	[tilespmem:s22+$0x820 ss:$0x41] =	vst.msk $0xffff, v5;
	v7 =	vld [tilespmem:s27+$0x70]  }
0x61: {  	[tilespmem:s22+$0xC30 ss:$0x41] =	vst.msk $0xffff, v6;
	v4 =	vld.idx.msk [tilespmem:v0+s20+$0x440 ss:$0x1], $0xffff  }
0x62: {  	s24 =	sadd.s32 $0x80, s24;
	s25 =	sadd.s32 $0x100, s25;
	[tilespmem:s22+$0x1040 ss:$0x41] =	vst.msk $0xffff, v9;
	v5 =	vld.idx.msk [tilespmem:v0+s20+$0x450 ss:$0x1], $0xffff  }
0x63: {  	s26 =	sadd.s32 $0x4, s26;
	s28 =	sand.u32 $0x380, s24;
	s27 =	sand.u32 $0x3800, s25;
	[tilespmem:s22+$0x1450 ss:$0x41] =	vst.msk $0xffff, v10;
	v6 =	vld.idx.msk [tilespmem:v0+s20+$0x460 ss:$0x1], $0xffff  }
.Ltmp4:
0x64: {  	_ = 	snop;
	(pc) =	sbr.rel .LBB1_4-.Ltmp4, $1  }
0x65: {  	_ =	sdelay $0x3  }
.LBB1_6:
0x66: {  	_ =	sfence.sel $0x180000  }
0x67: {  	s2 =	simm.s32 $0x1;
	[bflag:$0x0] =	sbarrier.arrive $0xFFFF  }
0x68: {  	s31 =	simm.s32 $0x2;
	[sflag:s2] =	ssyncpa.u1 $0x1  }
0x69: {  	[sflag:s31] =	ssyncpa.u1 $0x1  }
0x6a: {  	p0 =	sne.s32 s0, $0x0;
	_ =	strace $0x9000004D  }
0x6b: {  	s0 =	sadd.s32 @!p0 $0x100000, s1;
	[bflag:$0x2] =	sbarrier.arrive $0xFFFF  }
0x6c: {  	[sflag:s0] =	ssyncadd.tile.s32 @!p0 $0x1;
	_ =	shalt  }
.Lfunc_end1:
_tile_overlayer_lowered:
.L_overlay_start_2:
0x6d: {  	(tag) =	ssettag $0x2  }
0x6e: {  	s0 =	rddreg [dreg:$0x0];
	s2 =	stileid.u32  }
0x6f: {  	s1 =	rddreg [dreg:$0x1];
	p0 =	sne.s32 s2, $0x0  }
0x70: {  	s3 =	rddreg [dreg:$0x2];
	[bflag:$0x3] =	sbarrier.arrive $0xFFFF;
	s2 =	simm.s32 @!p0 $0x1C01  }
0x71: {  	[timem:s3], [sflag:s2] =	dma.local @!p0 [hbm:s0], s1  }
0x72: {  	s0 =	simm.s32 @!p0 $0x1  }
0x73: {  	_ =	swait.ge @!p0 [sflag:s0], s1  }
0x74: {  	s1 =	ssub.s32 @!p0 $0x0, s1;
	[sflag:s0] =	ssyncset.done @!p0 $0x0  }
0x75: {  	[sflag:s0] =	ssyncadd.s32 @!p0 s1  }
0x76: {  	[bflag:$0x3] =	sbarrier.arrive $0xFFFF  }
0x77: {  	_ =	shalt  }

</sc_bundles>
